<compile_context>
chip_gen: v7x
topology: tpu7x:2x2x1
jax: 0.10.2.dev20260603
libtpu: 0.0.44.dev20260713+nightly
codegen_flags: <defaults>
</compile_context>

<pallas_src>
import functools

import jax
import jax.numpy as jnp
from jax import lax
from jax.experimental import pallas as pl
from jax.experimental.pallas import tpu as pltpu, tpu_sc as plsc

NUM_SENTENCES = 1000000
EMBED_DIM = 64
BATCH = 16384

_info = plsc.get_sparse_core_info()
_NC, _NS = _info.num_cores, _info.num_subcores
_NW = _NC * _NS
_B_PER_W = BATCH // _NW
_IDX_CHUNK = 128
_NSLOT = 8

_mesh = plsc.VectorSubcoreMesh(core_axis_name="c", subcore_axis_name="s")

_slot_scratch = [pltpu.VMEM((8, 8, 128), jnp.float32) for _ in range(_NSLOT)]
_sem_scratch = [pltpu.SemaphoreType.DMA for _ in range(_NSLOT + 2)]


@functools.partial(
    pl.kernel,
    mesh=_mesh,
    out_type=(
        jax.ShapeDtypeStruct((EMBED_DIM, BATCH), jnp.float32),
        jax.ShapeDtypeStruct((EMBED_DIM, BATCH), jnp.float32),
    ),
    scratch_types=[
        pltpu.VMEM((_B_PER_W,), jnp.int32),
        pltpu.VMEM((EMBED_DIM, _B_PER_W), jnp.float32),
    ]
    + _slot_scratch
    + _sem_scratch,
    compiler_params=pltpu.CompilerParams(needs_layout_passes=False),
)
def _gather_cols(tbl3_hbm, idx_hbm, out_hbm, out2_hbm, idx_v, rows_v,
                 *slots_and_sems):
    slots = slots_and_sems[:_NSLOT]
    sems = slots_and_sems[_NSLOT:2 * _NSLOT]
    so1, so2 = slots_and_sems[2 * _NSLOT:]
    wid = lax.axis_index("s") * _NC + lax.axis_index("c")
    base = wid * _B_PER_W

    pltpu.sync_copy(idx_hbm.at[pl.ds(base, _B_PER_W)], idx_v)
    lane = lax.iota(jnp.int32, 16)

    bms = [m * 16 + lane for m in range(4)]
    rms = [lax.shift_right_logical(b, 3) for b in bms]
    rrms = [lax.bitwise_and(b, 7) for b in bms]

    def issue(v, s):
        cs = pl.multiple_of(lax.shift_right_logical(v, 7) * 128, 128)
        pltpu.async_copy(
            tbl3_hbm.at[pl.ds(0, 8), pl.ds(0, 8), pl.ds(cs, 128)],
            slots[s],
            sems[s],
        )

    def wait(s):
        pltpu.make_async_copy(
            tbl3_hbm.at[pl.ds(0, 8), pl.ds(0, 8), pl.ds(0, 128)],
            slots[s],
            sems[s],
        ).wait()

    def extract(w, j, s):
        spl = jnp.broadcast_to(lax.bitwise_and(w, 127), (16,))
        jspl = jnp.broadcast_to(jnp.int32(j), (16,))
        for m in range(4):
            val = plsc.load_gather(slots[s], [rms[m], rrms[m], spl])
            plsc.store_scatter(rows_v, [bms[m], jspl], val)

    vec0 = idx_v[pl.ds(0, 16)]
    for l in range(8):
        issue(vec0[l], l)
    for l in range(8, 16):
        s = l - 8
        wait(s)
        extract(vec0[s], s, s)
        issue(vec0[l], s)

    def body(g, vec_prev):
        vec = idx_v[pl.ds(g * 16, 16)]
        for l in range(8):
            wait(l)
            extract(vec_prev[8 + l], g * 16 + l - 8, l)
            issue(vec[l], l)
        for l in range(8, 16):
            s = l - 8
            wait(s)
            extract(vec[s], g * 16 + l - 8, s)
            issue(vec[l], s)
        return vec

    vec_last = lax.fori_loop(1, _B_PER_W // 16, body, vec0)
    for l in range(8):
        wait(l)
        extract(vec_last[8 + l], _B_PER_W - 8 + l, l)

    c1 = pltpu.async_copy(
        rows_v, out_hbm.at[pl.ds(0, EMBED_DIM), pl.ds(base, _B_PER_W)], so1
    )
    c2 = pltpu.async_copy(
        rows_v, out2_hbm.at[pl.ds(0, EMBED_DIM), pl.ds(base, _B_PER_W)], so2
    )
    c1.wait()
    c2.wait()


def kernel(input_ids, table):
    tbl3 = table.T.reshape(8, 8, NUM_SENTENCES)
    idx = jnp.reshape(input_ids.astype(jnp.int32), (-1,))
    out_t, out2_t = _gather_cols(tbl3, idx)
    return (out_t.T, out2_t.T[:, None, :])

# --- scband reference (transcript-rebuilt; emitter-appended) ---
"""Pipeline reference for scband-one-hot-text-encoder-70660801954577 (READ-ONLY COPY).

The authoritative reference and input builder live on the scoring server;
editing this copy changes nothing except your own understanding.
"""

import jax, jax.numpy as jnp
import numpy as np

NUM_SENTENCES = 1000000
EMBED_DIM = 64
BATCH = 16384

def setup_inputs(seed: int = 0) -> dict:
    key = jax.random.key(seed)
    k_idx, k_tab = jax.random.split(key)
    input_ids = jax.random.randint(k_idx, (BATCH, 1), 0, NUM_SENTENCES, dtype=jnp.int64 if jax.config.jax_enable_x64 else jnp.int32)
    table = jax.random.normal(k_tab, (NUM_SENTENCES, EMBED_DIM), dtype=jnp.float32)
    return {"input_ids": input_ids, "table": table}

def reference(input_ids, table):
    # vec = self.embeddings(input_ids.squeeze(-1))
    idx = jnp.squeeze(input_ids, axis=-1)
    vec = jnp.take(table, idx, axis=0)
    pooler_output = vec
    last_hidden_state = vec[:, None, :]  # unsqueeze(1)
    return (pooler_output, last_hidden_state)

if __name__ == "__main__":
    import jax
    _d = setup_inputs()
    print(jax.jit(kernel)(*tuple(_d.values())))

</pallas_src>

<mosaic_0001>
#map = affine_map<(d0, d1) -> (0, 0, 0)>
#map1 = affine_map<(d0, d1) -> (0)>
#map2 = affine_map<(d0, d1) -> (0, 0)>
module attributes {stable_mosaic.version = 14 : i64} {
  func.func @_gather_cols(%arg0: i32, %arg1: i32, %arg2: memref<8x8x1000000xf32, #tpu.memory_space<hbm>>, %arg3: memref<16384xi32, #tpu.memory_space<hbm>>, %arg4: memref<64x16384xf32, #tpu.memory_space<hbm>>, %arg5: memref<64x16384xf32, #tpu.memory_space<hbm>>, %arg6: memref<512xi32, #tpu.memory_space<vmem>>, %arg7: memref<64x512xf32, #tpu.memory_space<vmem>>, %arg8: memref<8x8x128xf32, #tpu.memory_space<vmem>>, %arg9: memref<8x8x128xf32, #tpu.memory_space<vmem>>, %arg10: memref<8x8x128xf32, #tpu.memory_space<vmem>>, %arg11: memref<8x8x128xf32, #tpu.memory_space<vmem>>, %arg12: memref<8x8x128xf32, #tpu.memory_space<vmem>>, %arg13: memref<8x8x128xf32, #tpu.memory_space<vmem>>, %arg14: memref<8x8x128xf32, #tpu.memory_space<vmem>>, %arg15: memref<8x8x128xf32, #tpu.memory_space<vmem>>, %arg16: memref<!tpu.dma_semaphore, #tpu.memory_space<semaphore_mem>>, %arg17: memref<!tpu.dma_semaphore, #tpu.memory_space<semaphore_mem>>, %arg18: memref<!tpu.dma_semaphore, #tpu.memory_space<semaphore_mem>>, %arg19: memref<!tpu.dma_semaphore, #tpu.memory_space<semaphore_mem>>, %arg20: memref<!tpu.dma_semaphore, #tpu.memory_space<semaphore_mem>>, %arg21: memref<!tpu.dma_semaphore, #tpu.memory_space<semaphore_mem>>, %arg22: memref<!tpu.dma_semaphore, #tpu.memory_space<semaphore_mem>>, %arg23: memref<!tpu.dma_semaphore, #tpu.memory_space<semaphore_mem>>, %arg24: memref<!tpu.dma_semaphore, #tpu.memory_space<semaphore_mem>>, %arg25: memref<!tpu.dma_semaphore, #tpu.memory_space<semaphore_mem>>) attributes {dimension_semantics = [#tpu.dimension_semantics<core_parallel>, #tpu.dimension_semantics<subcore_parallel>], iteration_bounds = array<i64: 2, 16>, scalar_prefetch = 0 : i64, scratch_operands = 20 : i64, tpu.core_type = #tpu.core_type<sc_vector_subcore>, window_params = [{transform_indices = #map}, {transform_indices = #map1}, {transform_indices = #map2}, {transform_indices = #map2}]} {
    %mul3A = arith.constant 2 : i32
    %mul3A_0 = arith.muli %arg1, %mul3A : i32
    %add3A = arith.addi %mul3A_0, %arg0 : i32
    %mul3A_1 = arith.constant 512 : i32
    %mul3A_2 = arith.muli %add3A, %mul3A_1 : i32
    "tpu.region"() ({
      %run_scoped3A = tpu.sem_alloc : memref<!tpu.dma_semaphore, #tpu.memory_space<semaphore_mem>>
      %dma_start3A_564 = tpu.memref_slice %arg3[%mul3A_2] : memref<16384xi32, #tpu.memory_space<hbm>> -> memref<512xi32, #tpu.memory_space<hbm>>
      %dma_start3A_565 = tpu.memref_slice %arg3[%mul3A_2] : memref<16384xi32, #tpu.memory_space<hbm>> -> memref<512xi32, #tpu.memory_space<hbm>>
      tpu.enqueue_dma source(%dma_start3A_565 : memref<512xi32, #tpu.memory_space<hbm>>) target(%arg6 : memref<512xi32, #tpu.memory_space<vmem>>) target_semaphore(%run_scoped3A : memref<!tpu.dma_semaphore, #tpu.memory_space<semaphore_mem>>)
      %dma_wait3A_566 = tpu.memref_slice %arg3[%mul3A_2] : memref<16384xi32, #tpu.memory_space<hbm>> -> memref<512xi32, #tpu.memory_space<hbm>>
      %dma_wait3A_567 = tpu.memref_slice %arg3[%mul3A_2] : memref<16384xi32, #tpu.memory_space<hbm>> -> memref<512xi32, #tpu.memory_space<hbm>>
      tpu.wait_dma2 semaphore(%run_scoped3A : memref<!tpu.dma_semaphore, #tpu.memory_space<semaphore_mem>>) src(%dma_wait3A_567 : memref<512xi32, #tpu.memory_space<hbm>>) dst(%arg6 : memref<512xi32, #tpu.memory_space<vmem>>)
      tpu.yield
    }) : () -> ()
    %iota3A = tpu.iota {dimensions = array<i32: 0>} : vector<16xi32>
    %add3A_3 = arith.constant 0 : i32
    %add3A_4 = vector.broadcast %add3A_3 : i32 to vector<16xi32>
    %add3A_5 = arith.addi %add3A_4, %iota3A : vector<16xi32>
    %add3A_6 = arith.constant 16 : i32
    %add3A_7 = vector.broadcast %add3A_6 : i32 to vector<16xi32>
    %add3A_8 = arith.addi %add3A_7, %iota3A : vector<16xi32>
    %add3A_9 = arith.constant 32 : i32
    %add3A_10 = vector.broadcast %add3A_9 : i32 to vector<16xi32>
    %add3A_11 = arith.addi %add3A_10, %iota3A : vector<16xi32>
    %add3A_12 = arith.constant 48 : i32
    %add3A_13 = vector.broadcast %add3A_12 : i32 to vector<16xi32>
    %add3A_14 = arith.addi %add3A_13, %iota3A : vector<16xi32>
    %shift_right_logical3A = arith.constant 3 : i32
    %shift_right_logical3A_15 = vector.broadcast %shift_right_logical3A : i32 to vector<16xi32>
    %shift_right_logical3A_16 = arith.shrui %add3A_5, %shift_right_logical3A_15 : vector<16xi32>
    %shift_right_logical3A_17 = arith.constant 3 : i32
    %shift_right_logical3A_18 = vector.broadcast %shift_right_logical3A_17 : i32 to vector<16xi32>
    %shift_right_logical3A_19 = arith.shrui %add3A_8, %shift_right_logical3A_18 : vector<16xi32>
    %shift_right_logical3A_20 = arith.constant 3 : i32
    %shift_right_logical3A_21 = vector.broadcast %shift_right_logical3A_20 : i32 to vector<16xi32>
    %shift_right_logical3A_22 = arith.shrui %add3A_11, %shift_right_logical3A_21 : vector<16xi32>
    %shift_right_logical3A_23 = arith.constant 3 : i32
    %shift_right_logical3A_24 = vector.broadcast %shift_right_logical3A_23 : i32 to vector<16xi32>
    %shift_right_logical3A_25 = arith.shrui %add3A_14, %shift_right_logical3A_24 : vector<16xi32>
    %and3A = arith.constant 7 : i32
    %and3A_26 = vector.broadcast %and3A : i32 to vector<16xi32>
    %and3A_27 = arith.andi %add3A_5, %and3A_26 : vector<16xi32>
    %and3A_28 = arith.constant 7 : i32
    %and3A_29 = vector.broadcast %and3A_28 : i32 to vector<16xi32>
    %and3A_30 = arith.andi %add3A_8, %and3A_29 : vector<16xi32>
    %and3A_31 = arith.constant 7 : i32
    %and3A_32 = vector.broadcast %and3A_31 : i32 to vector<16xi32>
    %and3A_33 = arith.andi %add3A_11, %and3A_32 : vector<16xi32>
    %and3A_34 = arith.constant 7 : i32
    %and3A_35 = vector.broadcast %and3A_34 : i32 to vector<16xi32>
    %and3A_36 = arith.andi %add3A_14, %and3A_35 : vector<16xi32>
    %get3A = arith.constant 0 : index
    %get3A_37 = tpu.vector_load %arg6[%get3A] {strides = array<i32>} : memref<512xi32, #tpu.memory_space<vmem>>, vector<16xi32>,
    %slice3A = vector.extract_strided_slice %get3A_37 {offsets = [0], sizes = [1], strides = [1]} : vector<16xi32> to vector<1xi32>
    %squeeze3A = vector.extract %slice3A[0] : i32 from vector<1xi32>
    %shift_right_logical3A_38 = arith.constant 7 : i32
    %shift_right_logical3A_39 = arith.shrui %squeeze3A, %shift_right_logical3A_38 : i32
    %mul3A_40 = arith.constant 128 : i32
    %mul3A_41 = arith.muli %shift_right_logical3A_39, %mul3A_40 : i32
    %multiple_of3A = tpu.assume_multiple %mul3A_41, 128 : i32
    %dma_start3A = arith.constant 0 : i32
    %dma_start3A_42 = arith.constant 0 : i32
    %dma_start3A_43 = tpu.memref_slice %arg2[%dma_start3A, %dma_start3A_42, %multiple_of3A] : memref<8x8x1000000xf32, #tpu.memory_space<hbm>> -> memref<8x8x128xf32, #tpu.memory_space<hbm>>
    %dma_start3A_44 = arith.constant 0 : i32
    %dma_start3A_45 = arith.constant 0 : i32
    %dma_start3A_46 = tpu.memref_slice %arg2[%dma_start3A_44, %dma_start3A_45, %multiple_of3A] : memref<8x8x1000000xf32, #tpu.memory_space<hbm>> -> memref<8x8x128xf32, #tpu.memory_space<hbm>>
    tpu.enqueue_dma source(%dma_start3A_46 : memref<8x8x128xf32, #tpu.memory_space<hbm>>) target(%arg8 : memref<8x8x128xf32, #tpu.memory_space<vmem>>) target_semaphore(%arg16 : memref<!tpu.dma_semaphore, #tpu.memory_space<semaphore_mem>>)
    %slice3A_47 = vector.extract_strided_slice %get3A_37 {offsets = [1], sizes = [1], strides = [1]} : vector<16xi32> to vector<1xi32>
    %squeeze3A_48 = vector.extract %slice3A_47[0] : i32 from vector<1xi32>
    %shift_right_logical3A_49 = arith.constant 7 : i32
    %shift_right_logical3A_50 = arith.shrui %squeeze3A_48, %shift_right_logical3A_49 : i32
    %mul3A_51 = arith.constant 128 : i32
    %mul3A_52 = arith.muli %shift_right_logical3A_50, %mul3A_51 : i32
    %multiple_of3A_53 = tpu.assume_multiple %mul3A_52, 128 : i32
    %dma_start3A_54 = arith.constant 0 : i32
    %dma_start3A_55 = arith.constant 0 : i32
    %dma_start3A_56 = tpu.memref_slice %arg2[%dma_start3A_54, %dma_start3A_55, %multiple_of3A_53] : memref<8x8x1000000xf32, #tpu.memory_space<hbm>> -> memref<8x8x128xf32, #tpu.memory_space<hbm>>
    %dma_start3A_57 = arith.constant 0 : i32
    %dma_start3A_58 = arith.constant 0 : i32
    %dma_start3A_59 = tpu.memref_slice %arg2[%dma_start3A_57, %dma_start3A_58, %multiple_of3A_53] : memref<8x8x1000000xf32, #tpu.memory_space<hbm>> -> memref<8x8x128xf32, #tpu.memory_space<hbm>>
    tpu.enqueue_dma source(%dma_start3A_59 : memref<8x8x128xf32, #tpu.memory_space<hbm>>) target(%arg9 : memref<8x8x128xf32, #tpu.memory_space<vmem>>) target_semaphore(%arg17 : memref<!tpu.dma_semaphore, #tpu.memory_space<semaphore_mem>>)
    %slice3A_60 = vector.extract_strided_slice %get3A_37 {offsets = [2], sizes = [1], strides = [1]} : vector<16xi32> to vector<1xi32>
    %squeeze3A_61 = vector.extract %slice3A_60[0] : i32 from vector<1xi32>
    %shift_right_logical3A_62 = arith.constant 7 : i32
    %shift_right_logical3A_63 = arith.shrui %squeeze3A_61, %shift_right_logical3A_62 : i32
    %mul3A_64 = arith.constant 128 : i32
    %mul3A_65 = arith.muli %shift_right_logical3A_63, %mul3A_64 : i32
    %multiple_of3A_66 = tpu.assume_multiple %mul3A_65, 128 : i32
    %dma_start3A_67 = arith.constant 0 : i32
    %dma_start3A_68 = arith.constant 0 : i32
    %dma_start3A_69 = tpu.memref_slice %arg2[%dma_start3A_67, %dma_start3A_68, %multiple_of3A_66] : memref<8x8x1000000xf32, #tpu.memory_space<hbm>> -> memref<8x8x128xf32, #tpu.memory_space<hbm>>
    %dma_start3A_70 = arith.constant 0 : i32
    %dma_start3A_71 = arith.constant 0 : i32
    %dma_start3A_72 = tpu.memref_slice %arg2[%dma_start3A_70, %dma_start3A_71, %multiple_of3A_66] : memref<8x8x1000000xf32, #tpu.memory_space<hbm>> -> memref<8x8x128xf32, #tpu.memory_space<hbm>>
    tpu.enqueue_dma source(%dma_start3A_72 : memref<8x8x128xf32, #tpu.memory_space<hbm>>) target(%arg10 : memref<8x8x128xf32, #tpu.memory_space<vmem>>) target_semaphore(%arg18 : memref<!tpu.dma_semaphore, #tpu.memory_space<semaphore_mem>>)
    %slice3A_73 = vector.extract_strided_slice %get3A_37 {offsets = [3], sizes = [1], strides = [1]} : vector<16xi32> to vector<1xi32>
    %squeeze3A_74 = vector.extract %slice3A_73[0] : i32 from vector<1xi32>
    %shift_right_logical3A_75 = arith.constant 7 : i32
    %shift_right_logical3A_76 = arith.shrui %squeeze3A_74, %shift_right_logical3A_75 : i32
    %mul3A_77 = arith.constant 128 : i32
    %mul3A_78 = arith.muli %shift_right_logical3A_76, %mul3A_77 : i32
    %multiple_of3A_79 = tpu.assume_multiple %mul3A_78, 128 : i32
    %dma_start3A_80 = arith.constant 0 : i32
    %dma_start3A_81 = arith.constant 0 : i32
    %dma_start3A_82 = tpu.memref_slice %arg2[%dma_start3A_80, %dma_start3A_81, %multiple_of3A_79] : memref<8x8x1000000xf32, #tpu.memory_space<hbm>> -> memref<8x8x128xf32, #tpu.memory_space<hbm>>
    %dma_start3A_83 = arith.constant 0 : i32
    %dma_start3A_84 = arith.constant 0 : i32
    %dma_start3A_85 = tpu.memref_slice %arg2[%dma_start3A_83, %dma_start3A_84, %multiple_of3A_79] : memref<8x8x1000000xf32, #tpu.memory_space<hbm>> -> memref<8x8x128xf32, #tpu.memory_space<hbm>>
    tpu.enqueue_dma source(%dma_start3A_85 : memref<8x8x128xf32, #tpu.memory_space<hbm>>) target(%arg11 : memref<8x8x128xf32, #tpu.memory_space<vmem>>) target_semaphore(%arg19 : memref<!tpu.dma_semaphore, #tpu.memory_space<semaphore_mem>>)
    %slice3A_86 = vector.extract_strided_slice %get3A_37 {offsets = [4], sizes = [1], strides = [1]} : vector<16xi32> to vector<1xi32>
    %squeeze3A_87 = vector.extract %slice3A_86[0] : i32 from vector<1xi32>
    %shift_right_logical3A_88 = arith.constant 7 : i32
    %shift_right_logical3A_89 = arith.shrui %squeeze3A_87, %shift_right_logical3A_88 : i32
    %mul3A_90 = arith.constant 128 : i32
    %mul3A_91 = arith.muli %shift_right_logical3A_89, %mul3A_90 : i32
    %multiple_of3A_92 = tpu.assume_multiple %mul3A_91, 128 : i32
    %dma_start3A_93 = arith.constant 0 : i32
    %dma_start3A_94 = arith.constant 0 : i32
    %dma_start3A_95 = tpu.memref_slice %arg2[%dma_start3A_93, %dma_start3A_94, %multiple_of3A_92] : memref<8x8x1000000xf32, #tpu.memory_space<hbm>> -> memref<8x8x128xf32, #tpu.memory_space<hbm>>
    %dma_start3A_96 = arith.constant 0 : i32
    %dma_start3A_97 = arith.constant 0 : i32
    %dma_start3A_98 = tpu.memref_slice %arg2[%dma_start3A_96, %dma_start3A_97, %multiple_of3A_92] : memref<8x8x1000000xf32, #tpu.memory_space<hbm>> -> memref<8x8x128xf32, #tpu.memory_space<hbm>>
    tpu.enqueue_dma source(%dma_start3A_98 : memref<8x8x128xf32, #tpu.memory_space<hbm>>) target(%arg12 : memref<8x8x128xf32, #tpu.memory_space<vmem>>) target_semaphore(%arg20 : memref<!tpu.dma_semaphore, #tpu.memory_space<semaphore_mem>>)
    %slice3A_99 = vector.extract_strided_slice %get3A_37 {offsets = [5], sizes = [1], strides = [1]} : vector<16xi32> to vector<1xi32>
    %squeeze3A_100 = vector.extract %slice3A_99[0] : i32 from vector<1xi32>
    %shift_right_logical3A_101 = arith.constant 7 : i32
    %shift_right_logical3A_102 = arith.shrui %squeeze3A_100, %shift_right_logical3A_101 : i32
    %mul3A_103 = arith.constant 128 : i32
    %mul3A_104 = arith.muli %shift_right_logical3A_102, %mul3A_103 : i32
    %multiple_of3A_105 = tpu.assume_multiple %mul3A_104, 128 : i32
    %dma_start3A_106 = arith.constant 0 : i32
    %dma_start3A_107 = arith.constant 0 : i32
    %dma_start3A_108 = tpu.memref_slice %arg2[%dma_start3A_106, %dma_start3A_107, %multiple_of3A_105] : memref<8x8x1000000xf32, #tpu.memory_space<hbm>> -> memref<8x8x128xf32, #tpu.memory_space<hbm>>
    %dma_start3A_109 = arith.constant 0 : i32
    %dma_start3A_110 = arith.constant 0 : i32
    %dma_start3A_111 = tpu.memref_slice %arg2[%dma_start3A_109, %dma_start3A_110, %multiple_of3A_105] : memref<8x8x1000000xf32, #tpu.memory_space<hbm>> -> memref<8x8x128xf32, #tpu.memory_space<hbm>>
    tpu.enqueue_dma source(%dma_start3A_111 : memref<8x8x128xf32, #tpu.memory_space<hbm>>) target(%arg13 : memref<8x8x128xf32, #tpu.memory_space<vmem>>) target_semaphore(%arg21 : memref<!tpu.dma_semaphore, #tpu.memory_space<semaphore_mem>>)
    %slice3A_112 = vector.extract_strided_slice %get3A_37 {offsets = [6], sizes = [1], strides = [1]} : vector<16xi32> to vector<1xi32>
    %squeeze3A_113 = vector.extract %slice3A_112[0] : i32 from vector<1xi32>
    %shift_right_logical3A_114 = arith.constant 7 : i32
    %shift_right_logical3A_115 = arith.shrui %squeeze3A_113, %shift_right_logical3A_114 : i32
    %mul3A_116 = arith.constant 128 : i32
    %mul3A_117 = arith.muli %shift_right_logical3A_115, %mul3A_116 : i32
    %multiple_of3A_118 = tpu.assume_multiple %mul3A_117, 128 : i32
    %dma_start3A_119 = arith.constant 0 : i32
    %dma_start3A_120 = arith.constant 0 : i32
    %dma_start3A_121 = tpu.memref_slice %arg2[%dma_start3A_119, %dma_start3A_120, %multiple_of3A_118] : memref<8x8x1000000xf32, #tpu.memory_space<hbm>> -> memref<8x8x128xf32, #tpu.memory_space<hbm>>
    %dma_start3A_122 = arith.constant 0 : i32
    %dma_start3A_123 = arith.constant 0 : i32
    %dma_start3A_124 = tpu.memref_slice %arg2[%dma_start3A_122, %dma_start3A_123, %multiple_of3A_118] : memref<8x8x1000000xf32, #tpu.memory_space<hbm>> -> memref<8x8x128xf32, #tpu.memory_space<hbm>>
    tpu.enqueue_dma source(%dma_start3A_124 : memref<8x8x128xf32, #tpu.memory_space<hbm>>) target(%arg14 : memref<8x8x128xf32, #tpu.memory_space<vmem>>) target_semaphore(%arg22 : memref<!tpu.dma_semaphore, #tpu.memory_space<semaphore_mem>>)
    %slice3A_125 = vector.extract_strided_slice %get3A_37 {offsets = [7], sizes = [1], strides = [1]} : vector<16xi32> to vector<1xi32>
    %squeeze3A_126 = vector.extract %slice3A_125[0] : i32 from vector<1xi32>
    %shift_right_logical3A_127 = arith.constant 7 : i32
    %shift_right_logical3A_128 = arith.shrui %squeeze3A_126, %shift_right_logical3A_127 : i32
    %mul3A_129 = arith.constant 128 : i32
    %mul3A_130 = arith.muli %shift_right_logical3A_128, %mul3A_129 : i32
    %multiple_of3A_131 = tpu.assume_multiple %mul3A_130, 128 : i32
    %dma_start3A_132 = arith.constant 0 : i32
    %dma_start3A_133 = arith.constant 0 : i32
    %dma_start3A_134 = tpu.memref_slice %arg2[%dma_start3A_132, %dma_start3A_133, %multiple_of3A_131] : memref<8x8x1000000xf32, #tpu.memory_space<hbm>> -> memref<8x8x128xf32, #tpu.memory_space<hbm>>
    %dma_start3A_135 = arith.constant 0 : i32
    %dma_start3A_136 = arith.constant 0 : i32
    %dma_start3A_137 = tpu.memref_slice %arg2[%dma_start3A_135, %dma_start3A_136, %multiple_of3A_131] : memref<8x8x1000000xf32, #tpu.memory_space<hbm>> -> memref<8x8x128xf32, #tpu.memory_space<hbm>>
    tpu.enqueue_dma source(%dma_start3A_137 : memref<8x8x128xf32, #tpu.memory_space<hbm>>) target(%arg15 : memref<8x8x128xf32, #tpu.memory_space<vmem>>) target_semaphore(%arg23 : memref<!tpu.dma_semaphore, #tpu.memory_space<semaphore_mem>>)
    %dma_wait3A = arith.constant 0 : i32
    %dma_wait3A_138 = arith.constant 0 : i32
    %dma_wait3A_139 = arith.constant 0 : i32
    %dma_wait3A_140 = tpu.memref_slice %arg2[%dma_wait3A, %dma_wait3A_138, %dma_wait3A_139] : memref<8x8x1000000xf32, #tpu.memory_space<hbm>> -> memref<8x8x128xf32, #tpu.memory_space<hbm>>
    %dma_wait3A_141 = arith.constant 0 : i32
    %dma_wait3A_142 = arith.constant 0 : i32
    %dma_wait3A_143 = arith.constant 0 : i32
    %dma_wait3A_144 = tpu.memref_slice %arg2[%dma_wait3A_141, %dma_wait3A_142, %dma_wait3A_143] : memref<8x8x1000000xf32, #tpu.memory_space<hbm>> -> memref<8x8x128xf32, #tpu.memory_space<hbm>>
    tpu.wait_dma2 semaphore(%arg16 : memref<!tpu.dma_semaphore, #tpu.memory_space<semaphore_mem>>) src(%dma_wait3A_144 : memref<8x8x128xf32, #tpu.memory_space<hbm>>) dst(%arg8 : memref<8x8x128xf32, #tpu.memory_space<vmem>>)
    %slice3A_145 = vector.extract_strided_slice %get3A_37 {offsets = [0], sizes = [1], strides = [1]} : vector<16xi32> to vector<1xi32>
    %squeeze3A_146 = vector.extract %slice3A_145[0] : i32 from vector<1xi32>
    %and3A_147 = arith.constant 127 : i32
    %and3A_148 = arith.andi %squeeze3A_146, %and3A_147 : i32
    %broadcast_in_dim3A = vector.broadcast %and3A_148 : i32 to vector<16xi32>
    %broadcast_in_dim3A_149 = arith.constant 0 : i32
    %broadcast_in_dim3A_150 = vector.broadcast %broadcast_in_dim3A_149 : i32 to vector<16xi32>
    %gather3A = tpu.vector_load_idx %arg8[%shift_right_logical3A_16, %and3A_27, %broadcast_in_dim3A] : memref<8x8x128xf32, #tpu.memory_space<vmem>>[vector<16xi32>, vector<16xi32>, vector<16xi32>], vector<16xf32>,
    tpu.vector_store_idx %arg7[%add3A_5, %broadcast_in_dim3A_150], %gather3A : memref<64x512xf32, #tpu.memory_space<vmem>>[vector<16xi32>, vector<16xi32>], vector<16xf32>,
    %gather3A_151 = tpu.vector_load_idx %arg8[%shift_right_logical3A_19, %and3A_30, %broadcast_in_dim3A] : memref<8x8x128xf32, #tpu.memory_space<vmem>>[vector<16xi32>, vector<16xi32>, vector<16xi32>], vector<16xf32>,
    tpu.vector_store_idx %arg7[%add3A_8, %broadcast_in_dim3A_150], %gather3A_151 : memref<64x512xf32, #tpu.memory_space<vmem>>[vector<16xi32>, vector<16xi32>], vector<16xf32>,
    %gather3A_152 = tpu.vector_load_idx %arg8[%shift_right_logical3A_22, %and3A_33, %broadcast_in_dim3A] : memref<8x8x128xf32, #tpu.memory_space<vmem>>[vector<16xi32>, vector<16xi32>, vector<16xi32>], vector<16xf32>,
    tpu.vector_store_idx %arg7[%add3A_11, %broadcast_in_dim3A_150], %gather3A_152 : memref<64x512xf32, #tpu.memory_space<vmem>>[vector<16xi32>, vector<16xi32>], vector<16xf32>,
    %gather3A_153 = tpu.vector_load_idx %arg8[%shift_right_logical3A_25, %and3A_36, %broadcast_in_dim3A] : memref<8x8x128xf32, #tpu.memory_space<vmem>>[vector<16xi32>, vector<16xi32>, vector<16xi32>], vector<16xf32>,
    tpu.vector_store_idx %arg7[%add3A_14, %broadcast_in_dim3A_150], %gather3A_153 : memref<64x512xf32, #tpu.memory_space<vmem>>[vector<16xi32>, vector<16xi32>], vector<16xf32>,
    %slice3A_154 = vector.extract_strided_slice %get3A_37 {offsets = [8], sizes = [1], strides = [1]} : vector<16xi32> to vector<1xi32>
    %squeeze3A_155 = vector.extract %slice3A_154[0] : i32 from vector<1xi32>
    %shift_right_logical3A_156 = arith.constant 7 : i32
    %shift_right_logical3A_157 = arith.shrui %squeeze3A_155, %shift_right_logical3A_156 : i32
    %mul3A_158 = arith.constant 128 : i32
    %mul3A_159 = arith.muli %shift_right_logical3A_157, %mul3A_158 : i32
    %multiple_of3A_160 = tpu.assume_multiple %mul3A_159, 128 : i32
    %dma_start3A_161 = arith.constant 0 : i32
    %dma_start3A_162 = arith.constant 0 : i32
    %dma_start3A_163 = tpu.memref_slice %arg2[%dma_start3A_161, %dma_start3A_162, %multiple_of3A_160] : memref<8x8x1000000xf32, #tpu.memory_space<hbm>> -> memref<8x8x128xf32, #tpu.memory_space<hbm>>
    %dma_start3A_164 = arith.constant 0 : i32
    %dma_start3A_165 = arith.constant 0 : i32
    %dma_start3A_166 = tpu.memref_slice %arg2[%dma_start3A_164, %dma_start3A_165, %multiple_of3A_160] : memref<8x8x1000000xf32, #tpu.memory_space<hbm>> -> memref<8x8x128xf32, #tpu.memory_space<hbm>>
    tpu.enqueue_dma source(%dma_start3A_166 : memref<8x8x128xf32, #tpu.memory_space<hbm>>) target(%arg8 : memref<8x8x128xf32, #tpu.memory_space<vmem>>) target_semaphore(%arg16 : memref<!tpu.dma_semaphore, #tpu.memory_space<semaphore_mem>>)
    %dma_wait3A_167 = arith.constant 0 : i32
    %dma_wait3A_168 = arith.constant 0 : i32
    %dma_wait3A_169 = arith.constant 0 : i32
    %dma_wait3A_170 = tpu.memref_slice %arg2[%dma_wait3A_167, %dma_wait3A_168, %dma_wait3A_169] : memref<8x8x1000000xf32, #tpu.memory_space<hbm>> -> memref<8x8x128xf32, #tpu.memory_space<hbm>>
    %dma_wait3A_171 = arith.constant 0 : i32
    %dma_wait3A_172 = arith.constant 0 : i32
    %dma_wait3A_173 = arith.constant 0 : i32
    %dma_wait3A_174 = tpu.memref_slice %arg2[%dma_wait3A_171, %dma_wait3A_172, %dma_wait3A_173] : memref<8x8x1000000xf32, #tpu.memory_space<hbm>> -> memref<8x8x128xf32, #tpu.memory_space<hbm>>
    tpu.wait_dma2 semaphore(%arg17 : memref<!tpu.dma_semaphore, #tpu.memory_space<semaphore_mem>>) src(%dma_wait3A_174 : memref<8x8x128xf32, #tpu.memory_space<hbm>>) dst(%arg9 : memref<8x8x128xf32, #tpu.memory_space<vmem>>)
    %slice3A_175 = vector.extract_strided_slice %get3A_37 {offsets = [1], sizes = [1], strides = [1]} : vector<16xi32> to vector<1xi32>
    %squeeze3A_176 = vector.extract %slice3A_175[0] : i32 from vector<1xi32>
    %and3A_177 = arith.constant 127 : i32
    %and3A_178 = arith.andi %squeeze3A_176, %and3A_177 : i32
    %broadcast_in_dim3A_179 = vector.broadcast %and3A_178 : i32 to vector<16xi32>
    %broadcast_in_dim3A_180 = arith.constant 1 : i32
    %broadcast_in_dim3A_181 = vector.broadcast %broadcast_in_dim3A_180 : i32 to vector<16xi32>
    %gather3A_182 = tpu.vector_load_idx %arg9[%shift_right_logical3A_16, %and3A_27, %broadcast_in_dim3A_179] : memref<8x8x128xf32, #tpu.memory_space<vmem>>[vector<16xi32>, vector<16xi32>, vector<16xi32>], vector<16xf32>,
    tpu.vector_store_idx %arg7[%add3A_5, %broadcast_in_dim3A_181], %gather3A_182 : memref<64x512xf32, #tpu.memory_space<vmem>>[vector<16xi32>, vector<16xi32>], vector<16xf32>,
    %gather3A_183 = tpu.vector_load_idx %arg9[%shift_right_logical3A_19, %and3A_30, %broadcast_in_dim3A_179] : memref<8x8x128xf32, #tpu.memory_space<vmem>>[vector<16xi32>, vector<16xi32>, vector<16xi32>], vector<16xf32>,
    tpu.vector_store_idx %arg7[%add3A_8, %broadcast_in_dim3A_181], %gather3A_183 : memref<64x512xf32, #tpu.memory_space<vmem>>[vector<16xi32>, vector<16xi32>], vector<16xf32>,
    %gather3A_184 = tpu.vector_load_idx %arg9[%shift_right_logical3A_22, %and3A_33, %broadcast_in_dim3A_179] : memref<8x8x128xf32, #tpu.memory_space<vmem>>[vector<16xi32>, vector<16xi32>, vector<16xi32>], vector<16xf32>,
    tpu.vector_store_idx %arg7[%add3A_11, %broadcast_in_dim3A_181], %gather3A_184 : memref<64x512xf32, #tpu.memory_space<vmem>>[vector<16xi32>, vector<16xi32>], vector<16xf32>,
    %gather3A_185 = tpu.vector_load_idx %arg9[%shift_right_logical3A_25, %and3A_36, %broadcast_in_dim3A_179] : memref<8x8x128xf32, #tpu.memory_space<vmem>>[vector<16xi32>, vector<16xi32>, vector<16xi32>], vector<16xf32>,
    tpu.vector_store_idx %arg7[%add3A_14, %broadcast_in_dim3A_181], %gather3A_185 : memref<64x512xf32, #tpu.memory_space<vmem>>[vector<16xi32>, vector<16xi32>], vector<16xf32>,
    %slice3A_186 = vector.extract_strided_slice %get3A_37 {offsets = [9], sizes = [1], strides = [1]} : vector<16xi32> to vector<1xi32>
    %squeeze3A_187 = vector.extract %slice3A_186[0] : i32 from vector<1xi32>
    %shift_right_logical3A_188 = arith.constant 7 : i32
    %shift_right_logical3A_189 = arith.shrui %squeeze3A_187, %shift_right_logical3A_188 : i32
    %mul3A_190 = arith.constant 128 : i32
    %mul3A_191 = arith.muli %shift_right_logical3A_189, %mul3A_190 : i32
    %multiple_of3A_192 = tpu.assume_multiple %mul3A_191, 128 : i32
    %dma_start3A_193 = arith.constant 0 : i32
    %dma_start3A_194 = arith.constant 0 : i32
    %dma_start3A_195 = tpu.memref_slice %arg2[%dma_start3A_193, %dma_start3A_194, %multiple_of3A_192] : memref<8x8x1000000xf32, #tpu.memory_space<hbm>> -> memref<8x8x128xf32, #tpu.memory_space<hbm>>
    %dma_start3A_196 = arith.constant 0 : i32
    %dma_start3A_197 = arith.constant 0 : i32
    %dma_start3A_198 = tpu.memref_slice %arg2[%dma_start3A_196, %dma_start3A_197, %multiple_of3A_192] : memref<8x8x1000000xf32, #tpu.memory_space<hbm>> -> memref<8x8x128xf32, #tpu.memory_space<hbm>>
    tpu.enqueue_dma source(%dma_start3A_198 : memref<8x8x128xf32, #tpu.memory_space<hbm>>) target(%arg9 : memref<8x8x128xf32, #tpu.memory_space<vmem>>) target_semaphore(%arg17 : memref<!tpu.dma_semaphore, #tpu.memory_space<semaphore_mem>>)
    %dma_wait3A_199 = arith.constant 0 : i32
    %dma_wait3A_200 = arith.constant 0 : i32
    %dma_wait3A_201 = arith.constant 0 : i32
    %dma_wait3A_202 = tpu.memref_slice %arg2[%dma_wait3A_199, %dma_wait3A_200, %dma_wait3A_201] : memref<8x8x1000000xf32, #tpu.memory_space<hbm>> -> memref<8x8x128xf32, #tpu.memory_space<hbm>>
    %dma_wait3A_203 = arith.constant 0 : i32
    %dma_wait3A_204 = arith.constant 0 : i32
    %dma_wait3A_205 = arith.constant 0 : i32
    %dma_wait3A_206 = tpu.memref_slice %arg2[%dma_wait3A_203, %dma_wait3A_204, %dma_wait3A_205] : memref<8x8x1000000xf32, #tpu.memory_space<hbm>> -> memref<8x8x128xf32, #tpu.memory_space<hbm>>
    tpu.wait_dma2 semaphore(%arg18 : memref<!tpu.dma_semaphore, #tpu.memory_space<semaphore_mem>>) src(%dma_wait3A_206 : memref<8x8x128xf32, #tpu.memory_space<hbm>>) dst(%arg10 : memref<8x8x128xf32, #tpu.memory_space<vmem>>)
    %slice3A_207 = vector.extract_strided_slice %get3A_37 {offsets = [2], sizes = [1], strides = [1]} : vector<16xi32> to vector<1xi32>
    %squeeze3A_208 = vector.extract %slice3A_207[0] : i32 from vector<1xi32>
    %and3A_209 = arith.constant 127 : i32
    %and3A_210 = arith.andi %squeeze3A_208, %and3A_209 : i32
    %broadcast_in_dim3A_211 = vector.broadcast %and3A_210 : i32 to vector<16xi32>
    %broadcast_in_dim3A_212 = arith.constant 2 : i32
    %broadcast_in_dim3A_213 = vector.broadcast %broadcast_in_dim3A_212 : i32 to vector<16xi32>
    %gather3A_214 = tpu.vector_load_idx %arg10[%shift_right_logical3A_16, %and3A_27, %broadcast_in_dim3A_211] : memref<8x8x128xf32, #tpu.memory_space<vmem>>[vector<16xi32>, vector<16xi32>, vector<16xi32>], vector<16xf32>,
    tpu.vector_store_idx %arg7[%add3A_5, %broadcast_in_dim3A_213], %gather3A_214 : memref<64x512xf32, #tpu.memory_space<vmem>>[vector<16xi32>, vector<16xi32>], vector<16xf32>,
    %gather3A_215 = tpu.vector_load_idx %arg10[%shift_right_logical3A_19, %and3A_30, %broadcast_in_dim3A_211] : memref<8x8x128xf32, #tpu.memory_space<vmem>>[vector<16xi32>, vector<16xi32>, vector<16xi32>], vector<16xf32>,
    tpu.vector_store_idx %arg7[%add3A_8, %broadcast_in_dim3A_213], %gather3A_215 : memref<64x512xf32, #tpu.memory_space<vmem>>[vector<16xi32>, vector<16xi32>], vector<16xf32>,
    %gather3A_216 = tpu.vector_load_idx %arg10[%shift_right_logical3A_22, %and3A_33, %broadcast_in_dim3A_211] : memref<8x8x128xf32, #tpu.memory_space<vmem>>[vector<16xi32>, vector<16xi32>, vector<16xi32>], vector<16xf32>,
    tpu.vector_store_idx %arg7[%add3A_11, %broadcast_in_dim3A_213], %gather3A_216 : memref<64x512xf32, #tpu.memory_space<vmem>>[vector<16xi32>, vector<16xi32>], vector<16xf32>,
    %gather3A_217 = tpu.vector_load_idx %arg10[%shift_right_logical3A_25, %and3A_36, %broadcast_in_dim3A_211] : memref<8x8x128xf32, #tpu.memory_space<vmem>>[vector<16xi32>, vector<16xi32>, vector<16xi32>], vector<16xf32>,
    tpu.vector_store_idx %arg7[%add3A_14, %broadcast_in_dim3A_213], %gather3A_217 : memref<64x512xf32, #tpu.memory_space<vmem>>[vector<16xi32>, vector<16xi32>], vector<16xf32>,
    %slice3A_218 = vector.extract_strided_slice %get3A_37 {offsets = [10], sizes = [1], strides = [1]} : vector<16xi32> to vector<1xi32>
    %squeeze3A_219 = vector.extract %slice3A_218[0] : i32 from vector<1xi32>
    %shift_right_logical3A_220 = arith.constant 7 : i32
    %shift_right_logical3A_221 = arith.shrui %squeeze3A_219, %shift_right_logical3A_220 : i32
    %mul3A_222 = arith.constant 128 : i32
    %mul3A_223 = arith.muli %shift_right_logical3A_221, %mul3A_222 : i32
    %multiple_of3A_224 = tpu.assume_multiple %mul3A_223, 128 : i32
    %dma_start3A_225 = arith.constant 0 : i32
    %dma_start3A_226 = arith.constant 0 : i32
    %dma_start3A_227 = tpu.memref_slice %arg2[%dma_start3A_225, %dma_start3A_226, %multiple_of3A_224] : memref<8x8x1000000xf32, #tpu.memory_space<hbm>> -> memref<8x8x128xf32, #tpu.memory_space<hbm>>
    %dma_start3A_228 = arith.constant 0 : i32
    %dma_start3A_229 = arith.constant 0 : i32
    %dma_start3A_230 = tpu.memref_slice %arg2[%dma_start3A_228, %dma_start3A_229, %multiple_of3A_224] : memref<8x8x1000000xf32, #tpu.memory_space<hbm>> -> memref<8x8x128xf32, #tpu.memory_space<hbm>>
    tpu.enqueue_dma source(%dma_start3A_230 : memref<8x8x128xf32, #tpu.memory_space<hbm>>) target(%arg10 : memref<8x8x128xf32, #tpu.memory_space<vmem>>) target_semaphore(%arg18 : memref<!tpu.dma_semaphore, #tpu.memory_space<semaphore_mem>>)
    %dma_wait3A_231 = arith.constant 0 : i32
    %dma_wait3A_232 = arith.constant 0 : i32
    %dma_wait3A_233 = arith.constant 0 : i32
    %dma_wait3A_234 = tpu.memref_slice %arg2[%dma_wait3A_231, %dma_wait3A_232, %dma_wait3A_233] : memref<8x8x1000000xf32, #tpu.memory_space<hbm>> -> memref<8x8x128xf32, #tpu.memory_space<hbm>>
    %dma_wait3A_235 = arith.constant 0 : i32
    %dma_wait3A_236 = arith.constant 0 : i32
    %dma_wait3A_237 = arith.constant 0 : i32
    %dma_wait3A_238 = tpu.memref_slice %arg2[%dma_wait3A_235, %dma_wait3A_236, %dma_wait3A_237] : memref<8x8x1000000xf32, #tpu.memory_space<hbm>> -> memref<8x8x128xf32, #tpu.memory_space<hbm>>
    tpu.wait_dma2 semaphore(%arg19 : memref<!tpu.dma_semaphore, #tpu.memory_space<semaphore_mem>>) src(%dma_wait3A_238 : memref<8x8x128xf32, #tpu.memory_space<hbm>>) dst(%arg11 : memref<8x8x128xf32, #tpu.memory_space<vmem>>)
    %slice3A_239 = vector.extract_strided_slice %get3A_37 {offsets = [3], sizes = [1], strides = [1]} : vector<16xi32> to vector<1xi32>
    %squeeze3A_240 = vector.extract %slice3A_239[0] : i32 from vector<1xi32>
    %and3A_241 = arith.constant 127 : i32
    %and3A_242 = arith.andi %squeeze3A_240, %and3A_241 : i32
    %broadcast_in_dim3A_243 = vector.broadcast %and3A_242 : i32 to vector<16xi32>
    %broadcast_in_dim3A_244 = arith.constant 3 : i32
    %broadcast_in_dim3A_245 = vector.broadcast %broadcast_in_dim3A_244 : i32 to vector<16xi32>
    %gather3A_246 = tpu.vector_load_idx %arg11[%shift_right_logical3A_16, %and3A_27, %broadcast_in_dim3A_243] : memref<8x8x128xf32, #tpu.memory_space<vmem>>[vector<16xi32>, vector<16xi32>, vector<16xi32>], vector<16xf32>,
    tpu.vector_store_idx %arg7[%add3A_5, %broadcast_in_dim3A_245], %gather3A_246 : memref<64x512xf32, #tpu.memory_space<vmem>>[vector<16xi32>, vector<16xi32>], vector<16xf32>,
    %gather3A_247 = tpu.vector_load_idx %arg11[%shift_right_logical3A_19, %and3A_30, %broadcast_in_dim3A_243] : memref<8x8x128xf32, #tpu.memory_space<vmem>>[vector<16xi32>, vector<16xi32>, vector<16xi32>], vector<16xf32>,
    tpu.vector_store_idx %arg7[%add3A_8, %broadcast_in_dim3A_245], %gather3A_247 : memref<64x512xf32, #tpu.memory_space<vmem>>[vector<16xi32>, vector<16xi32>], vector<16xf32>,
    %gather3A_248 = tpu.vector_load_idx %arg11[%shift_right_logical3A_22, %and3A_33, %broadcast_in_dim3A_243] : memref<8x8x128xf32, #tpu.memory_space<vmem>>[vector<16xi32>, vector<16xi32>, vector<16xi32>], vector<16xf32>,
    tpu.vector_store_idx %arg7[%add3A_11, %broadcast_in_dim3A_245], %gather3A_248 : memref<64x512xf32, #tpu.memory_space<vmem>>[vector<16xi32>, vector<16xi32>], vector<16xf32>,
    %gather3A_249 = tpu.vector_load_idx %arg11[%shift_right_logical3A_25, %and3A_36, %broadcast_in_dim3A_243] : memref<8x8x128xf32, #tpu.memory_space<vmem>>[vector<16xi32>, vector<16xi32>, vector<16xi32>], vector<16xf32>,
    tpu.vector_store_idx %arg7[%add3A_14, %broadcast_in_dim3A_245], %gather3A_249 : memref<64x512xf32, #tpu.memory_space<vmem>>[vector<16xi32>, vector<16xi32>], vector<16xf32>,
    %slice3A_250 = vector.extract_strided_slice %get3A_37 {offsets = [11], sizes = [1], strides = [1]} : vector<16xi32> to vector<1xi32>
    %squeeze3A_251 = vector.extract %slice3A_250[0] : i32 from vector<1xi32>
    %shift_right_logical3A_252 = arith.constant 7 : i32
    %shift_right_logical3A_253 = arith.shrui %squeeze3A_251, %shift_right_logical3A_252 : i32
    %mul3A_254 = arith.constant 128 : i32
    %mul3A_255 = arith.muli %shift_right_logical3A_253, %mul3A_254 : i32
    %multiple_of3A_256 = tpu.assume_multiple %mul3A_255, 128 : i32
    %dma_start3A_257 = arith.constant 0 : i32
    %dma_start3A_258 = arith.constant 0 : i32
    %dma_start3A_259 = tpu.memref_slice %arg2[%dma_start3A_257, %dma_start3A_258, %multiple_of3A_256] : memref<8x8x1000000xf32, #tpu.memory_space<hbm>> -> memref<8x8x128xf32, #tpu.memory_space<hbm>>
    %dma_start3A_260 = arith.constant 0 : i32
    %dma_start3A_261 = arith.constant 0 : i32
    %dma_start3A_262 = tpu.memref_slice %arg2[%dma_start3A_260, %dma_start3A_261, %multiple_of3A_256] : memref<8x8x1000000xf32, #tpu.memory_space<hbm>> -> memref<8x8x128xf32, #tpu.memory_space<hbm>>
    tpu.enqueue_dma source(%dma_start3A_262 : memref<8x8x128xf32, #tpu.memory_space<hbm>>) target(%arg11 : memref<8x8x128xf32, #tpu.memory_space<vmem>>) target_semaphore(%arg19 : memref<!tpu.dma_semaphore, #tpu.memory_space<semaphore_mem>>)
    %dma_wait3A_263 = arith.constant 0 : i32
    %dma_wait3A_264 = arith.constant 0 : i32
    %dma_wait3A_265 = arith.constant 0 : i32
    %dma_wait3A_266 = tpu.memref_slice %arg2[%dma_wait3A_263, %dma_wait3A_264, %dma_wait3A_265] : memref<8x8x1000000xf32, #tpu.memory_space<hbm>> -> memref<8x8x128xf32, #tpu.memory_space<hbm>>
    %dma_wait3A_267 = arith.constant 0 : i32
    %dma_wait3A_268 = arith.constant 0 : i32
    %dma_wait3A_269 = arith.constant 0 : i32
    %dma_wait3A_270 = tpu.memref_slice %arg2[%dma_wait3A_267, %dma_wait3A_268, %dma_wait3A_269] : memref<8x8x1000000xf32, #tpu.memory_space<hbm>> -> memref<8x8x128xf32, #tpu.memory_space<hbm>>
    tpu.wait_dma2 semaphore(%arg20 : memref<!tpu.dma_semaphore, #tpu.memory_space<semaphore_mem>>) src(%dma_wait3A_270 : memref<8x8x128xf32, #tpu.memory_space<hbm>>) dst(%arg12 : memref<8x8x128xf32, #tpu.memory_space<vmem>>)
    %slice3A_271 = vector.extract_strided_slice %get3A_37 {offsets = [4], sizes = [1], strides = [1]} : vector<16xi32> to vector<1xi32>
    %squeeze3A_272 = vector.extract %slice3A_271[0] : i32 from vector<1xi32>
    %and3A_273 = arith.constant 127 : i32
    %and3A_274 = arith.andi %squeeze3A_272, %and3A_273 : i32
    %broadcast_in_dim3A_275 = vector.broadcast %and3A_274 : i32 to vector<16xi32>
    %broadcast_in_dim3A_276 = arith.constant 4 : i32
    %broadcast_in_dim3A_277 = vector.broadcast %broadcast_in_dim3A_276 : i32 to vector<16xi32>
    %gather3A_278 = tpu.vector_load_idx %arg12[%shift_right_logical3A_16, %and3A_27, %broadcast_in_dim3A_275] : memref<8x8x128xf32, #tpu.memory_space<vmem>>[vector<16xi32>, vector<16xi32>, vector<16xi32>], vector<16xf32>,
    tpu.vector_store_idx %arg7[%add3A_5, %broadcast_in_dim3A_277], %gather3A_278 : memref<64x512xf32, #tpu.memory_space<vmem>>[vector<16xi32>, vector<16xi32>], vector<16xf32>,
    %gather3A_279 = tpu.vector_load_idx %arg12[%shift_right_logical3A_19, %and3A_30, %broadcast_in_dim3A_275] : memref<8x8x128xf32, #tpu.memory_space<vmem>>[vector<16xi32>, vector<16xi32>, vector<16xi32>], vector<16xf32>,
    tpu.vector_store_idx %arg7[%add3A_8, %broadcast_in_dim3A_277], %gather3A_279 : memref<64x512xf32, #tpu.memory_space<vmem>>[vector<16xi32>, vector<16xi32>], vector<16xf32>,
    %gather3A_280 = tpu.vector_load_idx %arg12[%shift_right_logical3A_22, %and3A_33, %broadcast_in_dim3A_275] : memref<8x8x128xf32, #tpu.memory_space<vmem>>[vector<16xi32>, vector<16xi32>, vector<16xi32>], vector<16xf32>,
    tpu.vector_store_idx %arg7[%add3A_11, %broadcast_in_dim3A_277], %gather3A_280 : memref<64x512xf32, #tpu.memory_space<vmem>>[vector<16xi32>, vector<16xi32>], vector<16xf32>,
    %gather3A_281 = tpu.vector_load_idx %arg12[%shift_right_logical3A_25, %and3A_36, %broadcast_in_dim3A_275] : memref<8x8x128xf32, #tpu.memory_space<vmem>>[vector<16xi32>, vector<16xi32>, vector<16xi32>], vector<16xf32>,
    tpu.vector_store_idx %arg7[%add3A_14, %broadcast_in_dim3A_277], %gather3A_281 : memref<64x512xf32, #tpu.memory_space<vmem>>[vector<16xi32>, vector<16xi32>], vector<16xf32>,
    %slice3A_282 = vector.extract_strided_slice %get3A_37 {offsets = [12], sizes = [1], strides = [1]} : vector<16xi32> to vector<1xi32>
    %squeeze3A_283 = vector.extract %slice3A_282[0] : i32 from vector<1xi32>
    %shift_right_logical3A_284 = arith.constant 7 : i32
    %shift_right_logical3A_285 = arith.shrui %squeeze3A_283, %shift_right_logical3A_284 : i32
    %mul3A_286 = arith.constant 128 : i32
    %mul3A_287 = arith.muli %shift_right_logical3A_285, %mul3A_286 : i32
    %multiple_of3A_288 = tpu.assume_multiple %mul3A_287, 128 : i32
    %dma_start3A_289 = arith.constant 0 : i32
    %dma_start3A_290 = arith.constant 0 : i32
    %dma_start3A_291 = tpu.memref_slice %arg2[%dma_start3A_289, %dma_start3A_290, %multiple_of3A_288] : memref<8x8x1000000xf32, #tpu.memory_space<hbm>> -> memref<8x8x128xf32, #tpu.memory_space<hbm>>
    %dma_start3A_292 = arith.constant 0 : i32
    %dma_start3A_293 = arith.constant 0 : i32
    %dma_start3A_294 = tpu.memref_slice %arg2[%dma_start3A_292, %dma_start3A_293, %multiple_of3A_288] : memref<8x8x1000000xf32, #tpu.memory_space<hbm>> -> memref<8x8x128xf32, #tpu.memory_space<hbm>>
    tpu.enqueue_dma source(%dma_start3A_294 : memref<8x8x128xf32, #tpu.memory_space<hbm>>) target(%arg12 : memref<8x8x128xf32, #tpu.memory_space<vmem>>) target_semaphore(%arg20 : memref<!tpu.dma_semaphore, #tpu.memory_space<semaphore_mem>>)
    %dma_wait3A_295 = arith.constant 0 : i32
    %dma_wait3A_296 = arith.constant 0 : i32
    %dma_wait3A_297 = arith.constant 0 : i32
    %dma_wait3A_298 = tpu.memref_slice %arg2[%dma_wait3A_295, %dma_wait3A_296, %dma_wait3A_297] : memref<8x8x1000000xf32, #tpu.memory_space<hbm>> -> memref<8x8x128xf32, #tpu.memory_space<hbm>>
    %dma_wait3A_299 = arith.constant 0 : i32
    %dma_wait3A_300 = arith.constant 0 : i32
    %dma_wait3A_301 = arith.constant 0 : i32
    %dma_wait3A_302 = tpu.memref_slice %arg2[%dma_wait3A_299, %dma_wait3A_300, %dma_wait3A_301] : memref<8x8x1000000xf32, #tpu.memory_space<hbm>> -> memref<8x8x128xf32, #tpu.memory_space<hbm>>
    tpu.wait_dma2 semaphore(%arg21 : memref<!tpu.dma_semaphore, #tpu.memory_space<semaphore_mem>>) src(%dma_wait3A_302 : memref<8x8x128xf32, #tpu.memory_space<hbm>>) dst(%arg13 : memref<8x8x128xf32, #tpu.memory_space<vmem>>)
    %slice3A_303 = vector.extract_strided_slice %get3A_37 {offsets = [5], sizes = [1], strides = [1]} : vector<16xi32> to vector<1xi32>
    %squeeze3A_304 = vector.extract %slice3A_303[0] : i32 from vector<1xi32>
    %and3A_305 = arith.constant 127 : i32
    %and3A_306 = arith.andi %squeeze3A_304, %and3A_305 : i32
    %broadcast_in_dim3A_307 = vector.broadcast %and3A_306 : i32 to vector<16xi32>
    %broadcast_in_dim3A_308 = arith.constant 5 : i32
    %broadcast_in_dim3A_309 = vector.broadcast %broadcast_in_dim3A_308 : i32 to vector<16xi32>
    %gather3A_310 = tpu.vector_load_idx %arg13[%shift_right_logical3A_16, %and3A_27, %broadcast_in_dim3A_307] : memref<8x8x128xf32, #tpu.memory_space<vmem>>[vector<16xi32>, vector<16xi32>, vector<16xi32>], vector<16xf32>,
    tpu.vector_store_idx %arg7[%add3A_5, %broadcast_in_dim3A_309], %gather3A_310 : memref<64x512xf32, #tpu.memory_space<vmem>>[vector<16xi32>, vector<16xi32>], vector<16xf32>,
    %gather3A_311 = tpu.vector_load_idx %arg13[%shift_right_logical3A_19, %and3A_30, %broadcast_in_dim3A_307] : memref<8x8x128xf32, #tpu.memory_space<vmem>>[vector<16xi32>, vector<16xi32>, vector<16xi32>], vector<16xf32>,
    tpu.vector_store_idx %arg7[%add3A_8, %broadcast_in_dim3A_309], %gather3A_311 : memref<64x512xf32, #tpu.memory_space<vmem>>[vector<16xi32>, vector<16xi32>], vector<16xf32>,
    %gather3A_312 = tpu.vector_load_idx %arg13[%shift_right_logical3A_22, %and3A_33, %broadcast_in_dim3A_307] : memref<8x8x128xf32, #tpu.memory_space<vmem>>[vector<16xi32>, vector<16xi32>, vector<16xi32>], vector<16xf32>,
    tpu.vector_store_idx %arg7[%add3A_11, %broadcast_in_dim3A_309], %gather3A_312 : memref<64x512xf32, #tpu.memory_space<vmem>>[vector<16xi32>, vector<16xi32>], vector<16xf32>,
    %gather3A_313 = tpu.vector_load_idx %arg13[%shift_right_logical3A_25, %and3A_36, %broadcast_in_dim3A_307] : memref<8x8x128xf32, #tpu.memory_space<vmem>>[vector<16xi32>, vector<16xi32>, vector<16xi32>], vector<16xf32>,
    tpu.vector_store_idx %arg7[%add3A_14, %broadcast_in_dim3A_309], %gather3A_313 : memref<64x512xf32, #tpu.memory_space<vmem>>[vector<16xi32>, vector<16xi32>], vector<16xf32>,
    %slice3A_314 = vector.extract_strided_slice %get3A_37 {offsets = [13], sizes = [1], strides = [1]} : vector<16xi32> to vector<1xi32>
    %squeeze3A_315 = vector.extract %slice3A_314[0] : i32 from vector<1xi32>
    %shift_right_logical3A_316 = arith.constant 7 : i32
    %shift_right_logical3A_317 = arith.shrui %squeeze3A_315, %shift_right_logical3A_316 : i32
    %mul3A_318 = arith.constant 128 : i32
    %mul3A_319 = arith.muli %shift_right_logical3A_317, %mul3A_318 : i32
    %multiple_of3A_320 = tpu.assume_multiple %mul3A_319, 128 : i32
    %dma_start3A_321 = arith.constant 0 : i32
    %dma_start3A_322 = arith.constant 0 : i32
    %dma_start3A_323 = tpu.memref_slice %arg2[%dma_start3A_321, %dma_start3A_322, %multiple_of3A_320] : memref<8x8x1000000xf32, #tpu.memory_space<hbm>> -> memref<8x8x128xf32, #tpu.memory_space<hbm>>
    %dma_start3A_324 = arith.constant 0 : i32
    %dma_start3A_325 = arith.constant 0 : i32
    %dma_start3A_326 = tpu.memref_slice %arg2[%dma_start3A_324, %dma_start3A_325, %multiple_of3A_320] : memref<8x8x1000000xf32, #tpu.memory_space<hbm>> -> memref<8x8x128xf32, #tpu.memory_space<hbm>>
    tpu.enqueue_dma source(%dma_start3A_326 : memref<8x8x128xf32, #tpu.memory_space<hbm>>) target(%arg13 : memref<8x8x128xf32, #tpu.memory_space<vmem>>) target_semaphore(%arg21 : memref<!tpu.dma_semaphore, #tpu.memory_space<semaphore_mem>>)
    %dma_wait3A_327 = arith.constant 0 : i32
    %dma_wait3A_328 = arith.constant 0 : i32
    %dma_wait3A_329 = arith.constant 0 : i32
    %dma_wait3A_330 = tpu.memref_slice %arg2[%dma_wait3A_327, %dma_wait3A_328, %dma_wait3A_329] : memref<8x8x1000000xf32, #tpu.memory_space<hbm>> -> memref<8x8x128xf32, #tpu.memory_space<hbm>>
    %dma_wait3A_331 = arith.constant 0 : i32
    %dma_wait3A_332 = arith.constant 0 : i32
    %dma_wait3A_333 = arith.constant 0 : i32
    %dma_wait3A_334 = tpu.memref_slice %arg2[%dma_wait3A_331, %dma_wait3A_332, %dma_wait3A_333] : memref<8x8x1000000xf32, #tpu.memory_space<hbm>> -> memref<8x8x128xf32, #tpu.memory_space<hbm>>
    tpu.wait_dma2 semaphore(%arg22 : memref<!tpu.dma_semaphore, #tpu.memory_space<semaphore_mem>>) src(%dma_wait3A_334 : memref<8x8x128xf32, #tpu.memory_space<hbm>>) dst(%arg14 : memref<8x8x128xf32, #tpu.memory_space<vmem>>)
    %slice3A_335 = vector.extract_strided_slice %get3A_37 {offsets = [6], sizes = [1], strides = [1]} : vector<16xi32> to vector<1xi32>
    %squeeze3A_336 = vector.extract %slice3A_335[0] : i32 from vector<1xi32>
    %and3A_337 = arith.constant 127 : i32
    %and3A_338 = arith.andi %squeeze3A_336, %and3A_337 : i32
    %broadcast_in_dim3A_339 = vector.broadcast %and3A_338 : i32 to vector<16xi32>
    %broadcast_in_dim3A_340 = arith.constant 6 : i32
    %broadcast_in_dim3A_341 = vector.broadcast %broadcast_in_dim3A_340 : i32 to vector<16xi32>
    %gather3A_342 = tpu.vector_load_idx %arg14[%shift_right_logical3A_16, %and3A_27, %broadcast_in_dim3A_339] : memref<8x8x128xf32, #tpu.memory_space<vmem>>[vector<16xi32>, vector<16xi32>, vector<16xi32>], vector<16xf32>,
    tpu.vector_store_idx %arg7[%add3A_5, %broadcast_in_dim3A_341], %gather3A_342 : memref<64x512xf32, #tpu.memory_space<vmem>>[vector<16xi32>, vector<16xi32>], vector<16xf32>,
    %gather3A_343 = tpu.vector_load_idx %arg14[%shift_right_logical3A_19, %and3A_30, %broadcast_in_dim3A_339] : memref<8x8x128xf32, #tpu.memory_space<vmem>>[vector<16xi32>, vector<16xi32>, vector<16xi32>], vector<16xf32>,
    tpu.vector_store_idx %arg7[%add3A_8, %broadcast_in_dim3A_341], %gather3A_343 : memref<64x512xf32, #tpu.memory_space<vmem>>[vector<16xi32>, vector<16xi32>], vector<16xf32>,
    %gather3A_344 = tpu.vector_load_idx %arg14[%shift_right_logical3A_22, %and3A_33, %broadcast_in_dim3A_339] : memref<8x8x128xf32, #tpu.memory_space<vmem>>[vector<16xi32>, vector<16xi32>, vector<16xi32>], vector<16xf32>,
    tpu.vector_store_idx %arg7[%add3A_11, %broadcast_in_dim3A_341], %gather3A_344 : memref<64x512xf32, #tpu.memory_space<vmem>>[vector<16xi32>, vector<16xi32>], vector<16xf32>,
    %gather3A_345 = tpu.vector_load_idx %arg14[%shift_right_logical3A_25, %and3A_36, %broadcast_in_dim3A_339] : memref<8x8x128xf32, #tpu.memory_space<vmem>>[vector<16xi32>, vector<16xi32>, vector<16xi32>], vector<16xf32>,
    tpu.vector_store_idx %arg7[%add3A_14, %broadcast_in_dim3A_341], %gather3A_345 : memref<64x512xf32, #tpu.memory_space<vmem>>[vector<16xi32>, vector<16xi32>], vector<16xf32>,
    %slice3A_346 = vector.extract_strided_slice %get3A_37 {offsets = [14], sizes = [1], strides = [1]} : vector<16xi32> to vector<1xi32>
    %squeeze3A_347 = vector.extract %slice3A_346[0] : i32 from vector<1xi32>
    %shift_right_logical3A_348 = arith.constant 7 : i32
    %shift_right_logical3A_349 = arith.shrui %squeeze3A_347, %shift_right_logical3A_348 : i32
    %mul3A_350 = arith.constant 128 : i32
    %mul3A_351 = arith.muli %shift_right_logical3A_349, %mul3A_350 : i32
    %multiple_of3A_352 = tpu.assume_multiple %mul3A_351, 128 : i32
    %dma_start3A_353 = arith.constant 0 : i32
    %dma_start3A_354 = arith.constant 0 : i32
    %dma_start3A_355 = tpu.memref_slice %arg2[%dma_start3A_353, %dma_start3A_354, %multiple_of3A_352] : memref<8x8x1000000xf32, #tpu.memory_space<hbm>> -> memref<8x8x128xf32, #tpu.memory_space<hbm>>
    %dma_start3A_356 = arith.constant 0 : i32
    %dma_start3A_357 = arith.constant 0 : i32
    %dma_start3A_358 = tpu.memref_slice %arg2[%dma_start3A_356, %dma_start3A_357, %multiple_of3A_352] : memref<8x8x1000000xf32, #tpu.memory_space<hbm>> -> memref<8x8x128xf32, #tpu.memory_space<hbm>>
    tpu.enqueue_dma source(%dma_start3A_358 : memref<8x8x128xf32, #tpu.memory_space<hbm>>) target(%arg14 : memref<8x8x128xf32, #tpu.memory_space<vmem>>) target_semaphore(%arg22 : memref<!tpu.dma_semaphore, #tpu.memory_space<semaphore_mem>>)
    %dma_wait3A_359 = arith.constant 0 : i32
    %dma_wait3A_360 = arith.constant 0 : i32
    %dma_wait3A_361 = arith.constant 0 : i32
    %dma_wait3A_362 = tpu.memref_slice %arg2[%dma_wait3A_359, %dma_wait3A_360, %dma_wait3A_361] : memref<8x8x1000000xf32, #tpu.memory_space<hbm>> -> memref<8x8x128xf32, #tpu.memory_space<hbm>>
    %dma_wait3A_363 = arith.constant 0 : i32
    %dma_wait3A_364 = arith.constant 0 : i32
    %dma_wait3A_365 = arith.constant 0 : i32
    %dma_wait3A_366 = tpu.memref_slice %arg2[%dma_wait3A_363, %dma_wait3A_364, %dma_wait3A_365] : memref<8x8x1000000xf32, #tpu.memory_space<hbm>> -> memref<8x8x128xf32, #tpu.memory_space<hbm>>
    tpu.wait_dma2 semaphore(%arg23 : memref<!tpu.dma_semaphore, #tpu.memory_space<semaphore_mem>>) src(%dma_wait3A_366 : memref<8x8x128xf32, #tpu.memory_space<hbm>>) dst(%arg15 : memref<8x8x128xf32, #tpu.memory_space<vmem>>)
    %slice3A_367 = vector.extract_strided_slice %get3A_37 {offsets = [7], sizes = [1], strides = [1]} : vector<16xi32> to vector<1xi32>
    %squeeze3A_368 = vector.extract %slice3A_367[0] : i32 from vector<1xi32>
    %and3A_369 = arith.constant 127 : i32
    %and3A_370 = arith.andi %squeeze3A_368, %and3A_369 : i32
    %broadcast_in_dim3A_371 = vector.broadcast %and3A_370 : i32 to vector<16xi32>
    %broadcast_in_dim3A_372 = arith.constant 7 : i32
    %broadcast_in_dim3A_373 = vector.broadcast %broadcast_in_dim3A_372 : i32 to vector<16xi32>
    %gather3A_374 = tpu.vector_load_idx %arg15[%shift_right_logical3A_16, %and3A_27, %broadcast_in_dim3A_371] : memref<8x8x128xf32, #tpu.memory_space<vmem>>[vector<16xi32>, vector<16xi32>, vector<16xi32>], vector<16xf32>,
    tpu.vector_store_idx %arg7[%add3A_5, %broadcast_in_dim3A_373], %gather3A_374 : memref<64x512xf32, #tpu.memory_space<vmem>>[vector<16xi32>, vector<16xi32>], vector<16xf32>,
    %gather3A_375 = tpu.vector_load_idx %arg15[%shift_right_logical3A_19, %and3A_30, %broadcast_in_dim3A_371] : memref<8x8x128xf32, #tpu.memory_space<vmem>>[vector<16xi32>, vector<16xi32>, vector<16xi32>], vector<16xf32>,
    tpu.vector_store_idx %arg7[%add3A_8, %broadcast_in_dim3A_373], %gather3A_375 : memref<64x512xf32, #tpu.memory_space<vmem>>[vector<16xi32>, vector<16xi32>], vector<16xf32>,
    %gather3A_376 = tpu.vector_load_idx %arg15[%shift_right_logical3A_22, %and3A_33, %broadcast_in_dim3A_371] : memref<8x8x128xf32, #tpu.memory_space<vmem>>[vector<16xi32>, vector<16xi32>, vector<16xi32>], vector<16xf32>,
    tpu.vector_store_idx %arg7[%add3A_11, %broadcast_in_dim3A_373], %gather3A_376 : memref<64x512xf32, #tpu.memory_space<vmem>>[vector<16xi32>, vector<16xi32>], vector<16xf32>,
    %gather3A_377 = tpu.vector_load_idx %arg15[%shift_right_logical3A_25, %and3A_36, %broadcast_in_dim3A_371] : memref<8x8x128xf32, #tpu.memory_space<vmem>>[vector<16xi32>, vector<16xi32>, vector<16xi32>], vector<16xf32>,
    tpu.vector_store_idx %arg7[%add3A_14, %broadcast_in_dim3A_373], %gather3A_377 : memref<64x512xf32, #tpu.memory_space<vmem>>[vector<16xi32>, vector<16xi32>], vector<16xf32>,
    %slice3A_378 = vector.extract_strided_slice %get3A_37 {offsets = [15], sizes = [1], strides = [1]} : vector<16xi32> to vector<1xi32>
    %squeeze3A_379 = vector.extract %slice3A_378[0] : i32 from vector<1xi32>
    %shift_right_logical3A_380 = arith.constant 7 : i32
    %shift_right_logical3A_381 = arith.shrui %squeeze3A_379, %shift_right_logical3A_380 : i32
    %mul3A_382 = arith.constant 128 : i32
    %mul3A_383 = arith.muli %shift_right_logical3A_381, %mul3A_382 : i32
    %multiple_of3A_384 = tpu.assume_multiple %mul3A_383, 128 : i32
    %dma_start3A_385 = arith.constant 0 : i32
    %dma_start3A_386 = arith.constant 0 : i32
    %dma_start3A_387 = tpu.memref_slice %arg2[%dma_start3A_385, %dma_start3A_386, %multiple_of3A_384] : memref<8x8x1000000xf32, #tpu.memory_space<hbm>> -> memref<8x8x128xf32, #tpu.memory_space<hbm>>
    %dma_start3A_388 = arith.constant 0 : i32
    %dma_start3A_389 = arith.constant 0 : i32
    %dma_start3A_390 = tpu.memref_slice %arg2[%dma_start3A_388, %dma_start3A_389, %multiple_of3A_384] : memref<8x8x1000000xf32, #tpu.memory_space<hbm>> -> memref<8x8x128xf32, #tpu.memory_space<hbm>>
    tpu.enqueue_dma source(%dma_start3A_390 : memref<8x8x128xf32, #tpu.memory_space<hbm>>) target(%arg15 : memref<8x8x128xf32, #tpu.memory_space<vmem>>) target_semaphore(%arg23 : memref<!tpu.dma_semaphore, #tpu.memory_space<semaphore_mem>>)
    %scan3A = arith.constant 1 : i32
    %scan3A_391 = arith.constant 31 : i32
    %scan3A_392 = arith.addi %scan3A, %scan3A_391 : i32
    %scan3A_393 = arith.constant 1 : i32
    %scan3A_394 = scf.for %scan3A_564 = %scan3A to %scan3A_392 step %scan3A_393 iter_args(%scan3A_565 = %get3A_37) -> (vector<16xi32>)  : i32 {
      %mul3A_566 = arith.constant 16 : i32
      %mul3A_567 = arith.muli %scan3A_564, %mul3A_566 : i32
      %get3A_568 = arith.index_cast %mul3A_567 : i32 to index
      %get3A_569 = tpu.vector_load %arg6[%get3A_568] {strides = array<i32>} : memref<512xi32, #tpu.memory_space<vmem>>, vector<16xi32>,
      %dma_wait3A_570 = arith.constant 0 : i32
      %dma_wait3A_571 = arith.constant 0 : i32
      %dma_wait3A_572 = arith.constant 0 : i32
      %dma_wait3A_573 = tpu.memref_slice %arg2[%dma_wait3A_570, %dma_wait3A_571, %dma_wait3A_572] : memref<8x8x1000000xf32, #tpu.memory_space<hbm>> -> memref<8x8x128xf32, #tpu.memory_space<hbm>>
      %dma_wait3A_574 = arith.constant 0 : i32
      %dma_wait3A_575 = arith.constant 0 : i32
      %dma_wait3A_576 = arith.constant 0 : i32
      %dma_wait3A_577 = tpu.memref_slice %arg2[%dma_wait3A_574, %dma_wait3A_575, %dma_wait3A_576] : memref<8x8x1000000xf32, #tpu.memory_space<hbm>> -> memref<8x8x128xf32, #tpu.memory_space<hbm>>
      tpu.wait_dma2 semaphore(%arg16 : memref<!tpu.dma_semaphore, #tpu.memory_space<semaphore_mem>>) src(%dma_wait3A_577 : memref<8x8x128xf32, #tpu.memory_space<hbm>>) dst(%arg8 : memref<8x8x128xf32, #tpu.memory_space<vmem>>)
      %slice3A_578 = vector.extract_strided_slice %scan3A_565 {offsets = [8], sizes = [1], strides = [1]} : vector<16xi32> to vector<1xi32>
      %squeeze3A_579 = vector.extract %slice3A_578[0] : i32 from vector<1xi32>
      %mul3A_580 = arith.constant 16 : i32
      %mul3A_581 = arith.muli %scan3A_564, %mul3A_580 : i32
      %add3A_582 = arith.constant 0 : i32
      %add3A_583 = arith.addi %mul3A_581, %add3A_582 : i32
      %sub3A = arith.constant 8 : i32
      %sub3A_584 = arith.subi %add3A_583, %sub3A : i32
      %and3A_585 = arith.constant 127 : i32
      %and3A_586 = arith.andi %squeeze3A_579, %and3A_585 : i32
      %broadcast_in_dim3A_587 = vector.broadcast %and3A_586 : i32 to vector<16xi32>
      %broadcast_in_dim3A_588 = vector.broadcast %sub3A_584 : i32 to vector<16xi32>
      %gather3A_589 = tpu.vector_load_idx %arg8[%shift_right_logical3A_16, %and3A_27, %broadcast_in_dim3A_587] : memref<8x8x128xf32, #tpu.memory_space<vmem>>[vector<16xi32>, vector<16xi32>, vector<16xi32>], vector<16xf32>,
      tpu.vector_store_idx %arg7[%add3A_5, %broadcast_in_dim3A_588], %gather3A_589 : memref<64x512xf32, #tpu.memory_space<vmem>>[vector<16xi32>, vector<16xi32>], vector<16xf32>,
      %gather3A_590 = tpu.vector_load_idx %arg8[%shift_right_logical3A_19, %and3A_30, %broadcast_in_dim3A_587] : memref<8x8x128xf32, #tpu.memory_space<vmem>>[vector<16xi32>, vector<16xi32>, vector<16xi32>], vector<16xf32>,
      tpu.vector_store_idx %arg7[%add3A_8, %broadcast_in_dim3A_588], %gather3A_590 : memref<64x512xf32, #tpu.memory_space<vmem>>[vector<16xi32>, vector<16xi32>], vector<16xf32>,
      %gather3A_591 = tpu.vector_load_idx %arg8[%shift_right_logical3A_22, %and3A_33, %broadcast_in_dim3A_587] : memref<8x8x128xf32, #tpu.memory_space<vmem>>[vector<16xi32>, vector<16xi32>, vector<16xi32>], vector<16xf32>,
      tpu.vector_store_idx %arg7[%add3A_11, %broadcast_in_dim3A_588], %gather3A_591 : memref<64x512xf32, #tpu.memory_space<vmem>>[vector<16xi32>, vector<16xi32>], vector<16xf32>,
      %gather3A_592 = tpu.vector_load_idx %arg8[%shift_right_logical3A_25, %and3A_36, %broadcast_in_dim3A_587] : memref<8x8x128xf32, #tpu.memory_space<vmem>>[vector<16xi32>, vector<16xi32>, vector<16xi32>], vector<16xf32>,
      tpu.vector_store_idx %arg7[%add3A_14, %broadcast_in_dim3A_588], %gather3A_592 : memref<64x512xf32, #tpu.memory_space<vmem>>[vector<16xi32>, vector<16xi32>], vector<16xf32>,
      %slice3A_593 = vector.extract_strided_slice %get3A_569 {offsets = [0], sizes = [1], strides = [1]} : vector<16xi32> to vector<1xi32>
      %squeeze3A_594 = vector.extract %slice3A_593[0] : i32 from vector<1xi32>
      %shift_right_logical3A_595 = arith.constant 7 : i32
      %shift_right_logical3A_596 = arith.shrui %squeeze3A_594, %shift_right_logical3A_595 : i32
      %mul3A_597 = arith.constant 128 : i32
      %mul3A_598 = arith.muli %shift_right_logical3A_596, %mul3A_597 : i32
      %multiple_of3A_599 = tpu.assume_multiple %mul3A_598, 128 : i32
      %dma_start3A_600 = arith.constant 0 : i32
      %dma_start3A_601 = arith.constant 0 : i32
      %dma_start3A_602 = tpu.memref_slice %arg2[%dma_start3A_600, %dma_start3A_601, %multiple_of3A_599] : memref<8x8x1000000xf32, #tpu.memory_space<hbm>> -> memref<8x8x128xf32, #tpu.memory_space<hbm>>
      %dma_start3A_603 = arith.constant 0 : i32
      %dma_start3A_604 = arith.constant 0 : i32
      %dma_start3A_605 = tpu.memref_slice %arg2[%dma_start3A_603, %dma_start3A_604, %multiple_of3A_599] : memref<8x8x1000000xf32, #tpu.memory_space<hbm>> -> memref<8x8x128xf32, #tpu.memory_space<hbm>>
      tpu.enqueue_dma source(%dma_start3A_605 : memref<8x8x128xf32, #tpu.memory_space<hbm>>) target(%arg8 : memref<8x8x128xf32, #tpu.memory_space<vmem>>) target_semaphore(%arg16 : memref<!tpu.dma_semaphore, #tpu.memory_space<semaphore_mem>>)
      %dma_wait3A_606 = arith.constant 0 : i32
      %dma_wait3A_607 = arith.constant 0 : i32
      %dma_wait3A_608 = arith.constant 0 : i32
      %dma_wait3A_609 = tpu.memref_slice %arg2[%dma_wait3A_606, %dma_wait3A_607, %dma_wait3A_608] : memref<8x8x1000000xf32, #tpu.memory_space<hbm>> -> memref<8x8x128xf32, #tpu.memory_space<hbm>>
      %dma_wait3A_610 = arith.constant 0 : i32
      %dma_wait3A_611 = arith.constant 0 : i32
      %dma_wait3A_612 = arith.constant 0 : i32
      %dma_wait3A_613 = tpu.memref_slice %arg2[%dma_wait3A_610, %dma_wait3A_611, %dma_wait3A_612] : memref<8x8x1000000xf32, #tpu.memory_space<hbm>> -> memref<8x8x128xf32, #tpu.memory_space<hbm>>
      tpu.wait_dma2 semaphore(%arg17 : memref<!tpu.dma_semaphore, #tpu.memory_space<semaphore_mem>>) src(%dma_wait3A_613 : memref<8x8x128xf32, #tpu.memory_space<hbm>>) dst(%arg9 : memref<8x8x128xf32, #tpu.memory_space<vmem>>)
      %slice3A_614 = vector.extract_strided_slice %scan3A_565 {offsets = [9], sizes = [1], strides = [1]} : vector<16xi32> to vector<1xi32>
      %squeeze3A_615 = vector.extract %slice3A_614[0] : i32 from vector<1xi32>
      %mul3A_616 = arith.constant 16 : i32
      %mul3A_617 = arith.muli %scan3A_564, %mul3A_616 : i32
      %add3A_618 = arith.constant 1 : i32
      %add3A_619 = arith.addi %mul3A_617, %add3A_618 : i32
      %sub3A_620 = arith.constant 8 : i32
      %sub3A_621 = arith.subi %add3A_619, %sub3A_620 : i32
      %and3A_622 = arith.constant 127 : i32
      %and3A_623 = arith.andi %squeeze3A_615, %and3A_622 : i32
      %broadcast_in_dim3A_624 = vector.broadcast %and3A_623 : i32 to vector<16xi32>
      %broadcast_in_dim3A_625 = vector.broadcast %sub3A_621 : i32 to vector<16xi32>
      %gather3A_626 = tpu.vector_load_idx %arg9[%shift_right_logical3A_16, %and3A_27, %broadcast_in_dim3A_624] : memref<8x8x128xf32, #tpu.memory_space<vmem>>[vector<16xi32>, vector<16xi32>, vector<16xi32>], vector<16xf32>,
      tpu.vector_store_idx %arg7[%add3A_5, %broadcast_in_dim3A_625], %gather3A_626 : memref<64x512xf32, #tpu.memory_space<vmem>>[vector<16xi32>, vector<16xi32>], vector<16xf32>,
      %gather3A_627 = tpu.vector_load_idx %arg9[%shift_right_logical3A_19, %and3A_30, %broadcast_in_dim3A_624] : memref<8x8x128xf32, #tpu.memory_space<vmem>>[vector<16xi32>, vector<16xi32>, vector<16xi32>], vector<16xf32>,
      tpu.vector_store_idx %arg7[%add3A_8, %broadcast_in_dim3A_625], %gather3A_627 : memref<64x512xf32, #tpu.memory_space<vmem>>[vector<16xi32>, vector<16xi32>], vector<16xf32>,
      %gather3A_628 = tpu.vector_load_idx %arg9[%shift_right_logical3A_22, %and3A_33, %broadcast_in_dim3A_624] : memref<8x8x128xf32, #tpu.memory_space<vmem>>[vector<16xi32>, vector<16xi32>, vector<16xi32>], vector<16xf32>,
      tpu.vector_store_idx %arg7[%add3A_11, %broadcast_in_dim3A_625], %gather3A_628 : memref<64x512xf32, #tpu.memory_space<vmem>>[vector<16xi32>, vector<16xi32>], vector<16xf32>,
      %gather3A_629 = tpu.vector_load_idx %arg9[%shift_right_logical3A_25, %and3A_36, %broadcast_in_dim3A_624] : memref<8x8x128xf32, #tpu.memory_space<vmem>>[vector<16xi32>, vector<16xi32>, vector<16xi32>], vector<16xf32>,
      tpu.vector_store_idx %arg7[%add3A_14, %broadcast_in_dim3A_625], %gather3A_629 : memref<64x512xf32, #tpu.memory_space<vmem>>[vector<16xi32>, vector<16xi32>], vector<16xf32>,
      %slice3A_630 = vector.extract_strided_slice %get3A_569 {offsets = [1], sizes = [1], strides = [1]} : vector<16xi32> to vector<1xi32>
      %squeeze3A_631 = vector.extract %slice3A_630[0] : i32 from vector<1xi32>
      %shift_right_logical3A_632 = arith.constant 7 : i32
      %shift_right_logical3A_633 = arith.shrui %squeeze3A_631, %shift_right_logical3A_632 : i32
      %mul3A_634 = arith.constant 128 : i32
      %mul3A_635 = arith.muli %shift_right_logical3A_633, %mul3A_634 : i32
      %multiple_of3A_636 = tpu.assume_multiple %mul3A_635, 128 : i32
      %dma_start3A_637 = arith.constant 0 : i32
      %dma_start3A_638 = arith.constant 0 : i32
      %dma_start3A_639 = tpu.memref_slice %arg2[%dma_start3A_637, %dma_start3A_638, %multiple_of3A_636] : memref<8x8x1000000xf32, #tpu.memory_space<hbm>> -> memref<8x8x128xf32, #tpu.memory_space<hbm>>
      %dma_start3A_640 = arith.constant 0 : i32
      %dma_start3A_641 = arith.constant 0 : i32
      %dma_start3A_642 = tpu.memref_slice %arg2[%dma_start3A_640, %dma_start3A_641, %multiple_of3A_636] : memref<8x8x1000000xf32, #tpu.memory_space<hbm>> -> memref<8x8x128xf32, #tpu.memory_space<hbm>>
      tpu.enqueue_dma source(%dma_start3A_642 : memref<8x8x128xf32, #tpu.memory_space<hbm>>) target(%arg9 : memref<8x8x128xf32, #tpu.memory_space<vmem>>) target_semaphore(%arg17 : memref<!tpu.dma_semaphore, #tpu.memory_space<semaphore_mem>>)
      %dma_wait3A_643 = arith.constant 0 : i32
      %dma_wait3A_644 = arith.constant 0 : i32
      %dma_wait3A_645 = arith.constant 0 : i32
      %dma_wait3A_646 = tpu.memref_slice %arg2[%dma_wait3A_643, %dma_wait3A_644, %dma_wait3A_645] : memref<8x8x1000000xf32, #tpu.memory_space<hbm>> -> memref<8x8x128xf32, #tpu.memory_space<hbm>>
      %dma_wait3A_647 = arith.constant 0 : i32
      %dma_wait3A_648 = arith.constant 0 : i32
      %dma_wait3A_649 = arith.constant 0 : i32
      %dma_wait3A_650 = tpu.memref_slice %arg2[%dma_wait3A_647, %dma_wait3A_648, %dma_wait3A_649] : memref<8x8x1000000xf32, #tpu.memory_space<hbm>> -> memref<8x8x128xf32, #tpu.memory_space<hbm>>
      tpu.wait_dma2 semaphore(%arg18 : memref<!tpu.dma_semaphore, #tpu.memory_space<semaphore_mem>>) src(%dma_wait3A_650 : memref<8x8x128xf32, #tpu.memory_space<hbm>>) dst(%arg10 : memref<8x8x128xf32, #tpu.memory_space<vmem>>)
      %slice3A_651 = vector.extract_strided_slice %scan3A_565 {offsets = [10], sizes = [1], strides = [1]} : vector<16xi32> to vector<1xi32>
      %squeeze3A_652 = vector.extract %slice3A_651[0] : i32 from vector<1xi32>
      %mul3A_653 = arith.constant 16 : i32
      %mul3A_654 = arith.muli %scan3A_564, %mul3A_653 : i32
      %add3A_655 = arith.constant 2 : i32
      %add3A_656 = arith.addi %mul3A_654, %add3A_655 : i32
      %sub3A_657 = arith.constant 8 : i32
      %sub3A_658 = arith.subi %add3A_656, %sub3A_657 : i32
      %and3A_659 = arith.constant 127 : i32
      %and3A_660 = arith.andi %squeeze3A_652, %and3A_659 : i32
      %broadcast_in_dim3A_661 = vector.broadcast %and3A_660 : i32 to vector<16xi32>
      %broadcast_in_dim3A_662 = vector.broadcast %sub3A_658 : i32 to vector<16xi32>
      %gather3A_663 = tpu.vector_load_idx %arg10[%shift_right_logical3A_16, %and3A_27, %broadcast_in_dim3A_661] : memref<8x8x128xf32, #tpu.memory_space<vmem>>[vector<16xi32>, vector<16xi32>, vector<16xi32>], vector<16xf32>,
      tpu.vector_store_idx %arg7[%add3A_5, %broadcast_in_dim3A_662], %gather3A_663 : memref<64x512xf32, #tpu.memory_space<vmem>>[vector<16xi32>, vector<16xi32>], vector<16xf32>,
      %gather3A_664 = tpu.vector_load_idx %arg10[%shift_right_logical3A_19, %and3A_30, %broadcast_in_dim3A_661] : memref<8x8x128xf32, #tpu.memory_space<vmem>>[vector<16xi32>, vector<16xi32>, vector<16xi32>], vector<16xf32>,
      tpu.vector_store_idx %arg7[%add3A_8, %broadcast_in_dim3A_662], %gather3A_664 : memref<64x512xf32, #tpu.memory_space<vmem>>[vector<16xi32>, vector<16xi32>], vector<16xf32>,
      %gather3A_665 = tpu.vector_load_idx %arg10[%shift_right_logical3A_22, %and3A_33, %broadcast_in_dim3A_661] : memref<8x8x128xf32, #tpu.memory_space<vmem>>[vector<16xi32>, vector<16xi32>, vector<16xi32>], vector<16xf32>,
      tpu.vector_store_idx %arg7[%add3A_11, %broadcast_in_dim3A_662], %gather3A_665 : memref<64x512xf32, #tpu.memory_space<vmem>>[vector<16xi32>, vector<16xi32>], vector<16xf32>,
      %gather3A_666 = tpu.vector_load_idx %arg10[%shift_right_logical3A_25, %and3A_36, %broadcast_in_dim3A_661] : memref<8x8x128xf32, #tpu.memory_space<vmem>>[vector<16xi32>, vector<16xi32>, vector<16xi32>], vector<16xf32>,
      tpu.vector_store_idx %arg7[%add3A_14, %broadcast_in_dim3A_662], %gather3A_666 : memref<64x512xf32, #tpu.memory_space<vmem>>[vector<16xi32>, vector<16xi32>], vector<16xf32>,
      %slice3A_667 = vector.extract_strided_slice %get3A_569 {offsets = [2], sizes = [1], strides = [1]} : vector<16xi32> to vector<1xi32>
      %squeeze3A_668 = vector.extract %slice3A_667[0] : i32 from vector<1xi32>
      %shift_right_logical3A_669 = arith.constant 7 : i32
      %shift_right_logical3A_670 = arith.shrui %squeeze3A_668, %shift_right_logical3A_669 : i32
      %mul3A_671 = arith.constant 128 : i32
      %mul3A_672 = arith.muli %shift_right_logical3A_670, %mul3A_671 : i32
      %multiple_of3A_673 = tpu.assume_multiple %mul3A_672, 128 : i32
      %dma_start3A_674 = arith.constant 0 : i32
      %dma_start3A_675 = arith.constant 0 : i32
      %dma_start3A_676 = tpu.memref_slice %arg2[%dma_start3A_674, %dma_start3A_675, %multiple_of3A_673] : memref<8x8x1000000xf32, #tpu.memory_space<hbm>> -> memref<8x8x128xf32, #tpu.memory_space<hbm>>
      %dma_start3A_677 = arith.constant 0 : i32
      %dma_start3A_678 = arith.constant 0 : i32
      %dma_start3A_679 = tpu.memref_slice %arg2[%dma_start3A_677, %dma_start3A_678, %multiple_of3A_673] : memref<8x8x1000000xf32, #tpu.memory_space<hbm>> -> memref<8x8x128xf32, #tpu.memory_space<hbm>>
      tpu.enqueue_dma source(%dma_start3A_679 : memref<8x8x128xf32, #tpu.memory_space<hbm>>) target(%arg10 : memref<8x8x128xf32, #tpu.memory_space<vmem>>) target_semaphore(%arg18 : memref<!tpu.dma_semaphore, #tpu.memory_space<semaphore_mem>>)
      %dma_wait3A_680 = arith.constant 0 : i32
      %dma_wait3A_681 = arith.constant 0 : i32
      %dma_wait3A_682 = arith.constant 0 : i32
      %dma_wait3A_683 = tpu.memref_slice %arg2[%dma_wait3A_680, %dma_wait3A_681, %dma_wait3A_682] : memref<8x8x1000000xf32, #tpu.memory_space<hbm>> -> memref<8x8x128xf32, #tpu.memory_space<hbm>>
      %dma_wait3A_684 = arith.constant 0 : i32
      %dma_wait3A_685 = arith.constant 0 : i32
      %dma_wait3A_686 = arith.constant 0 : i32
      %dma_wait3A_687 = tpu.memref_slice %arg2[%dma_wait3A_684, %dma_wait3A_685, %dma_wait3A_686] : memref<8x8x1000000xf32, #tpu.memory_space<hbm>> -> memref<8x8x128xf32, #tpu.memory_space<hbm>>
      tpu.wait_dma2 semaphore(%arg19 : memref<!tpu.dma_semaphore, #tpu.memory_space<semaphore_mem>>) src(%dma_wait3A_687 : memref<8x8x128xf32, #tpu.memory_space<hbm>>) dst(%arg11 : memref<8x8x128xf32, #tpu.memory_space<vmem>>)
      %slice3A_688 = vector.extract_strided_slice %scan3A_565 {offsets = [11], sizes = [1], strides = [1]} : vector<16xi32> to vector<1xi32>
      %squeeze3A_689 = vector.extract %slice3A_688[0] : i32 from vector<1xi32>
      %mul3A_690 = arith.constant 16 : i32
      %mul3A_691 = arith.muli %scan3A_564, %mul3A_690 : i32
      %add3A_692 = arith.constant 3 : i32
      %add3A_693 = arith.addi %mul3A_691, %add3A_692 : i32
      %sub3A_694 = arith.constant 8 : i32
      %sub3A_695 = arith.subi %add3A_693, %sub3A_694 : i32
      %and3A_696 = arith.constant 127 : i32
      %and3A_697 = arith.andi %squeeze3A_689, %and3A_696 : i32
      %broadcast_in_dim3A_698 = vector.broadcast %and3A_697 : i32 to vector<16xi32>
      %broadcast_in_dim3A_699 = vector.broadcast %sub3A_695 : i32 to vector<16xi32>
      %gather3A_700 = tpu.vector_load_idx %arg11[%shift_right_logical3A_16, %and3A_27, %broadcast_in_dim3A_698] : memref<8x8x128xf32, #tpu.memory_space<vmem>>[vector<16xi32>, vector<16xi32>, vector<16xi32>], vector<16xf32>,
      tpu.vector_store_idx %arg7[%add3A_5, %broadcast_in_dim3A_699], %gather3A_700 : memref<64x512xf32, #tpu.memory_space<vmem>>[vector<16xi32>, vector<16xi32>], vector<16xf32>,
      %gather3A_701 = tpu.vector_load_idx %arg11[%shift_right_logical3A_19, %and3A_30, %broadcast_in_dim3A_698] : memref<8x8x128xf32, #tpu.memory_space<vmem>>[vector<16xi32>, vector<16xi32>, vector<16xi32>], vector<16xf32>,
      tpu.vector_store_idx %arg7[%add3A_8, %broadcast_in_dim3A_699], %gather3A_701 : memref<64x512xf32, #tpu.memory_space<vmem>>[vector<16xi32>, vector<16xi32>], vector<16xf32>,
      %gather3A_702 = tpu.vector_load_idx %arg11[%shift_right_logical3A_22, %and3A_33, %broadcast_in_dim3A_698] : memref<8x8x128xf32, #tpu.memory_space<vmem>>[vector<16xi32>, vector<16xi32>, vector<16xi32>], vector<16xf32>,
      tpu.vector_store_idx %arg7[%add3A_11, %broadcast_in_dim3A_699], %gather3A_702 : memref<64x512xf32, #tpu.memory_space<vmem>>[vector<16xi32>, vector<16xi32>], vector<16xf32>,
      %gather3A_703 = tpu.vector_load_idx %arg11[%shift_right_logical3A_25, %and3A_36, %broadcast_in_dim3A_698] : memref<8x8x128xf32, #tpu.memory_space<vmem>>[vector<16xi32>, vector<16xi32>, vector<16xi32>], vector<16xf32>,
      tpu.vector_store_idx %arg7[%add3A_14, %broadcast_in_dim3A_699], %gather3A_703 : memref<64x512xf32, #tpu.memory_space<vmem>>[vector<16xi32>, vector<16xi32>], vector<16xf32>,
      %slice3A_704 = vector.extract_strided_slice %get3A_569 {offsets = [3], sizes = [1], strides = [1]} : vector<16xi32> to vector<1xi32>
      %squeeze3A_705 = vector.extract %slice3A_704[0] : i32 from vector<1xi32>
      %shift_right_logical3A_706 = arith.constant 7 : i32
      %shift_right_logical3A_707 = arith.shrui %squeeze3A_705, %shift_right_logical3A_706 : i32
      %mul3A_708 = arith.constant 128 : i32
      %mul3A_709 = arith.muli %shift_right_logical3A_707, %mul3A_708 : i32
      %multiple_of3A_710 = tpu.assume_multiple %mul3A_709, 128 : i32
      %dma_start3A_711 = arith.constant 0 : i32
      %dma_start3A_712 = arith.constant 0 : i32
      %dma_start3A_713 = tpu.memref_slice %arg2[%dma_start3A_711, %dma_start3A_712, %multiple_of3A_710] : memref<8x8x1000000xf32, #tpu.memory_space<hbm>> -> memref<8x8x128xf32, #tpu.memory_space<hbm>>
      %dma_start3A_714 = arith.constant 0 : i32
      %dma_start3A_715 = arith.constant 0 : i32
      %dma_start3A_716 = tpu.memref_slice %arg2[%dma_start3A_714, %dma_start3A_715, %multiple_of3A_710] : memref<8x8x1000000xf32, #tpu.memory_space<hbm>> -> memref<8x8x128xf32, #tpu.memory_space<hbm>>
      tpu.enqueue_dma source(%dma_start3A_716 : memref<8x8x128xf32, #tpu.memory_space<hbm>>) target(%arg11 : memref<8x8x128xf32, #tpu.memory_space<vmem>>) target_semaphore(%arg19 : memref<!tpu.dma_semaphore, #tpu.memory_space<semaphore_mem>>)
      %dma_wait3A_717 = arith.constant 0 : i32
      %dma_wait3A_718 = arith.constant 0 : i32
      %dma_wait3A_719 = arith.constant 0 : i32
      %dma_wait3A_720 = tpu.memref_slice %arg2[%dma_wait3A_717, %dma_wait3A_718, %dma_wait3A_719] : memref<8x8x1000000xf32, #tpu.memory_space<hbm>> -> memref<8x8x128xf32, #tpu.memory_space<hbm>>
      %dma_wait3A_721 = arith.constant 0 : i32
      %dma_wait3A_722 = arith.constant 0 : i32
      %dma_wait3A_723 = arith.constant 0 : i32
      %dma_wait3A_724 = tpu.memref_slice %arg2[%dma_wait3A_721, %dma_wait3A_722, %dma_wait3A_723] : memref<8x8x1000000xf32, #tpu.memory_space<hbm>> -> memref<8x8x128xf32, #tpu.memory_space<hbm>>
      tpu.wait_dma2 semaphore(%arg20 : memref<!tpu.dma_semaphore, #tpu.memory_space<semaphore_mem>>) src(%dma_wait3A_724 : memref<8x8x128xf32, #tpu.memory_space<hbm>>) dst(%arg12 : memref<8x8x128xf32, #tpu.memory_space<vmem>>)
      %slice3A_725 = vector.extract_strided_slice %scan3A_565 {offsets = [12], sizes = [1], strides = [1]} : vector<16xi32> to vector<1xi32>
      %squeeze3A_726 = vector.extract %slice3A_725[0] : i32 from vector<1xi32>
      %mul3A_727 = arith.constant 16 : i32
      %mul3A_728 = arith.muli %scan3A_564, %mul3A_727 : i32
      %add3A_729 = arith.constant 4 : i32
      %add3A_730 = arith.addi %mul3A_728, %add3A_729 : i32
      %sub3A_731 = arith.constant 8 : i32
      %sub3A_732 = arith.subi %add3A_730, %sub3A_731 : i32
      %and3A_733 = arith.constant 127 : i32
      %and3A_734 = arith.andi %squeeze3A_726, %and3A_733 : i32
      %broadcast_in_dim3A_735 = vector.broadcast %and3A_734 : i32 to vector<16xi32>
      %broadcast_in_dim3A_736 = vector.broadcast %sub3A_732 : i32 to vector<16xi32>
      %gather3A_737 = tpu.vector_load_idx %arg12[%shift_right_logical3A_16, %and3A_27, %broadcast_in_dim3A_735] : memref<8x8x128xf32, #tpu.memory_space<vmem>>[vector<16xi32>, vector<16xi32>, vector<16xi32>], vector<16xf32>,
      tpu.vector_store_idx %arg7[%add3A_5, %broadcast_in_dim3A_736], %gather3A_737 : memref<64x512xf32, #tpu.memory_space<vmem>>[vector<16xi32>, vector<16xi32>], vector<16xf32>,
      %gather3A_738 = tpu.vector_load_idx %arg12[%shift_right_logical3A_19, %and3A_30, %broadcast_in_dim3A_735] : memref<8x8x128xf32, #tpu.memory_space<vmem>>[vector<16xi32>, vector<16xi32>, vector<16xi32>], vector<16xf32>,
      tpu.vector_store_idx %arg7[%add3A_8, %broadcast_in_dim3A_736], %gather3A_738 : memref<64x512xf32, #tpu.memory_space<vmem>>[vector<16xi32>, vector<16xi32>], vector<16xf32>,
      %gather3A_739 = tpu.vector_load_idx %arg12[%shift_right_logical3A_22, %and3A_33, %broadcast_in_dim3A_735] : memref<8x8x128xf32, #tpu.memory_space<vmem>>[vector<16xi32>, vector<16xi32>, vector<16xi32>], vector<16xf32>,
      tpu.vector_store_idx %arg7[%add3A_11, %broadcast_in_dim3A_736], %gather3A_739 : memref<64x512xf32, #tpu.memory_space<vmem>>[vector<16xi32>, vector<16xi32>], vector<16xf32>,
      %gather3A_740 = tpu.vector_load_idx %arg12[%shift_right_logical3A_25, %and3A_36, %broadcast_in_dim3A_735] : memref<8x8x128xf32, #tpu.memory_space<vmem>>[vector<16xi32>, vector<16xi32>, vector<16xi32>], vector<16xf32>,
      tpu.vector_store_idx %arg7[%add3A_14, %broadcast_in_dim3A_736], %gather3A_740 : memref<64x512xf32, #tpu.memory_space<vmem>>[vector<16xi32>, vector<16xi32>], vector<16xf32>,
      %slice3A_741 = vector.extract_strided_slice %get3A_569 {offsets = [4], sizes = [1], strides = [1]} : vector<16xi32> to vector<1xi32>
      %squeeze3A_742 = vector.extract %slice3A_741[0] : i32 from vector<1xi32>
      %shift_right_logical3A_743 = arith.constant 7 : i32
      %shift_right_logical3A_744 = arith.shrui %squeeze3A_742, %shift_right_logical3A_743 : i32
      %mul3A_745 = arith.constant 128 : i32
      %mul3A_746 = arith.muli %shift_right_logical3A_744, %mul3A_745 : i32
      %multiple_of3A_747 = tpu.assume_multiple %mul3A_746, 128 : i32
      %dma_start3A_748 = arith.constant 0 : i32
      %dma_start3A_749 = arith.constant 0 : i32
      %dma_start3A_750 = tpu.memref_slice %arg2[%dma_start3A_748, %dma_start3A_749, %multiple_of3A_747] : memref<8x8x1000000xf32, #tpu.memory_space<hbm>> -> memref<8x8x128xf32, #tpu.memory_space<hbm>>
      %dma_start3A_751 = arith.constant 0 : i32
      %dma_start3A_752 = arith.constant 0 : i32
      %dma_start3A_753 = tpu.memref_slice %arg2[%dma_start3A_751, %dma_start3A_752, %multiple_of3A_747] : memref<8x8x1000000xf32, #tpu.memory_space<hbm>> -> memref<8x8x128xf32, #tpu.memory_space<hbm>>
      tpu.enqueue_dma source(%dma_start3A_753 : memref<8x8x128xf32, #tpu.memory_space<hbm>>) target(%arg12 : memref<8x8x128xf32, #tpu.memory_space<vmem>>) target_semaphore(%arg20 : memref<!tpu.dma_semaphore, #tpu.memory_space<semaphore_mem>>)
      %dma_wait3A_754 = arith.constant 0 : i32
      %dma_wait3A_755 = arith.constant 0 : i32
      %dma_wait3A_756 = arith.constant 0 : i32
      %dma_wait3A_757 = tpu.memref_slice %arg2[%dma_wait3A_754, %dma_wait3A_755, %dma_wait3A_756] : memref<8x8x1000000xf32, #tpu.memory_space<hbm>> -> memref<8x8x128xf32, #tpu.memory_space<hbm>>
      %dma_wait3A_758 = arith.constant 0 : i32
      %dma_wait3A_759 = arith.constant 0 : i32
      %dma_wait3A_760 = arith.constant 0 : i32
      %dma_wait3A_761 = tpu.memref_slice %arg2[%dma_wait3A_758, %dma_wait3A_759, %dma_wait3A_760] : memref<8x8x1000000xf32, #tpu.memory_space<hbm>> -> memref<8x8x128xf32, #tpu.memory_space<hbm>>
      tpu.wait_dma2 semaphore(%arg21 : memref<!tpu.dma_semaphore, #tpu.memory_space<semaphore_mem>>) src(%dma_wait3A_761 : memref<8x8x128xf32, #tpu.memory_space<hbm>>) dst(%arg13 : memref<8x8x128xf32, #tpu.memory_space<vmem>>)
      %slice3A_762 = vector.extract_strided_slice %scan3A_565 {offsets = [13], sizes = [1], strides = [1]} : vector<16xi32> to vector<1xi32>
      %squeeze3A_763 = vector.extract %slice3A_762[0] : i32 from vector<1xi32>
      %mul3A_764 = arith.constant 16 : i32
      %mul3A_765 = arith.muli %scan3A_564, %mul3A_764 : i32
      %add3A_766 = arith.constant 5 : i32
      %add3A_767 = arith.addi %mul3A_765, %add3A_766 : i32
      %sub3A_768 = arith.constant 8 : i32
      %sub3A_769 = arith.subi %add3A_767, %sub3A_768 : i32
      %and3A_770 = arith.constant 127 : i32
      %and3A_771 = arith.andi %squeeze3A_763, %and3A_770 : i32
      %broadcast_in_dim3A_772 = vector.broadcast %and3A_771 : i32 to vector<16xi32>
      %broadcast_in_dim3A_773 = vector.broadcast %sub3A_769 : i32 to vector<16xi32>
      %gather3A_774 = tpu.vector_load_idx %arg13[%shift_right_logical3A_16, %and3A_27, %broadcast_in_dim3A_772] : memref<8x8x128xf32, #tpu.memory_space<vmem>>[vector<16xi32>, vector<16xi32>, vector<16xi32>], vector<16xf32>,
      tpu.vector_store_idx %arg7[%add3A_5, %broadcast_in_dim3A_773], %gather3A_774 : memref<64x512xf32, #tpu.memory_space<vmem>>[vector<16xi32>, vector<16xi32>], vector<16xf32>,
      %gather3A_775 = tpu.vector_load_idx %arg13[%shift_right_logical3A_19, %and3A_30, %broadcast_in_dim3A_772] : memref<8x8x128xf32, #tpu.memory_space<vmem>>[vector<16xi32>, vector<16xi32>, vector<16xi32>], vector<16xf32>,
      tpu.vector_store_idx %arg7[%add3A_8, %broadcast_in_dim3A_773], %gather3A_775 : memref<64x512xf32, #tpu.memory_space<vmem>>[vector<16xi32>, vector<16xi32>], vector<16xf32>,
      %gather3A_776 = tpu.vector_load_idx %arg13[%shift_right_logical3A_22, %and3A_33, %broadcast_in_dim3A_772] : memref<8x8x128xf32, #tpu.memory_space<vmem>>[vector<16xi32>, vector<16xi32>, vector<16xi32>], vector<16xf32>,
      tpu.vector_store_idx %arg7[%add3A_11, %broadcast_in_dim3A_773], %gather3A_776 : memref<64x512xf32, #tpu.memory_space<vmem>>[vector<16xi32>, vector<16xi32>], vector<16xf32>,
      %gather3A_777 = tpu.vector_load_idx %arg13[%shift_right_logical3A_25, %and3A_36, %broadcast_in_dim3A_772] : memref<8x8x128xf32, #tpu.memory_space<vmem>>[vector<16xi32>, vector<16xi32>, vector<16xi32>], vector<16xf32>,
      tpu.vector_store_idx %arg7[%add3A_14, %broadcast_in_dim3A_773], %gather3A_777 : memref<64x512xf32, #tpu.memory_space<vmem>>[vector<16xi32>, vector<16xi32>], vector<16xf32>,
      %slice3A_778 = vector.extract_strided_slice %get3A_569 {offsets = [5], sizes = [1], strides = [1]} : vector<16xi32> to vector<1xi32>
      %squeeze3A_779 = vector.extract %slice3A_778[0] : i32 from vector<1xi32>
      %shift_right_logical3A_780 = arith.constant 7 : i32
      %shift_right_logical3A_781 = arith.shrui %squeeze3A_779, %shift_right_logical3A_780 : i32
      %mul3A_782 = arith.constant 128 : i32
      %mul3A_783 = arith.muli %shift_right_logical3A_781, %mul3A_782 : i32
      %multiple_of3A_784 = tpu.assume_multiple %mul3A_783, 128 : i32
      %dma_start3A_785 = arith.constant 0 : i32
      %dma_start3A_786 = arith.constant 0 : i32
      %dma_start3A_787 = tpu.memref_slice %arg2[%dma_start3A_785, %dma_start3A_786, %multiple_of3A_784] : memref<8x8x1000000xf32, #tpu.memory_space<hbm>> -> memref<8x8x128xf32, #tpu.memory_space<hbm>>
      %dma_start3A_788 = arith.constant 0 : i32
      %dma_start3A_789 = arith.constant 0 : i32
      %dma_start3A_790 = tpu.memref_slice %arg2[%dma_start3A_788, %dma_start3A_789, %multiple_of3A_784] : memref<8x8x1000000xf32, #tpu.memory_space<hbm>> -> memref<8x8x128xf32, #tpu.memory_space<hbm>>
      tpu.enqueue_dma source(%dma_start3A_790 : memref<8x8x128xf32, #tpu.memory_space<hbm>>) target(%arg13 : memref<8x8x128xf32, #tpu.memory_space<vmem>>) target_semaphore(%arg21 : memref<!tpu.dma_semaphore, #tpu.memory_space<semaphore_mem>>)
      %dma_wait3A_791 = arith.constant 0 : i32
      %dma_wait3A_792 = arith.constant 0 : i32
      %dma_wait3A_793 = arith.constant 0 : i32
      %dma_wait3A_794 = tpu.memref_slice %arg2[%dma_wait3A_791, %dma_wait3A_792, %dma_wait3A_793] : memref<8x8x1000000xf32, #tpu.memory_space<hbm>> -> memref<8x8x128xf32, #tpu.memory_space<hbm>>
      %dma_wait3A_795 = arith.constant 0 : i32
      %dma_wait3A_796 = arith.constant 0 : i32
      %dma_wait3A_797 = arith.constant 0 : i32
      %dma_wait3A_798 = tpu.memref_slice %arg2[%dma_wait3A_795, %dma_wait3A_796, %dma_wait3A_797] : memref<8x8x1000000xf32, #tpu.memory_space<hbm>> -> memref<8x8x128xf32, #tpu.memory_space<hbm>>
      tpu.wait_dma2 semaphore(%arg22 : memref<!tpu.dma_semaphore, #tpu.memory_space<semaphore_mem>>) src(%dma_wait3A_798 : memref<8x8x128xf32, #tpu.memory_space<hbm>>) dst(%arg14 : memref<8x8x128xf32, #tpu.memory_space<vmem>>)
      %slice3A_799 = vector.extract_strided_slice %scan3A_565 {offsets = [14], sizes = [1], strides = [1]} : vector<16xi32> to vector<1xi32>
      %squeeze3A_800 = vector.extract %slice3A_799[0] : i32 from vector<1xi32>
      %mul3A_801 = arith.constant 16 : i32
      %mul3A_802 = arith.muli %scan3A_564, %mul3A_801 : i32
      %add3A_803 = arith.constant 6 : i32
      %add3A_804 = arith.addi %mul3A_802, %add3A_803 : i32
      %sub3A_805 = arith.constant 8 : i32
      %sub3A_806 = arith.subi %add3A_804, %sub3A_805 : i32
      %and3A_807 = arith.constant 127 : i32
      %and3A_808 = arith.andi %squeeze3A_800, %and3A_807 : i32
      %broadcast_in_dim3A_809 = vector.broadcast %and3A_808 : i32 to vector<16xi32>
      %broadcast_in_dim3A_810 = vector.broadcast %sub3A_806 : i32 to vector<16xi32>
      %gather3A_811 = tpu.vector_load_idx %arg14[%shift_right_logical3A_16, %and3A_27, %broadcast_in_dim3A_809] : memref<8x8x128xf32, #tpu.memory_space<vmem>>[vector<16xi32>, vector<16xi32>, vector<16xi32>], vector<16xf32>,
      tpu.vector_store_idx %arg7[%add3A_5, %broadcast_in_dim3A_810], %gather3A_811 : memref<64x512xf32, #tpu.memory_space<vmem>>[vector<16xi32>, vector<16xi32>], vector<16xf32>,
      %gather3A_812 = tpu.vector_load_idx %arg14[%shift_right_logical3A_19, %and3A_30, %broadcast_in_dim3A_809] : memref<8x8x128xf32, #tpu.memory_space<vmem>>[vector<16xi32>, vector<16xi32>, vector<16xi32>], vector<16xf32>,
      tpu.vector_store_idx %arg7[%add3A_8, %broadcast_in_dim3A_810], %gather3A_812 : memref<64x512xf32, #tpu.memory_space<vmem>>[vector<16xi32>, vector<16xi32>], vector<16xf32>,
      %gather3A_813 = tpu.vector_load_idx %arg14[%shift_right_logical3A_22, %and3A_33, %broadcast_in_dim3A_809] : memref<8x8x128xf32, #tpu.memory_space<vmem>>[vector<16xi32>, vector<16xi32>, vector<16xi32>], vector<16xf32>,
      tpu.vector_store_idx %arg7[%add3A_11, %broadcast_in_dim3A_810], %gather3A_813 : memref<64x512xf32, #tpu.memory_space<vmem>>[vector<16xi32>, vector<16xi32>], vector<16xf32>,
      %gather3A_814 = tpu.vector_load_idx %arg14[%shift_right_logical3A_25, %and3A_36, %broadcast_in_dim3A_809] : memref<8x8x128xf32, #tpu.memory_space<vmem>>[vector<16xi32>, vector<16xi32>, vector<16xi32>], vector<16xf32>,
      tpu.vector_store_idx %arg7[%add3A_14, %broadcast_in_dim3A_810], %gather3A_814 : memref<64x512xf32, #tpu.memory_space<vmem>>[vector<16xi32>, vector<16xi32>], vector<16xf32>,
      %slice3A_815 = vector.extract_strided_slice %get3A_569 {offsets = [6], sizes = [1], strides = [1]} : vector<16xi32> to vector<1xi32>
      %squeeze3A_816 = vector.extract %slice3A_815[0] : i32 from vector<1xi32>
      %shift_right_logical3A_817 = arith.constant 7 : i32
      %shift_right_logical3A_818 = arith.shrui %squeeze3A_816, %shift_right_logical3A_817 : i32
      %mul3A_819 = arith.constant 128 : i32
      %mul3A_820 = arith.muli %shift_right_logical3A_818, %mul3A_819 : i32
      %multiple_of3A_821 = tpu.assume_multiple %mul3A_820, 128 : i32
      %dma_start3A_822 = arith.constant 0 : i32
      %dma_start3A_823 = arith.constant 0 : i32
      %dma_start3A_824 = tpu.memref_slice %arg2[%dma_start3A_822, %dma_start3A_823, %multiple_of3A_821] : memref<8x8x1000000xf32, #tpu.memory_space<hbm>> -> memref<8x8x128xf32, #tpu.memory_space<hbm>>
      %dma_start3A_825 = arith.constant 0 : i32
      %dma_start3A_826 = arith.constant 0 : i32
      %dma_start3A_827 = tpu.memref_slice %arg2[%dma_start3A_825, %dma_start3A_826, %multiple_of3A_821] : memref<8x8x1000000xf32, #tpu.memory_space<hbm>> -> memref<8x8x128xf32, #tpu.memory_space<hbm>>
      tpu.enqueue_dma source(%dma_start3A_827 : memref<8x8x128xf32, #tpu.memory_space<hbm>>) target(%arg14 : memref<8x8x128xf32, #tpu.memory_space<vmem>>) target_semaphore(%arg22 : memref<!tpu.dma_semaphore, #tpu.memory_space<semaphore_mem>>)
      %dma_wait3A_828 = arith.constant 0 : i32
      %dma_wait3A_829 = arith.constant 0 : i32
      %dma_wait3A_830 = arith.constant 0 : i32
      %dma_wait3A_831 = tpu.memref_slice %arg2[%dma_wait3A_828, %dma_wait3A_829, %dma_wait3A_830] : memref<8x8x1000000xf32, #tpu.memory_space<hbm>> -> memref<8x8x128xf32, #tpu.memory_space<hbm>>
      %dma_wait3A_832 = arith.constant 0 : i32
      %dma_wait3A_833 = arith.constant 0 : i32
      %dma_wait3A_834 = arith.constant 0 : i32
      %dma_wait3A_835 = tpu.memref_slice %arg2[%dma_wait3A_832, %dma_wait3A_833, %dma_wait3A_834] : memref<8x8x1000000xf32, #tpu.memory_space<hbm>> -> memref<8x8x128xf32, #tpu.memory_space<hbm>>
      tpu.wait_dma2 semaphore(%arg23 : memref<!tpu.dma_semaphore, #tpu.memory_space<semaphore_mem>>) src(%dma_wait3A_835 : memref<8x8x128xf32, #tpu.memory_space<hbm>>) dst(%arg15 : memref<8x8x128xf32, #tpu.memory_space<vmem>>)
      %slice3A_836 = vector.extract_strided_slice %scan3A_565 {offsets = [15], sizes = [1], strides = [1]} : vector<16xi32> to vector<1xi32>
      %squeeze3A_837 = vector.extract %slice3A_836[0] : i32 from vector<1xi32>
      %mul3A_838 = arith.constant 16 : i32
      %mul3A_839 = arith.muli %scan3A_564, %mul3A_838 : i32
      %add3A_840 = arith.constant 7 : i32
      %add3A_841 = arith.addi %mul3A_839, %add3A_840 : i32
      %sub3A_842 = arith.constant 8 : i32
      %sub3A_843 = arith.subi %add3A_841, %sub3A_842 : i32
      %and3A_844 = arith.constant 127 : i32
      %and3A_845 = arith.andi %squeeze3A_837, %and3A_844 : i32
      %broadcast_in_dim3A_846 = vector.broadcast %and3A_845 : i32 to vector<16xi32>
      %broadcast_in_dim3A_847 = vector.broadcast %sub3A_843 : i32 to vector<16xi32>
      %gather3A_848 = tpu.vector_load_idx %arg15[%shift_right_logical3A_16, %and3A_27, %broadcast_in_dim3A_846] : memref<8x8x128xf32, #tpu.memory_space<vmem>>[vector<16xi32>, vector<16xi32>, vector<16xi32>], vector<16xf32>,
      tpu.vector_store_idx %arg7[%add3A_5, %broadcast_in_dim3A_847], %gather3A_848 : memref<64x512xf32, #tpu.memory_space<vmem>>[vector<16xi32>, vector<16xi32>], vector<16xf32>,
      %gather3A_849 = tpu.vector_load_idx %arg15[%shift_right_logical3A_19, %and3A_30, %broadcast_in_dim3A_846] : memref<8x8x128xf32, #tpu.memory_space<vmem>>[vector<16xi32>, vector<16xi32>, vector<16xi32>], vector<16xf32>,
      tpu.vector_store_idx %arg7[%add3A_8, %broadcast_in_dim3A_847], %gather3A_849 : memref<64x512xf32, #tpu.memory_space<vmem>>[vector<16xi32>, vector<16xi32>], vector<16xf32>,
      %gather3A_850 = tpu.vector_load_idx %arg15[%shift_right_logical3A_22, %and3A_33, %broadcast_in_dim3A_846] : memref<8x8x128xf32, #tpu.memory_space<vmem>>[vector<16xi32>, vector<16xi32>, vector<16xi32>], vector<16xf32>,
      tpu.vector_store_idx %arg7[%add3A_11, %broadcast_in_dim3A_847], %gather3A_850 : memref<64x512xf32, #tpu.memory_space<vmem>>[vector<16xi32>, vector<16xi32>], vector<16xf32>,
      %gather3A_851 = tpu.vector_load_idx %arg15[%shift_right_logical3A_25, %and3A_36, %broadcast_in_dim3A_846] : memref<8x8x128xf32, #tpu.memory_space<vmem>>[vector<16xi32>, vector<16xi32>, vector<16xi32>], vector<16xf32>,
      tpu.vector_store_idx %arg7[%add3A_14, %broadcast_in_dim3A_847], %gather3A_851 : memref<64x512xf32, #tpu.memory_space<vmem>>[vector<16xi32>, vector<16xi32>], vector<16xf32>,
      %slice3A_852 = vector.extract_strided_slice %get3A_569 {offsets = [7], sizes = [1], strides = [1]} : vector<16xi32> to vector<1xi32>
      %squeeze3A_853 = vector.extract %slice3A_852[0] : i32 from vector<1xi32>
      %shift_right_logical3A_854 = arith.constant 7 : i32
      %shift_right_logical3A_855 = arith.shrui %squeeze3A_853, %shift_right_logical3A_854 : i32
      %mul3A_856 = arith.constant 128 : i32
      %mul3A_857 = arith.muli %shift_right_logical3A_855, %mul3A_856 : i32
      %multiple_of3A_858 = tpu.assume_multiple %mul3A_857, 128 : i32
      %dma_start3A_859 = arith.constant 0 : i32
      %dma_start3A_860 = arith.constant 0 : i32
      %dma_start3A_861 = tpu.memref_slice %arg2[%dma_start3A_859, %dma_start3A_860, %multiple_of3A_858] : memref<8x8x1000000xf32, #tpu.memory_space<hbm>> -> memref<8x8x128xf32, #tpu.memory_space<hbm>>
      %dma_start3A_862 = arith.constant 0 : i32
      %dma_start3A_863 = arith.constant 0 : i32
      %dma_start3A_864 = tpu.memref_slice %arg2[%dma_start3A_862, %dma_start3A_863, %multiple_of3A_858] : memref<8x8x1000000xf32, #tpu.memory_space<hbm>> -> memref<8x8x128xf32, #tpu.memory_space<hbm>>
      tpu.enqueue_dma source(%dma_start3A_864 : memref<8x8x128xf32, #tpu.memory_space<hbm>>) target(%arg15 : memref<8x8x128xf32, #tpu.memory_space<vmem>>) target_semaphore(%arg23 : memref<!tpu.dma_semaphore, #tpu.memory_space<semaphore_mem>>)
      %dma_wait3A_865 = arith.constant 0 : i32
      %dma_wait3A_866 = arith.constant 0 : i32
      %dma_wait3A_867 = arith.constant 0 : i32
      %dma_wait3A_868 = tpu.memref_slice %arg2[%dma_wait3A_865, %dma_wait3A_866, %dma_wait3A_867] : memref<8x8x1000000xf32, #tpu.memory_space<hbm>> -> memref<8x8x128xf32, #tpu.memory_space<hbm>>
      %dma_wait3A_869 = arith.constant 0 : i32
      %dma_wait3A_870 = arith.constant 0 : i32
      %dma_wait3A_871 = arith.constant 0 : i32
      %dma_wait3A_872 = tpu.memref_slice %arg2[%dma_wait3A_869, %dma_wait3A_870, %dma_wait3A_871] : memref<8x8x1000000xf32, #tpu.memory_space<hbm>> -> memref<8x8x128xf32, #tpu.memory_space<hbm>>
      tpu.wait_dma2 semaphore(%arg16 : memref<!tpu.dma_semaphore, #tpu.memory_space<semaphore_mem>>) src(%dma_wait3A_872 : memref<8x8x128xf32, #tpu.memory_space<hbm>>) dst(%arg8 : memref<8x8x128xf32, #tpu.memory_space<vmem>>)
      %slice3A_873 = vector.extract_strided_slice %get3A_569 {offsets = [0], sizes = [1], strides = [1]} : vector<16xi32> to vector<1xi32>
      %squeeze3A_874 = vector.extract %slice3A_873[0] : i32 from vector<1xi32>
      %mul3A_875 = arith.constant 16 : i32
      %mul3A_876 = arith.muli %scan3A_564, %mul3A_875 : i32
      %add3A_877 = arith.constant 8 : i32
      %add3A_878 = arith.addi %mul3A_876, %add3A_877 : i32
      %sub3A_879 = arith.constant 8 : i32
      %sub3A_880 = arith.subi %add3A_878, %sub3A_879 : i32
      %and3A_881 = arith.constant 127 : i32
      %and3A_882 = arith.andi %squeeze3A_874, %and3A_881 : i32
      %broadcast_in_dim3A_883 = vector.broadcast %and3A_882 : i32 to vector<16xi32>
      %broadcast_in_dim3A_884 = vector.broadcast %sub3A_880 : i32 to vector<16xi32>
      %gather3A_885 = tpu.vector_load_idx %arg8[%shift_right_logical3A_16, %and3A_27, %broadcast_in_dim3A_883] : memref<8x8x128xf32, #tpu.memory_space<vmem>>[vector<16xi32>, vector<16xi32>, vector<16xi32>], vector<16xf32>,
      tpu.vector_store_idx %arg7[%add3A_5, %broadcast_in_dim3A_884], %gather3A_885 : memref<64x512xf32, #tpu.memory_space<vmem>>[vector<16xi32>, vector<16xi32>], vector<16xf32>,
      %gather3A_886 = tpu.vector_load_idx %arg8[%shift_right_logical3A_19, %and3A_30, %broadcast_in_dim3A_883] : memref<8x8x128xf32, #tpu.memory_space<vmem>>[vector<16xi32>, vector<16xi32>, vector<16xi32>], vector<16xf32>,
      tpu.vector_store_idx %arg7[%add3A_8, %broadcast_in_dim3A_884], %gather3A_886 : memref<64x512xf32, #tpu.memory_space<vmem>>[vector<16xi32>, vector<16xi32>], vector<16xf32>,
      %gather3A_887 = tpu.vector_load_idx %arg8[%shift_right_logical3A_22, %and3A_33, %broadcast_in_dim3A_883] : memref<8x8x128xf32, #tpu.memory_space<vmem>>[vector<16xi32>, vector<16xi32>, vector<16xi32>], vector<16xf32>,
      tpu.vector_store_idx %arg7[%add3A_11, %broadcast_in_dim3A_884], %gather3A_887 : memref<64x512xf32, #tpu.memory_space<vmem>>[vector<16xi32>, vector<16xi32>], vector<16xf32>,
      %gather3A_888 = tpu.vector_load_idx %arg8[%shift_right_logical3A_25, %and3A_36, %broadcast_in_dim3A_883] : memref<8x8x128xf32, #tpu.memory_space<vmem>>[vector<16xi32>, vector<16xi32>, vector<16xi32>], vector<16xf32>,
      tpu.vector_store_idx %arg7[%add3A_14, %broadcast_in_dim3A_884], %gather3A_888 : memref<64x512xf32, #tpu.memory_space<vmem>>[vector<16xi32>, vector<16xi32>], vector<16xf32>,
      %slice3A_889 = vector.extract_strided_slice %get3A_569 {offsets = [8], sizes = [1], strides = [1]} : vector<16xi32> to vector<1xi32>
      %squeeze3A_890 = vector.extract %slice3A_889[0] : i32 from vector<1xi32>
      %shift_right_logical3A_891 = arith.constant 7 : i32
      %shift_right_logical3A_892 = arith.shrui %squeeze3A_890, %shift_right_logical3A_891 : i32
      %mul3A_893 = arith.constant 128 : i32
      %mul3A_894 = arith.muli %shift_right_logical3A_892, %mul3A_893 : i32
      %multiple_of3A_895 = tpu.assume_multiple %mul3A_894, 128 : i32
      %dma_start3A_896 = arith.constant 0 : i32
      %dma_start3A_897 = arith.constant 0 : i32
      %dma_start3A_898 = tpu.memref_slice %arg2[%dma_start3A_896, %dma_start3A_897, %multiple_of3A_895] : memref<8x8x1000000xf32, #tpu.memory_space<hbm>> -> memref<8x8x128xf32, #tpu.memory_space<hbm>>
      %dma_start3A_899 = arith.constant 0 : i32
      %dma_start3A_900 = arith.constant 0 : i32
      %dma_start3A_901 = tpu.memref_slice %arg2[%dma_start3A_899, %dma_start3A_900, %multiple_of3A_895] : memref<8x8x1000000xf32, #tpu.memory_space<hbm>> -> memref<8x8x128xf32, #tpu.memory_space<hbm>>
      tpu.enqueue_dma source(%dma_start3A_901 : memref<8x8x128xf32, #tpu.memory_space<hbm>>) target(%arg8 : memref<8x8x128xf32, #tpu.memory_space<vmem>>) target_semaphore(%arg16 : memref<!tpu.dma_semaphore, #tpu.memory_space<semaphore_mem>>)
      %dma_wait3A_902 = arith.constant 0 : i32
      %dma_wait3A_903 = arith.constant 0 : i32
      %dma_wait3A_904 = arith.constant 0 : i32
      %dma_wait3A_905 = tpu.memref_slice %arg2[%dma_wait3A_902, %dma_wait3A_903, %dma_wait3A_904] : memref<8x8x1000000xf32, #tpu.memory_space<hbm>> -> memref<8x8x128xf32, #tpu.memory_space<hbm>>
      %dma_wait3A_906 = arith.constant 0 : i32
      %dma_wait3A_907 = arith.constant 0 : i32
      %dma_wait3A_908 = arith.constant 0 : i32
      %dma_wait3A_909 = tpu.memref_slice %arg2[%dma_wait3A_906, %dma_wait3A_907, %dma_wait3A_908] : memref<8x8x1000000xf32, #tpu.memory_space<hbm>> -> memref<8x8x128xf32, #tpu.memory_space<hbm>>
      tpu.wait_dma2 semaphore(%arg17 : memref<!tpu.dma_semaphore, #tpu.memory_space<semaphore_mem>>) src(%dma_wait3A_909 : memref<8x8x128xf32, #tpu.memory_space<hbm>>) dst(%arg9 : memref<8x8x128xf32, #tpu.memory_space<vmem>>)
      %slice3A_910 = vector.extract_strided_slice %get3A_569 {offsets = [1], sizes = [1], strides = [1]} : vector<16xi32> to vector<1xi32>
      %squeeze3A_911 = vector.extract %slice3A_910[0] : i32 from vector<1xi32>
      %mul3A_912 = arith.constant 16 : i32
      %mul3A_913 = arith.muli %scan3A_564, %mul3A_912 : i32
      %add3A_914 = arith.constant 9 : i32
      %add3A_915 = arith.addi %mul3A_913, %add3A_914 : i32
      %sub3A_916 = arith.constant 8 : i32
      %sub3A_917 = arith.subi %add3A_915, %sub3A_916 : i32
      %and3A_918 = arith.constant 127 : i32
      %and3A_919 = arith.andi %squeeze3A_911, %and3A_918 : i32
      %broadcast_in_dim3A_920 = vector.broadcast %and3A_919 : i32 to vector<16xi32>
      %broadcast_in_dim3A_921 = vector.broadcast %sub3A_917 : i32 to vector<16xi32>
      %gather3A_922 = tpu.vector_load_idx %arg9[%shift_right_logical3A_16, %and3A_27, %broadcast_in_dim3A_920] : memref<8x8x128xf32, #tpu.memory_space<vmem>>[vector<16xi32>, vector<16xi32>, vector<16xi32>], vector<16xf32>,
      tpu.vector_store_idx %arg7[%add3A_5, %broadcast_in_dim3A_921], %gather3A_922 : memref<64x512xf32, #tpu.memory_space<vmem>>[vector<16xi32>, vector<16xi32>], vector<16xf32>,
      %gather3A_923 = tpu.vector_load_idx %arg9[%shift_right_logical3A_19, %and3A_30, %broadcast_in_dim3A_920] : memref<8x8x128xf32, #tpu.memory_space<vmem>>[vector<16xi32>, vector<16xi32>, vector<16xi32>], vector<16xf32>,
      tpu.vector_store_idx %arg7[%add3A_8, %broadcast_in_dim3A_921], %gather3A_923 : memref<64x512xf32, #tpu.memory_space<vmem>>[vector<16xi32>, vector<16xi32>], vector<16xf32>,
      %gather3A_924 = tpu.vector_load_idx %arg9[%shift_right_logical3A_22, %and3A_33, %broadcast_in_dim3A_920] : memref<8x8x128xf32, #tpu.memory_space<vmem>>[vector<16xi32>, vector<16xi32>, vector<16xi32>], vector<16xf32>,
      tpu.vector_store_idx %arg7[%add3A_11, %broadcast_in_dim3A_921], %gather3A_924 : memref<64x512xf32, #tpu.memory_space<vmem>>[vector<16xi32>, vector<16xi32>], vector<16xf32>,
      %gather3A_925 = tpu.vector_load_idx %arg9[%shift_right_logical3A_25, %and3A_36, %broadcast_in_dim3A_920] : memref<8x8x128xf32, #tpu.memory_space<vmem>>[vector<16xi32>, vector<16xi32>, vector<16xi32>], vector<16xf32>,
      tpu.vector_store_idx %arg7[%add3A_14, %broadcast_in_dim3A_921], %gather3A_925 : memref<64x512xf32, #tpu.memory_space<vmem>>[vector<16xi32>, vector<16xi32>], vector<16xf32>,
      %slice3A_926 = vector.extract_strided_slice %get3A_569 {offsets = [9], sizes = [1], strides = [1]} : vector<16xi32> to vector<1xi32>
      %squeeze3A_927 = vector.extract %slice3A_926[0] : i32 from vector<1xi32>
      %shift_right_logical3A_928 = arith.constant 7 : i32
      %shift_right_logical3A_929 = arith.shrui %squeeze3A_927, %shift_right_logical3A_928 : i32
      %mul3A_930 = arith.constant 128 : i32
      %mul3A_931 = arith.muli %shift_right_logical3A_929, %mul3A_930 : i32
      %multiple_of3A_932 = tpu.assume_multiple %mul3A_931, 128 : i32
      %dma_start3A_933 = arith.constant 0 : i32
      %dma_start3A_934 = arith.constant 0 : i32
      %dma_start3A_935 = tpu.memref_slice %arg2[%dma_start3A_933, %dma_start3A_934, %multiple_of3A_932] : memref<8x8x1000000xf32, #tpu.memory_space<hbm>> -> memref<8x8x128xf32, #tpu.memory_space<hbm>>
      %dma_start3A_936 = arith.constant 0 : i32
      %dma_start3A_937 = arith.constant 0 : i32
      %dma_start3A_938 = tpu.memref_slice %arg2[%dma_start3A_936, %dma_start3A_937, %multiple_of3A_932] : memref<8x8x1000000xf32, #tpu.memory_space<hbm>> -> memref<8x8x128xf32, #tpu.memory_space<hbm>>
      tpu.enqueue_dma source(%dma_start3A_938 : memref<8x8x128xf32, #tpu.memory_space<hbm>>) target(%arg9 : memref<8x8x128xf32, #tpu.memory_space<vmem>>) target_semaphore(%arg17 : memref<!tpu.dma_semaphore, #tpu.memory_space<semaphore_mem>>)
      %dma_wait3A_939 = arith.constant 0 : i32
      %dma_wait3A_940 = arith.constant 0 : i32
      %dma_wait3A_941 = arith.constant 0 : i32
      %dma_wait3A_942 = tpu.memref_slice %arg2[%dma_wait3A_939, %dma_wait3A_940, %dma_wait3A_941] : memref<8x8x1000000xf32, #tpu.memory_space<hbm>> -> memref<8x8x128xf32, #tpu.memory_space<hbm>>
      %dma_wait3A_943 = arith.constant 0 : i32
      %dma_wait3A_944 = arith.constant 0 : i32
      %dma_wait3A_945 = arith.constant 0 : i32
      %dma_wait3A_946 = tpu.memref_slice %arg2[%dma_wait3A_943, %dma_wait3A_944, %dma_wait3A_945] : memref<8x8x1000000xf32, #tpu.memory_space<hbm>> -> memref<8x8x128xf32, #tpu.memory_space<hbm>>
      tpu.wait_dma2 semaphore(%arg18 : memref<!tpu.dma_semaphore, #tpu.memory_space<semaphore_mem>>) src(%dma_wait3A_946 : memref<8x8x128xf32, #tpu.memory_space<hbm>>) dst(%arg10 : memref<8x8x128xf32, #tpu.memory_space<vmem>>)
      %slice3A_947 = vector.extract_strided_slice %get3A_569 {offsets = [2], sizes = [1], strides = [1]} : vector<16xi32> to vector<1xi32>
      %squeeze3A_948 = vector.extract %slice3A_947[0] : i32 from vector<1xi32>
      %mul3A_949 = arith.constant 16 : i32
      %mul3A_950 = arith.muli %scan3A_564, %mul3A_949 : i32
      %add3A_951 = arith.constant 10 : i32
      %add3A_952 = arith.addi %mul3A_950, %add3A_951 : i32
      %sub3A_953 = arith.constant 8 : i32
      %sub3A_954 = arith.subi %add3A_952, %sub3A_953 : i32
      %and3A_955 = arith.constant 127 : i32
      %and3A_956 = arith.andi %squeeze3A_948, %and3A_955 : i32
      %broadcast_in_dim3A_957 = vector.broadcast %and3A_956 : i32 to vector<16xi32>
      %broadcast_in_dim3A_958 = vector.broadcast %sub3A_954 : i32 to vector<16xi32>
      %gather3A_959 = tpu.vector_load_idx %arg10[%shift_right_logical3A_16, %and3A_27, %broadcast_in_dim3A_957] : memref<8x8x128xf32, #tpu.memory_space<vmem>>[vector<16xi32>, vector<16xi32>, vector<16xi32>], vector<16xf32>,
      tpu.vector_store_idx %arg7[%add3A_5, %broadcast_in_dim3A_958], %gather3A_959 : memref<64x512xf32, #tpu.memory_space<vmem>>[vector<16xi32>, vector<16xi32>], vector<16xf32>,
      %gather3A_960 = tpu.vector_load_idx %arg10[%shift_right_logical3A_19, %and3A_30, %broadcast_in_dim3A_957] : memref<8x8x128xf32, #tpu.memory_space<vmem>>[vector<16xi32>, vector<16xi32>, vector<16xi32>], vector<16xf32>,
      tpu.vector_store_idx %arg7[%add3A_8, %broadcast_in_dim3A_958], %gather3A_960 : memref<64x512xf32, #tpu.memory_space<vmem>>[vector<16xi32>, vector<16xi32>], vector<16xf32>,
      %gather3A_961 = tpu.vector_load_idx %arg10[%shift_right_logical3A_22, %and3A_33, %broadcast_in_dim3A_957] : memref<8x8x128xf32, #tpu.memory_space<vmem>>[vector<16xi32>, vector<16xi32>, vector<16xi32>], vector<16xf32>,
      tpu.vector_store_idx %arg7[%add3A_11, %broadcast_in_dim3A_958], %gather3A_961 : memref<64x512xf32, #tpu.memory_space<vmem>>[vector<16xi32>, vector<16xi32>], vector<16xf32>,
      %gather3A_962 = tpu.vector_load_idx %arg10[%shift_right_logical3A_25, %and3A_36, %broadcast_in_dim3A_957] : memref<8x8x128xf32, #tpu.memory_space<vmem>>[vector<16xi32>, vector<16xi32>, vector<16xi32>], vector<16xf32>,
      tpu.vector_store_idx %arg7[%add3A_14, %broadcast_in_dim3A_958], %gather3A_962 : memref<64x512xf32, #tpu.memory_space<vmem>>[vector<16xi32>, vector<16xi32>], vector<16xf32>,
      %slice3A_963 = vector.extract_strided_slice %get3A_569 {offsets = [10], sizes = [1], strides = [1]} : vector<16xi32> to vector<1xi32>
      %squeeze3A_964 = vector.extract %slice3A_963[0] : i32 from vector<1xi32>
      %shift_right_logical3A_965 = arith.constant 7 : i32
      %shift_right_logical3A_966 = arith.shrui %squeeze3A_964, %shift_right_logical3A_965 : i32
      %mul3A_967 = arith.constant 128 : i32
      %mul3A_968 = arith.muli %shift_right_logical3A_966, %mul3A_967 : i32
      %multiple_of3A_969 = tpu.assume_multiple %mul3A_968, 128 : i32
      %dma_start3A_970 = arith.constant 0 : i32
      %dma_start3A_971 = arith.constant 0 : i32
      %dma_start3A_972 = tpu.memref_slice %arg2[%dma_start3A_970, %dma_start3A_971, %multiple_of3A_969] : memref<8x8x1000000xf32, #tpu.memory_space<hbm>> -> memref<8x8x128xf32, #tpu.memory_space<hbm>>
      %dma_start3A_973 = arith.constant 0 : i32
      %dma_start3A_974 = arith.constant 0 : i32
      %dma_start3A_975 = tpu.memref_slice %arg2[%dma_start3A_973, %dma_start3A_974, %multiple_of3A_969] : memref<8x8x1000000xf32, #tpu.memory_space<hbm>> -> memref<8x8x128xf32, #tpu.memory_space<hbm>>
      tpu.enqueue_dma source(%dma_start3A_975 : memref<8x8x128xf32, #tpu.memory_space<hbm>>) target(%arg10 : memref<8x8x128xf32, #tpu.memory_space<vmem>>) target_semaphore(%arg18 : memref<!tpu.dma_semaphore, #tpu.memory_space<semaphore_mem>>)
      %dma_wait3A_976 = arith.constant 0 : i32
      %dma_wait3A_977 = arith.constant 0 : i32
      %dma_wait3A_978 = arith.constant 0 : i32
      %dma_wait3A_979 = tpu.memref_slice %arg2[%dma_wait3A_976, %dma_wait3A_977, %dma_wait3A_978] : memref<8x8x1000000xf32, #tpu.memory_space<hbm>> -> memref<8x8x128xf32, #tpu.memory_space<hbm>>
      %dma_wait3A_980 = arith.constant 0 : i32
      %dma_wait3A_981 = arith.constant 0 : i32
      %dma_wait3A_982 = arith.constant 0 : i32
      %dma_wait3A_983 = tpu.memref_slice %arg2[%dma_wait3A_980, %dma_wait3A_981, %dma_wait3A_982] : memref<8x8x1000000xf32, #tpu.memory_space<hbm>> -> memref<8x8x128xf32, #tpu.memory_space<hbm>>
      tpu.wait_dma2 semaphore(%arg19 : memref<!tpu.dma_semaphore, #tpu.memory_space<semaphore_mem>>) src(%dma_wait3A_983 : memref<8x8x128xf32, #tpu.memory_space<hbm>>) dst(%arg11 : memref<8x8x128xf32, #tpu.memory_space<vmem>>)
      %slice3A_984 = vector.extract_strided_slice %get3A_569 {offsets = [3], sizes = [1], strides = [1]} : vector<16xi32> to vector<1xi32>
      %squeeze3A_985 = vector.extract %slice3A_984[0] : i32 from vector<1xi32>
      %mul3A_986 = arith.constant 16 : i32
      %mul3A_987 = arith.muli %scan3A_564, %mul3A_986 : i32
      %add3A_988 = arith.constant 11 : i32
      %add3A_989 = arith.addi %mul3A_987, %add3A_988 : i32
      %sub3A_990 = arith.constant 8 : i32
      %sub3A_991 = arith.subi %add3A_989, %sub3A_990 : i32
      %and3A_992 = arith.constant 127 : i32
      %and3A_993 = arith.andi %squeeze3A_985, %and3A_992 : i32
      %broadcast_in_dim3A_994 = vector.broadcast %and3A_993 : i32 to vector<16xi32>
      %broadcast_in_dim3A_995 = vector.broadcast %sub3A_991 : i32 to vector<16xi32>
      %gather3A_996 = tpu.vector_load_idx %arg11[%shift_right_logical3A_16, %and3A_27, %broadcast_in_dim3A_994] : memref<8x8x128xf32, #tpu.memory_space<vmem>>[vector<16xi32>, vector<16xi32>, vector<16xi32>], vector<16xf32>,
      tpu.vector_store_idx %arg7[%add3A_5, %broadcast_in_dim3A_995], %gather3A_996 : memref<64x512xf32, #tpu.memory_space<vmem>>[vector<16xi32>, vector<16xi32>], vector<16xf32>,
      %gather3A_997 = tpu.vector_load_idx %arg11[%shift_right_logical3A_19, %and3A_30, %broadcast_in_dim3A_994] : memref<8x8x128xf32, #tpu.memory_space<vmem>>[vector<16xi32>, vector<16xi32>, vector<16xi32>], vector<16xf32>,
      tpu.vector_store_idx %arg7[%add3A_8, %broadcast_in_dim3A_995], %gather3A_997 : memref<64x512xf32, #tpu.memory_space<vmem>>[vector<16xi32>, vector<16xi32>], vector<16xf32>,
      %gather3A_998 = tpu.vector_load_idx %arg11[%shift_right_logical3A_22, %and3A_33, %broadcast_in_dim3A_994] : memref<8x8x128xf32, #tpu.memory_space<vmem>>[vector<16xi32>, vector<16xi32>, vector<16xi32>], vector<16xf32>,
      tpu.vector_store_idx %arg7[%add3A_11, %broadcast_in_dim3A_995], %gather3A_998 : memref<64x512xf32, #tpu.memory_space<vmem>>[vector<16xi32>, vector<16xi32>], vector<16xf32>,
      %gather3A_999 = tpu.vector_load_idx %arg11[%shift_right_logical3A_25, %and3A_36, %broadcast_in_dim3A_994] : memref<8x8x128xf32, #tpu.memory_space<vmem>>[vector<16xi32>, vector<16xi32>, vector<16xi32>], vector<16xf32>,
      tpu.vector_store_idx %arg7[%add3A_14, %broadcast_in_dim3A_995], %gather3A_999 : memref<64x512xf32, #tpu.memory_space<vmem>>[vector<16xi32>, vector<16xi32>], vector<16xf32>,
      %slice3A_1000 = vector.extract_strided_slice %get3A_569 {offsets = [11], sizes = [1], strides = [1]} : vector<16xi32> to vector<1xi32>
      %squeeze3A_1001 = vector.extract %slice3A_1000[0] : i32 from vector<1xi32>
      %shift_right_logical3A_1002 = arith.constant 7 : i32
      %shift_right_logical3A_1003 = arith.shrui %squeeze3A_1001, %shift_right_logical3A_1002 : i32
      %mul3A_1004 = arith.constant 128 : i32
      %mul3A_1005 = arith.muli %shift_right_logical3A_1003, %mul3A_1004 : i32
      %multiple_of3A_1006 = tpu.assume_multiple %mul3A_1005, 128 : i32
      %dma_start3A_1007 = arith.constant 0 : i32
      %dma_start3A_1008 = arith.constant 0 : i32
      %dma_start3A_1009 = tpu.memref_slice %arg2[%dma_start3A_1007, %dma_start3A_1008, %multiple_of3A_1006] : memref<8x8x1000000xf32, #tpu.memory_space<hbm>> -> memref<8x8x128xf32, #tpu.memory_space<hbm>>
      %dma_start3A_1010 = arith.constant 0 : i32
      %dma_start3A_1011 = arith.constant 0 : i32
      %dma_start3A_1012 = tpu.memref_slice %arg2[%dma_start3A_1010, %dma_start3A_1011, %multiple_of3A_1006] : memref<8x8x1000000xf32, #tpu.memory_space<hbm>> -> memref<8x8x128xf32, #tpu.memory_space<hbm>>
      tpu.enqueue_dma source(%dma_start3A_1012 : memref<8x8x128xf32, #tpu.memory_space<hbm>>) target(%arg11 : memref<8x8x128xf32, #tpu.memory_space<vmem>>) target_semaphore(%arg19 : memref<!tpu.dma_semaphore, #tpu.memory_space<semaphore_mem>>)
      %dma_wait3A_1013 = arith.constant 0 : i32
      %dma_wait3A_1014 = arith.constant 0 : i32
      %dma_wait3A_1015 = arith.constant 0 : i32
      %dma_wait3A_1016 = tpu.memref_slice %arg2[%dma_wait3A_1013, %dma_wait3A_1014, %dma_wait3A_1015] : memref<8x8x1000000xf32, #tpu.memory_space<hbm>> -> memref<8x8x128xf32, #tpu.memory_space<hbm>>
      %dma_wait3A_1017 = arith.constant 0 : i32
      %dma_wait3A_1018 = arith.constant 0 : i32
      %dma_wait3A_1019 = arith.constant 0 : i32
      %dma_wait3A_1020 = tpu.memref_slice %arg2[%dma_wait3A_1017, %dma_wait3A_1018, %dma_wait3A_1019] : memref<8x8x1000000xf32, #tpu.memory_space<hbm>> -> memref<8x8x128xf32, #tpu.memory_space<hbm>>
      tpu.wait_dma2 semaphore(%arg20 : memref<!tpu.dma_semaphore, #tpu.memory_space<semaphore_mem>>) src(%dma_wait3A_1020 : memref<8x8x128xf32, #tpu.memory_space<hbm>>) dst(%arg12 : memref<8x8x128xf32, #tpu.memory_space<vmem>>)
      %slice3A_1021 = vector.extract_strided_slice %get3A_569 {offsets = [4], sizes = [1], strides = [1]} : vector<16xi32> to vector<1xi32>
      %squeeze3A_1022 = vector.extract %slice3A_1021[0] : i32 from vector<1xi32>
      %mul3A_1023 = arith.constant 16 : i32
      %mul3A_1024 = arith.muli %scan3A_564, %mul3A_1023 : i32
      %add3A_1025 = arith.constant 12 : i32
      %add3A_1026 = arith.addi %mul3A_1024, %add3A_1025 : i32
      %sub3A_1027 = arith.constant 8 : i32
      %sub3A_1028 = arith.subi %add3A_1026, %sub3A_1027 : i32
      %and3A_1029 = arith.constant 127 : i32
      %and3A_1030 = arith.andi %squeeze3A_1022, %and3A_1029 : i32
      %broadcast_in_dim3A_1031 = vector.broadcast %and3A_1030 : i32 to vector<16xi32>
      %broadcast_in_dim3A_1032 = vector.broadcast %sub3A_1028 : i32 to vector<16xi32>
      %gather3A_1033 = tpu.vector_load_idx %arg12[%shift_right_logical3A_16, %and3A_27, %broadcast_in_dim3A_1031] : memref<8x8x128xf32, #tpu.memory_space<vmem>>[vector<16xi32>, vector<16xi32>, vector<16xi32>], vector<16xf32>,
      tpu.vector_store_idx %arg7[%add3A_5, %broadcast_in_dim3A_1032], %gather3A_1033 : memref<64x512xf32, #tpu.memory_space<vmem>>[vector<16xi32>, vector<16xi32>], vector<16xf32>,
      %gather3A_1034 = tpu.vector_load_idx %arg12[%shift_right_logical3A_19, %and3A_30, %broadcast_in_dim3A_1031] : memref<8x8x128xf32, #tpu.memory_space<vmem>>[vector<16xi32>, vector<16xi32>, vector<16xi32>], vector<16xf32>,
      tpu.vector_store_idx %arg7[%add3A_8, %broadcast_in_dim3A_1032], %gather3A_1034 : memref<64x512xf32, #tpu.memory_space<vmem>>[vector<16xi32>, vector<16xi32>], vector<16xf32>,
      %gather3A_1035 = tpu.vector_load_idx %arg12[%shift_right_logical3A_22, %and3A_33, %broadcast_in_dim3A_1031] : memref<8x8x128xf32, #tpu.memory_space<vmem>>[vector<16xi32>, vector<16xi32>, vector<16xi32>], vector<16xf32>,
      tpu.vector_store_idx %arg7[%add3A_11, %broadcast_in_dim3A_1032], %gather3A_1035 : memref<64x512xf32, #tpu.memory_space<vmem>>[vector<16xi32>, vector<16xi32>], vector<16xf32>,
      %gather3A_1036 = tpu.vector_load_idx %arg12[%shift_right_logical3A_25, %and3A_36, %broadcast_in_dim3A_1031] : memref<8x8x128xf32, #tpu.memory_space<vmem>>[vector<16xi32>, vector<16xi32>, vector<16xi32>], vector<16xf32>,
      tpu.vector_store_idx %arg7[%add3A_14, %broadcast_in_dim3A_1032], %gather3A_1036 : memref<64x512xf32, #tpu.memory_space<vmem>>[vector<16xi32>, vector<16xi32>], vector<16xf32>,
      %slice3A_1037 = vector.extract_strided_slice %get3A_569 {offsets = [12], sizes = [1], strides = [1]} : vector<16xi32> to vector<1xi32>
      %squeeze3A_1038 = vector.extract %slice3A_1037[0] : i32 from vector<1xi32>
      %shift_right_logical3A_1039 = arith.constant 7 : i32
      %shift_right_logical3A_1040 = arith.shrui %squeeze3A_1038, %shift_right_logical3A_1039 : i32
      %mul3A_1041 = arith.constant 128 : i32
      %mul3A_1042 = arith.muli %shift_right_logical3A_1040, %mul3A_1041 : i32
      %multiple_of3A_1043 = tpu.assume_multiple %mul3A_1042, 128 : i32
      %dma_start3A_1044 = arith.constant 0 : i32
      %dma_start3A_1045 = arith.constant 0 : i32
      %dma_start3A_1046 = tpu.memref_slice %arg2[%dma_start3A_1044, %dma_start3A_1045, %multiple_of3A_1043] : memref<8x8x1000000xf32, #tpu.memory_space<hbm>> -> memref<8x8x128xf32, #tpu.memory_space<hbm>>
      %dma_start3A_1047 = arith.constant 0 : i32
      %dma_start3A_1048 = arith.constant 0 : i32
      %dma_start3A_1049 = tpu.memref_slice %arg2[%dma_start3A_1047, %dma_start3A_1048, %multiple_of3A_1043] : memref<8x8x1000000xf32, #tpu.memory_space<hbm>> -> memref<8x8x128xf32, #tpu.memory_space<hbm>>
      tpu.enqueue_dma source(%dma_start3A_1049 : memref<8x8x128xf32, #tpu.memory_space<hbm>>) target(%arg12 : memref<8x8x128xf32, #tpu.memory_space<vmem>>) target_semaphore(%arg20 : memref<!tpu.dma_semaphore, #tpu.memory_space<semaphore_mem>>)
      %dma_wait3A_1050 = arith.constant 0 : i32
      %dma_wait3A_1051 = arith.constant 0 : i32
      %dma_wait3A_1052 = arith.constant 0 : i32
      %dma_wait3A_1053 = tpu.memref_slice %arg2[%dma_wait3A_1050, %dma_wait3A_1051, %dma_wait3A_1052] : memref<8x8x1000000xf32, #tpu.memory_space<hbm>> -> memref<8x8x128xf32, #tpu.memory_space<hbm>>
      %dma_wait3A_1054 = arith.constant 0 : i32
      %dma_wait3A_1055 = arith.constant 0 : i32
      %dma_wait3A_1056 = arith.constant 0 : i32
      %dma_wait3A_1057 = tpu.memref_slice %arg2[%dma_wait3A_1054, %dma_wait3A_1055, %dma_wait3A_1056] : memref<8x8x1000000xf32, #tpu.memory_space<hbm>> -> memref<8x8x128xf32, #tpu.memory_space<hbm>>
      tpu.wait_dma2 semaphore(%arg21 : memref<!tpu.dma_semaphore, #tpu.memory_space<semaphore_mem>>) src(%dma_wait3A_1057 : memref<8x8x128xf32, #tpu.memory_space<hbm>>) dst(%arg13 : memref<8x8x128xf32, #tpu.memory_space<vmem>>)
      %slice3A_1058 = vector.extract_strided_slice %get3A_569 {offsets = [5], sizes = [1], strides = [1]} : vector<16xi32> to vector<1xi32>
      %squeeze3A_1059 = vector.extract %slice3A_1058[0] : i32 from vector<1xi32>
      %mul3A_1060 = arith.constant 16 : i32
      %mul3A_1061 = arith.muli %scan3A_564, %mul3A_1060 : i32
      %add3A_1062 = arith.constant 13 : i32
      %add3A_1063 = arith.addi %mul3A_1061, %add3A_1062 : i32
      %sub3A_1064 = arith.constant 8 : i32
      %sub3A_1065 = arith.subi %add3A_1063, %sub3A_1064 : i32
      %and3A_1066 = arith.constant 127 : i32
      %and3A_1067 = arith.andi %squeeze3A_1059, %and3A_1066 : i32
      %broadcast_in_dim3A_1068 = vector.broadcast %and3A_1067 : i32 to vector<16xi32>
      %broadcast_in_dim3A_1069 = vector.broadcast %sub3A_1065 : i32 to vector<16xi32>
      %gather3A_1070 = tpu.vector_load_idx %arg13[%shift_right_logical3A_16, %and3A_27, %broadcast_in_dim3A_1068] : memref<8x8x128xf32, #tpu.memory_space<vmem>>[vector<16xi32>, vector<16xi32>, vector<16xi32>], vector<16xf32>,
      tpu.vector_store_idx %arg7[%add3A_5, %broadcast_in_dim3A_1069], %gather3A_1070 : memref<64x512xf32, #tpu.memory_space<vmem>>[vector<16xi32>, vector<16xi32>], vector<16xf32>,
      %gather3A_1071 = tpu.vector_load_idx %arg13[%shift_right_logical3A_19, %and3A_30, %broadcast_in_dim3A_1068] : memref<8x8x128xf32, #tpu.memory_space<vmem>>[vector<16xi32>, vector<16xi32>, vector<16xi32>], vector<16xf32>,
      tpu.vector_store_idx %arg7[%add3A_8, %broadcast_in_dim3A_1069], %gather3A_1071 : memref<64x512xf32, #tpu.memory_space<vmem>>[vector<16xi32>, vector<16xi32>], vector<16xf32>,
      %gather3A_1072 = tpu.vector_load_idx %arg13[%shift_right_logical3A_22, %and3A_33, %broadcast_in_dim3A_1068] : memref<8x8x128xf32, #tpu.memory_space<vmem>>[vector<16xi32>, vector<16xi32>, vector<16xi32>], vector<16xf32>,
      tpu.vector_store_idx %arg7[%add3A_11, %broadcast_in_dim3A_1069], %gather3A_1072 : memref<64x512xf32, #tpu.memory_space<vmem>>[vector<16xi32>, vector<16xi32>], vector<16xf32>,
      %gather3A_1073 = tpu.vector_load_idx %arg13[%shift_right_logical3A_25, %and3A_36, %broadcast_in_dim3A_1068] : memref<8x8x128xf32, #tpu.memory_space<vmem>>[vector<16xi32>, vector<16xi32>, vector<16xi32>], vector<16xf32>,
      tpu.vector_store_idx %arg7[%add3A_14, %broadcast_in_dim3A_1069], %gather3A_1073 : memref<64x512xf32, #tpu.memory_space<vmem>>[vector<16xi32>, vector<16xi32>], vector<16xf32>,
      %slice3A_1074 = vector.extract_strided_slice %get3A_569 {offsets = [13], sizes = [1], strides = [1]} : vector<16xi32> to vector<1xi32>
      %squeeze3A_1075 = vector.extract %slice3A_1074[0] : i32 from vector<1xi32>
      %shift_right_logical3A_1076 = arith.constant 7 : i32
      %shift_right_logical3A_1077 = arith.shrui %squeeze3A_1075, %shift_right_logical3A_1076 : i32
      %mul3A_1078 = arith.constant 128 : i32
      %mul3A_1079 = arith.muli %shift_right_logical3A_1077, %mul3A_1078 : i32
      %multiple_of3A_1080 = tpu.assume_multiple %mul3A_1079, 128 : i32
      %dma_start3A_1081 = arith.constant 0 : i32
      %dma_start3A_1082 = arith.constant 0 : i32
      %dma_start3A_1083 = tpu.memref_slice %arg2[%dma_start3A_1081, %dma_start3A_1082, %multiple_of3A_1080] : memref<8x8x1000000xf32, #tpu.memory_space<hbm>> -> memref<8x8x128xf32, #tpu.memory_space<hbm>>
      %dma_start3A_1084 = arith.constant 0 : i32
      %dma_start3A_1085 = arith.constant 0 : i32
      %dma_start3A_1086 = tpu.memref_slice %arg2[%dma_start3A_1084, %dma_start3A_1085, %multiple_of3A_1080] : memref<8x8x1000000xf32, #tpu.memory_space<hbm>> -> memref<8x8x128xf32, #tpu.memory_space<hbm>>
      tpu.enqueue_dma source(%dma_start3A_1086 : memref<8x8x128xf32, #tpu.memory_space<hbm>>) target(%arg13 : memref<8x8x128xf32, #tpu.memory_space<vmem>>) target_semaphore(%arg21 : memref<!tpu.dma_semaphore, #tpu.memory_space<semaphore_mem>>)
      %dma_wait3A_1087 = arith.constant 0 : i32
      %dma_wait3A_1088 = arith.constant 0 : i32
      %dma_wait3A_1089 = arith.constant 0 : i32
      %dma_wait3A_1090 = tpu.memref_slice %arg2[%dma_wait3A_1087, %dma_wait3A_1088, %dma_wait3A_1089] : memref<8x8x1000000xf32, #tpu.memory_space<hbm>> -> memref<8x8x128xf32, #tpu.memory_space<hbm>>
      %dma_wait3A_1091 = arith.constant 0 : i32
      %dma_wait3A_1092 = arith.constant 0 : i32
      %dma_wait3A_1093 = arith.constant 0 : i32
      %dma_wait3A_1094 = tpu.memref_slice %arg2[%dma_wait3A_1091, %dma_wait3A_1092, %dma_wait3A_1093] : memref<8x8x1000000xf32, #tpu.memory_space<hbm>> -> memref<8x8x128xf32, #tpu.memory_space<hbm>>
      tpu.wait_dma2 semaphore(%arg22 : memref<!tpu.dma_semaphore, #tpu.memory_space<semaphore_mem>>) src(%dma_wait3A_1094 : memref<8x8x128xf32, #tpu.memory_space<hbm>>) dst(%arg14 : memref<8x8x128xf32, #tpu.memory_space<vmem>>)
      %slice3A_1095 = vector.extract_strided_slice %get3A_569 {offsets = [6], sizes = [1], strides = [1]} : vector<16xi32> to vector<1xi32>
      %squeeze3A_1096 = vector.extract %slice3A_1095[0] : i32 from vector<1xi32>
      %mul3A_1097 = arith.constant 16 : i32
      %mul3A_1098 = arith.muli %scan3A_564, %mul3A_1097 : i32
      %add3A_1099 = arith.constant 14 : i32
      %add3A_1100 = arith.addi %mul3A_1098, %add3A_1099 : i32
      %sub3A_1101 = arith.constant 8 : i32
      %sub3A_1102 = arith.subi %add3A_1100, %sub3A_1101 : i32
      %and3A_1103 = arith.constant 127 : i32
      %and3A_1104 = arith.andi %squeeze3A_1096, %and3A_1103 : i32
      %broadcast_in_dim3A_1105 = vector.broadcast %and3A_1104 : i32 to vector<16xi32>
      %broadcast_in_dim3A_1106 = vector.broadcast %sub3A_1102 : i32 to vector<16xi32>
      %gather3A_1107 = tpu.vector_load_idx %arg14[%shift_right_logical3A_16, %and3A_27, %broadcast_in_dim3A_1105] : memref<8x8x128xf32, #tpu.memory_space<vmem>>[vector<16xi32>, vector<16xi32>, vector<16xi32>], vector<16xf32>,
      tpu.vector_store_idx %arg7[%add3A_5, %broadcast_in_dim3A_1106], %gather3A_1107 : memref<64x512xf32, #tpu.memory_space<vmem>>[vector<16xi32>, vector<16xi32>], vector<16xf32>,
      %gather3A_1108 = tpu.vector_load_idx %arg14[%shift_right_logical3A_19, %and3A_30, %broadcast_in_dim3A_1105] : memref<8x8x128xf32, #tpu.memory_space<vmem>>[vector<16xi32>, vector<16xi32>, vector<16xi32>], vector<16xf32>,
      tpu.vector_store_idx %arg7[%add3A_8, %broadcast_in_dim3A_1106], %gather3A_1108 : memref<64x512xf32, #tpu.memory_space<vmem>>[vector<16xi32>, vector<16xi32>], vector<16xf32>,
      %gather3A_1109 = tpu.vector_load_idx %arg14[%shift_right_logical3A_22, %and3A_33, %broadcast_in_dim3A_1105] : memref<8x8x128xf32, #tpu.memory_space<vmem>>[vector<16xi32>, vector<16xi32>, vector<16xi32>], vector<16xf32>,
      tpu.vector_store_idx %arg7[%add3A_11, %broadcast_in_dim3A_1106], %gather3A_1109 : memref<64x512xf32, #tpu.memory_space<vmem>>[vector<16xi32>, vector<16xi32>], vector<16xf32>,
      %gather3A_1110 = tpu.vector_load_idx %arg14[%shift_right_logical3A_25, %and3A_36, %broadcast_in_dim3A_1105] : memref<8x8x128xf32, #tpu.memory_space<vmem>>[vector<16xi32>, vector<16xi32>, vector<16xi32>], vector<16xf32>,
      tpu.vector_store_idx %arg7[%add3A_14, %broadcast_in_dim3A_1106], %gather3A_1110 : memref<64x512xf32, #tpu.memory_space<vmem>>[vector<16xi32>, vector<16xi32>], vector<16xf32>,
      %slice3A_1111 = vector.extract_strided_slice %get3A_569 {offsets = [14], sizes = [1], strides = [1]} : vector<16xi32> to vector<1xi32>
      %squeeze3A_1112 = vector.extract %slice3A_1111[0] : i32 from vector<1xi32>
      %shift_right_logical3A_1113 = arith.constant 7 : i32
      %shift_right_logical3A_1114 = arith.shrui %squeeze3A_1112, %shift_right_logical3A_1113 : i32
      %mul3A_1115 = arith.constant 128 : i32
      %mul3A_1116 = arith.muli %shift_right_logical3A_1114, %mul3A_1115 : i32
      %multiple_of3A_1117 = tpu.assume_multiple %mul3A_1116, 128 : i32
      %dma_start3A_1118 = arith.constant 0 : i32
      %dma_start3A_1119 = arith.constant 0 : i32
      %dma_start3A_1120 = tpu.memref_slice %arg2[%dma_start3A_1118, %dma_start3A_1119, %multiple_of3A_1117] : memref<8x8x1000000xf32, #tpu.memory_space<hbm>> -> memref<8x8x128xf32, #tpu.memory_space<hbm>>
      %dma_start3A_1121 = arith.constant 0 : i32
      %dma_start3A_1122 = arith.constant 0 : i32
      %dma_start3A_1123 = tpu.memref_slice %arg2[%dma_start3A_1121, %dma_start3A_1122, %multiple_of3A_1117] : memref<8x8x1000000xf32, #tpu.memory_space<hbm>> -> memref<8x8x128xf32, #tpu.memory_space<hbm>>
      tpu.enqueue_dma source(%dma_start3A_1123 : memref<8x8x128xf32, #tpu.memory_space<hbm>>) target(%arg14 : memref<8x8x128xf32, #tpu.memory_space<vmem>>) target_semaphore(%arg22 : memref<!tpu.dma_semaphore, #tpu.memory_space<semaphore_mem>>)
      %dma_wait3A_1124 = arith.constant 0 : i32
      %dma_wait3A_1125 = arith.constant 0 : i32
      %dma_wait3A_1126 = arith.constant 0 : i32
      %dma_wait3A_1127 = tpu.memref_slice %arg2[%dma_wait3A_1124, %dma_wait3A_1125, %dma_wait3A_1126] : memref<8x8x1000000xf32, #tpu.memory_space<hbm>> -> memref<8x8x128xf32, #tpu.memory_space<hbm>>
      %dma_wait3A_1128 = arith.constant 0 : i32
      %dma_wait3A_1129 = arith.constant 0 : i32
      %dma_wait3A_1130 = arith.constant 0 : i32
      %dma_wait3A_1131 = tpu.memref_slice %arg2[%dma_wait3A_1128, %dma_wait3A_1129, %dma_wait3A_1130] : memref<8x8x1000000xf32, #tpu.memory_space<hbm>> -> memref<8x8x128xf32, #tpu.memory_space<hbm>>
      tpu.wait_dma2 semaphore(%arg23 : memref<!tpu.dma_semaphore, #tpu.memory_space<semaphore_mem>>) src(%dma_wait3A_1131 : memref<8x8x128xf32, #tpu.memory_space<hbm>>) dst(%arg15 : memref<8x8x128xf32, #tpu.memory_space<vmem>>)
      %slice3A_1132 = vector.extract_strided_slice %get3A_569 {offsets = [7], sizes = [1], strides = [1]} : vector<16xi32> to vector<1xi32>
      %squeeze3A_1133 = vector.extract %slice3A_1132[0] : i32 from vector<1xi32>
      %mul3A_1134 = arith.constant 16 : i32
      %mul3A_1135 = arith.muli %scan3A_564, %mul3A_1134 : i32
      %add3A_1136 = arith.constant 15 : i32
      %add3A_1137 = arith.addi %mul3A_1135, %add3A_1136 : i32
      %sub3A_1138 = arith.constant 8 : i32
      %sub3A_1139 = arith.subi %add3A_1137, %sub3A_1138 : i32
      %and3A_1140 = arith.constant 127 : i32
      %and3A_1141 = arith.andi %squeeze3A_1133, %and3A_1140 : i32
      %broadcast_in_dim3A_1142 = vector.broadcast %and3A_1141 : i32 to vector<16xi32>
      %broadcast_in_dim3A_1143 = vector.broadcast %sub3A_1139 : i32 to vector<16xi32>
      %gather3A_1144 = tpu.vector_load_idx %arg15[%shift_right_logical3A_16, %and3A_27, %broadcast_in_dim3A_1142] : memref<8x8x128xf32, #tpu.memory_space<vmem>>[vector<16xi32>, vector<16xi32>, vector<16xi32>], vector<16xf32>,
      tpu.vector_store_idx %arg7[%add3A_5, %broadcast_in_dim3A_1143], %gather3A_1144 : memref<64x512xf32, #tpu.memory_space<vmem>>[vector<16xi32>, vector<16xi32>], vector<16xf32>,
      %gather3A_1145 = tpu.vector_load_idx %arg15[%shift_right_logical3A_19, %and3A_30, %broadcast_in_dim3A_1142] : memref<8x8x128xf32, #tpu.memory_space<vmem>>[vector<16xi32>, vector<16xi32>, vector<16xi32>], vector<16xf32>,
      tpu.vector_store_idx %arg7[%add3A_8, %broadcast_in_dim3A_1143], %gather3A_1145 : memref<64x512xf32, #tpu.memory_space<vmem>>[vector<16xi32>, vector<16xi32>], vector<16xf32>,
      %gather3A_1146 = tpu.vector_load_idx %arg15[%shift_right_logical3A_22, %and3A_33, %broadcast_in_dim3A_1142] : memref<8x8x128xf32, #tpu.memory_space<vmem>>[vector<16xi32>, vector<16xi32>, vector<16xi32>], vector<16xf32>,
      tpu.vector_store_idx %arg7[%add3A_11, %broadcast_in_dim3A_1143], %gather3A_1146 : memref<64x512xf32, #tpu.memory_space<vmem>>[vector<16xi32>, vector<16xi32>], vector<16xf32>,
      %gather3A_1147 = tpu.vector_load_idx %arg15[%shift_right_logical3A_25, %and3A_36, %broadcast_in_dim3A_1142] : memref<8x8x128xf32, #tpu.memory_space<vmem>>[vector<16xi32>, vector<16xi32>, vector<16xi32>], vector<16xf32>,
      tpu.vector_store_idx %arg7[%add3A_14, %broadcast_in_dim3A_1143], %gather3A_1147 : memref<64x512xf32, #tpu.memory_space<vmem>>[vector<16xi32>, vector<16xi32>], vector<16xf32>,
      %slice3A_1148 = vector.extract_strided_slice %get3A_569 {offsets = [15], sizes = [1], strides = [1]} : vector<16xi32> to vector<1xi32>
      %squeeze3A_1149 = vector.extract %slice3A_1148[0] : i32 from vector<1xi32>
      %shift_right_logical3A_1150 = arith.constant 7 : i32
      %shift_right_logical3A_1151 = arith.shrui %squeeze3A_1149, %shift_right_logical3A_1150 : i32
      %mul3A_1152 = arith.constant 128 : i32
      %mul3A_1153 = arith.muli %shift_right_logical3A_1151, %mul3A_1152 : i32
      %multiple_of3A_1154 = tpu.assume_multiple %mul3A_1153, 128 : i32
      %dma_start3A_1155 = arith.constant 0 : i32
      %dma_start3A_1156 = arith.constant 0 : i32
      %dma_start3A_1157 = tpu.memref_slice %arg2[%dma_start3A_1155, %dma_start3A_1156, %multiple_of3A_1154] : memref<8x8x1000000xf32, #tpu.memory_space<hbm>> -> memref<8x8x128xf32, #tpu.memory_space<hbm>>
      %dma_start3A_1158 = arith.constant 0 : i32
      %dma_start3A_1159 = arith.constant 0 : i32
      %dma_start3A_1160 = tpu.memref_slice %arg2[%dma_start3A_1158, %dma_start3A_1159, %multiple_of3A_1154] : memref<8x8x1000000xf32, #tpu.memory_space<hbm>> -> memref<8x8x128xf32, #tpu.memory_space<hbm>>
      tpu.enqueue_dma source(%dma_start3A_1160 : memref<8x8x128xf32, #tpu.memory_space<hbm>>) target(%arg15 : memref<8x8x128xf32, #tpu.memory_space<vmem>>) target_semaphore(%arg23 : memref<!tpu.dma_semaphore, #tpu.memory_space<semaphore_mem>>)
      scf.yield %get3A_569 : vector<16xi32>
    }
    %scan3A_395 = arith.constant 31 : i32
    %dma_wait3A_396 = arith.constant 0 : i32
    %dma_wait3A_397 = arith.constant 0 : i32
    %dma_wait3A_398 = arith.constant 0 : i32
    %dma_wait3A_399 = tpu.memref_slice %arg2[%dma_wait3A_396, %dma_wait3A_397, %dma_wait3A_398] : memref<8x8x1000000xf32, #tpu.memory_space<hbm>> -> memref<8x8x128xf32, #tpu.memory_space<hbm>>
    %dma_wait3A_400 = arith.constant 0 : i32
    %dma_wait3A_401 = arith.constant 0 : i32
    %dma_wait3A_402 = arith.constant 0 : i32
    %dma_wait3A_403 = tpu.memref_slice %arg2[%dma_wait3A_400, %dma_wait3A_401, %dma_wait3A_402] : memref<8x8x1000000xf32, #tpu.memory_space<hbm>> -> memref<8x8x128xf32, #tpu.memory_space<hbm>>
    tpu.wait_dma2 semaphore(%arg16 : memref<!tpu.dma_semaphore, #tpu.memory_space<semaphore_mem>>) src(%dma_wait3A_403 : memref<8x8x128xf32, #tpu.memory_space<hbm>>) dst(%arg8 : memref<8x8x128xf32, #tpu.memory_space<vmem>>)
    %slice3A_404 = vector.extract_strided_slice %scan3A_394 {offsets = [8], sizes = [1], strides = [1]} : vector<16xi32> to vector<1xi32>
    %squeeze3A_405 = vector.extract %slice3A_404[0] : i32 from vector<1xi32>
    %and3A_406 = arith.constant 127 : i32
    %and3A_407 = arith.andi %squeeze3A_405, %and3A_406 : i32
    %broadcast_in_dim3A_408 = vector.broadcast %and3A_407 : i32 to vector<16xi32>
    %broadcast_in_dim3A_409 = arith.constant 504 : i32
    %broadcast_in_dim3A_410 = vector.broadcast %broadcast_in_dim3A_409 : i32 to vector<16xi32>
    %gather3A_411 = tpu.vector_load_idx %arg8[%shift_right_logical3A_16, %and3A_27, %broadcast_in_dim3A_408] : memref<8x8x128xf32, #tpu.memory_space<vmem>>[vector<16xi32>, vector<16xi32>, vector<16xi32>], vector<16xf32>,
    tpu.vector_store_idx %arg7[%add3A_5, %broadcast_in_dim3A_410], %gather3A_411 : memref<64x512xf32, #tpu.memory_space<vmem>>[vector<16xi32>, vector<16xi32>], vector<16xf32>,
    %gather3A_412 = tpu.vector_load_idx %arg8[%shift_right_logical3A_19, %and3A_30, %broadcast_in_dim3A_408] : memref<8x8x128xf32, #tpu.memory_space<vmem>>[vector<16xi32>, vector<16xi32>, vector<16xi32>], vector<16xf32>,
    tpu.vector_store_idx %arg7[%add3A_8, %broadcast_in_dim3A_410], %gather3A_412 : memref<64x512xf32, #tpu.memory_space<vmem>>[vector<16xi32>, vector<16xi32>], vector<16xf32>,
    %gather3A_413 = tpu.vector_load_idx %arg8[%shift_right_logical3A_22, %and3A_33, %broadcast_in_dim3A_408] : memref<8x8x128xf32, #tpu.memory_space<vmem>>[vector<16xi32>, vector<16xi32>, vector<16xi32>], vector<16xf32>,
    tpu.vector_store_idx %arg7[%add3A_11, %broadcast_in_dim3A_410], %gather3A_413 : memref<64x512xf32, #tpu.memory_space<vmem>>[vector<16xi32>, vector<16xi32>], vector<16xf32>,
    %gather3A_414 = tpu.vector_load_idx %arg8[%shift_right_logical3A_25, %and3A_36, %broadcast_in_dim3A_408] : memref<8x8x128xf32, #tpu.memory_space<vmem>>[vector<16xi32>, vector<16xi32>, vector<16xi32>], vector<16xf32>,
    tpu.vector_store_idx %arg7[%add3A_14, %broadcast_in_dim3A_410], %gather3A_414 : memref<64x512xf32, #tpu.memory_space<vmem>>[vector<16xi32>, vector<16xi32>], vector<16xf32>,
    %dma_wait3A_415 = arith.constant 0 : i32
    %dma_wait3A_416 = arith.constant 0 : i32
    %dma_wait3A_417 = arith.constant 0 : i32
    %dma_wait3A_418 = tpu.memref_slice %arg2[%dma_wait3A_415, %dma_wait3A_416, %dma_wait3A_417] : memref<8x8x1000000xf32, #tpu.memory_space<hbm>> -> memref<8x8x128xf32, #tpu.memory_space<hbm>>
    %dma_wait3A_419 = arith.constant 0 : i32
    %dma_wait3A_420 = arith.constant 0 : i32
    %dma_wait3A_421 = arith.constant 0 : i32
    %dma_wait3A_422 = tpu.memref_slice %arg2[%dma_wait3A_419, %dma_wait3A_420, %dma_wait3A_421] : memref<8x8x1000000xf32, #tpu.memory_space<hbm>> -> memref<8x8x128xf32, #tpu.memory_space<hbm>>
    tpu.wait_dma2 semaphore(%arg17 : memref<!tpu.dma_semaphore, #tpu.memory_space<semaphore_mem>>) src(%dma_wait3A_422 : memref<8x8x128xf32, #tpu.memory_space<hbm>>) dst(%arg9 : memref<8x8x128xf32, #tpu.memory_space<vmem>>)
    %slice3A_423 = vector.extract_strided_slice %scan3A_394 {offsets = [9], sizes = [1], strides = [1]} : vector<16xi32> to vector<1xi32>
    %squeeze3A_424 = vector.extract %slice3A_423[0] : i32 from vector<1xi32>
    %and3A_425 = arith.constant 127 : i32
    %and3A_426 = arith.andi %squeeze3A_424, %and3A_425 : i32
    %broadcast_in_dim3A_427 = vector.broadcast %and3A_426 : i32 to vector<16xi32>
    %broadcast_in_dim3A_428 = arith.constant 505 : i32
    %broadcast_in_dim3A_429 = vector.broadcast %broadcast_in_dim3A_428 : i32 to vector<16xi32>
    %gather3A_430 = tpu.vector_load_idx %arg9[%shift_right_logical3A_16, %and3A_27, %broadcast_in_dim3A_427] : memref<8x8x128xf32, #tpu.memory_space<vmem>>[vector<16xi32>, vector<16xi32>, vector<16xi32>], vector<16xf32>,
    tpu.vector_store_idx %arg7[%add3A_5, %broadcast_in_dim3A_429], %gather3A_430 : memref<64x512xf32, #tpu.memory_space<vmem>>[vector<16xi32>, vector<16xi32>], vector<16xf32>,
    %gather3A_431 = tpu.vector_load_idx %arg9[%shift_right_logical3A_19, %and3A_30, %broadcast_in_dim3A_427] : memref<8x8x128xf32, #tpu.memory_space<vmem>>[vector<16xi32>, vector<16xi32>, vector<16xi32>], vector<16xf32>,
    tpu.vector_store_idx %arg7[%add3A_8, %broadcast_in_dim3A_429], %gather3A_431 : memref<64x512xf32, #tpu.memory_space<vmem>>[vector<16xi32>, vector<16xi32>], vector<16xf32>,
    %gather3A_432 = tpu.vector_load_idx %arg9[%shift_right_logical3A_22, %and3A_33, %broadcast_in_dim3A_427] : memref<8x8x128xf32, #tpu.memory_space<vmem>>[vector<16xi32>, vector<16xi32>, vector<16xi32>], vector<16xf32>,
    tpu.vector_store_idx %arg7[%add3A_11, %broadcast_in_dim3A_429], %gather3A_432 : memref<64x512xf32, #tpu.memory_space<vmem>>[vector<16xi32>, vector<16xi32>], vector<16xf32>,
    %gather3A_433 = tpu.vector_load_idx %arg9[%shift_right_logical3A_25, %and3A_36, %broadcast_in_dim3A_427] : memref<8x8x128xf32, #tpu.memory_space<vmem>>[vector<16xi32>, vector<16xi32>, vector<16xi32>], vector<16xf32>,
    tpu.vector_store_idx %arg7[%add3A_14, %broadcast_in_dim3A_429], %gather3A_433 : memref<64x512xf32, #tpu.memory_space<vmem>>[vector<16xi32>, vector<16xi32>], vector<16xf32>,
    %dma_wait3A_434 = arith.constant 0 : i32
    %dma_wait3A_435 = arith.constant 0 : i32
    %dma_wait3A_436 = arith.constant 0 : i32
    %dma_wait3A_437 = tpu.memref_slice %arg2[%dma_wait3A_434, %dma_wait3A_435, %dma_wait3A_436] : memref<8x8x1000000xf32, #tpu.memory_space<hbm>> -> memref<8x8x128xf32, #tpu.memory_space<hbm>>
    %dma_wait3A_438 = arith.constant 0 : i32
    %dma_wait3A_439 = arith.constant 0 : i32
    %dma_wait3A_440 = arith.constant 0 : i32
    %dma_wait3A_441 = tpu.memref_slice %arg2[%dma_wait3A_438, %dma_wait3A_439, %dma_wait3A_440] : memref<8x8x1000000xf32, #tpu.memory_space<hbm>> -> memref<8x8x128xf32, #tpu.memory_space<hbm>>
    tpu.wait_dma2 semaphore(%arg18 : memref<!tpu.dma_semaphore, #tpu.memory_space<semaphore_mem>>) src(%dma_wait3A_441 : memref<8x8x128xf32, #tpu.memory_space<hbm>>) dst(%arg10 : memref<8x8x128xf32, #tpu.memory_space<vmem>>)
    %slice3A_442 = vector.extract_strided_slice %scan3A_394 {offsets = [10], sizes = [1], strides = [1]} : vector<16xi32> to vector<1xi32>
    %squeeze3A_443 = vector.extract %slice3A_442[0] : i32 from vector<1xi32>
    %and3A_444 = arith.constant 127 : i32
    %and3A_445 = arith.andi %squeeze3A_443, %and3A_444 : i32
    %broadcast_in_dim3A_446 = vector.broadcast %and3A_445 : i32 to vector<16xi32>
    %broadcast_in_dim3A_447 = arith.constant 506 : i32
    %broadcast_in_dim3A_448 = vector.broadcast %broadcast_in_dim3A_447 : i32 to vector<16xi32>
    %gather3A_449 = tpu.vector_load_idx %arg10[%shift_right_logical3A_16, %and3A_27, %broadcast_in_dim3A_446] : memref<8x8x128xf32, #tpu.memory_space<vmem>>[vector<16xi32>, vector<16xi32>, vector<16xi32>], vector<16xf32>,
    tpu.vector_store_idx %arg7[%add3A_5, %broadcast_in_dim3A_448], %gather3A_449 : memref<64x512xf32, #tpu.memory_space<vmem>>[vector<16xi32>, vector<16xi32>], vector<16xf32>,
    %gather3A_450 = tpu.vector_load_idx %arg10[%shift_right_logical3A_19, %and3A_30, %broadcast_in_dim3A_446] : memref<8x8x128xf32, #tpu.memory_space<vmem>>[vector<16xi32>, vector<16xi32>, vector<16xi32>], vector<16xf32>,
    tpu.vector_store_idx %arg7[%add3A_8, %broadcast_in_dim3A_448], %gather3A_450 : memref<64x512xf32, #tpu.memory_space<vmem>>[vector<16xi32>, vector<16xi32>], vector<16xf32>,
    %gather3A_451 = tpu.vector_load_idx %arg10[%shift_right_logical3A_22, %and3A_33, %broadcast_in_dim3A_446] : memref<8x8x128xf32, #tpu.memory_space<vmem>>[vector<16xi32>, vector<16xi32>, vector<16xi32>], vector<16xf32>,
    tpu.vector_store_idx %arg7[%add3A_11, %broadcast_in_dim3A_448], %gather3A_451 : memref<64x512xf32, #tpu.memory_space<vmem>>[vector<16xi32>, vector<16xi32>], vector<16xf32>,
    %gather3A_452 = tpu.vector_load_idx %arg10[%shift_right_logical3A_25, %and3A_36, %broadcast_in_dim3A_446] : memref<8x8x128xf32, #tpu.memory_space<vmem>>[vector<16xi32>, vector<16xi32>, vector<16xi32>], vector<16xf32>,
    tpu.vector_store_idx %arg7[%add3A_14, %broadcast_in_dim3A_448], %gather3A_452 : memref<64x512xf32, #tpu.memory_space<vmem>>[vector<16xi32>, vector<16xi32>], vector<16xf32>,
    %dma_wait3A_453 = arith.constant 0 : i32
    %dma_wait3A_454 = arith.constant 0 : i32
    %dma_wait3A_455 = arith.constant 0 : i32
    %dma_wait3A_456 = tpu.memref_slice %arg2[%dma_wait3A_453, %dma_wait3A_454, %dma_wait3A_455] : memref<8x8x1000000xf32, #tpu.memory_space<hbm>> -> memref<8x8x128xf32, #tpu.memory_space<hbm>>
    %dma_wait3A_457 = arith.constant 0 : i32
    %dma_wait3A_458 = arith.constant 0 : i32
    %dma_wait3A_459 = arith.constant 0 : i32
    %dma_wait3A_460 = tpu.memref_slice %arg2[%dma_wait3A_457, %dma_wait3A_458, %dma_wait3A_459] : memref<8x8x1000000xf32, #tpu.memory_space<hbm>> -> memref<8x8x128xf32, #tpu.memory_space<hbm>>
    tpu.wait_dma2 semaphore(%arg19 : memref<!tpu.dma_semaphore, #tpu.memory_space<semaphore_mem>>) src(%dma_wait3A_460 : memref<8x8x128xf32, #tpu.memory_space<hbm>>) dst(%arg11 : memref<8x8x128xf32, #tpu.memory_space<vmem>>)
    %slice3A_461 = vector.extract_strided_slice %scan3A_394 {offsets = [11], sizes = [1], strides = [1]} : vector<16xi32> to vector<1xi32>
    %squeeze3A_462 = vector.extract %slice3A_461[0] : i32 from vector<1xi32>
    %and3A_463 = arith.constant 127 : i32
    %and3A_464 = arith.andi %squeeze3A_462, %and3A_463 : i32
    %broadcast_in_dim3A_465 = vector.broadcast %and3A_464 : i32 to vector<16xi32>
    %broadcast_in_dim3A_466 = arith.constant 507 : i32
    %broadcast_in_dim3A_467 = vector.broadcast %broadcast_in_dim3A_466 : i32 to vector<16xi32>
    %gather3A_468 = tpu.vector_load_idx %arg11[%shift_right_logical3A_16, %and3A_27, %broadcast_in_dim3A_465] : memref<8x8x128xf32, #tpu.memory_space<vmem>>[vector<16xi32>, vector<16xi32>, vector<16xi32>], vector<16xf32>,
    tpu.vector_store_idx %arg7[%add3A_5, %broadcast_in_dim3A_467], %gather3A_468 : memref<64x512xf32, #tpu.memory_space<vmem>>[vector<16xi32>, vector<16xi32>], vector<16xf32>,
    %gather3A_469 = tpu.vector_load_idx %arg11[%shift_right_logical3A_19, %and3A_30, %broadcast_in_dim3A_465] : memref<8x8x128xf32, #tpu.memory_space<vmem>>[vector<16xi32>, vector<16xi32>, vector<16xi32>], vector<16xf32>,
    tpu.vector_store_idx %arg7[%add3A_8, %broadcast_in_dim3A_467], %gather3A_469 : memref<64x512xf32, #tpu.memory_space<vmem>>[vector<16xi32>, vector<16xi32>], vector<16xf32>,
    %gather3A_470 = tpu.vector_load_idx %arg11[%shift_right_logical3A_22, %and3A_33, %broadcast_in_dim3A_465] : memref<8x8x128xf32, #tpu.memory_space<vmem>>[vector<16xi32>, vector<16xi32>, vector<16xi32>], vector<16xf32>,
    tpu.vector_store_idx %arg7[%add3A_11, %broadcast_in_dim3A_467], %gather3A_470 : memref<64x512xf32, #tpu.memory_space<vmem>>[vector<16xi32>, vector<16xi32>], vector<16xf32>,
    %gather3A_471 = tpu.vector_load_idx %arg11[%shift_right_logical3A_25, %and3A_36, %broadcast_in_dim3A_465] : memref<8x8x128xf32, #tpu.memory_space<vmem>>[vector<16xi32>, vector<16xi32>, vector<16xi32>], vector<16xf32>,
    tpu.vector_store_idx %arg7[%add3A_14, %broadcast_in_dim3A_467], %gather3A_471 : memref<64x512xf32, #tpu.memory_space<vmem>>[vector<16xi32>, vector<16xi32>], vector<16xf32>,
    %dma_wait3A_472 = arith.constant 0 : i32
    %dma_wait3A_473 = arith.constant 0 : i32
    %dma_wait3A_474 = arith.constant 0 : i32
    %dma_wait3A_475 = tpu.memref_slice %arg2[%dma_wait3A_472, %dma_wait3A_473, %dma_wait3A_474] : memref<8x8x1000000xf32, #tpu.memory_space<hbm>> -> memref<8x8x128xf32, #tpu.memory_space<hbm>>
    %dma_wait3A_476 = arith.constant 0 : i32
    %dma_wait3A_477 = arith.constant 0 : i32
    %dma_wait3A_478 = arith.constant 0 : i32
    %dma_wait3A_479 = tpu.memref_slice %arg2[%dma_wait3A_476, %dma_wait3A_477, %dma_wait3A_478] : memref<8x8x1000000xf32, #tpu.memory_space<hbm>> -> memref<8x8x128xf32, #tpu.memory_space<hbm>>
    tpu.wait_dma2 semaphore(%arg20 : memref<!tpu.dma_semaphore, #tpu.memory_space<semaphore_mem>>) src(%dma_wait3A_479 : memref<8x8x128xf32, #tpu.memory_space<hbm>>) dst(%arg12 : memref<8x8x128xf32, #tpu.memory_space<vmem>>)
    %slice3A_480 = vector.extract_strided_slice %scan3A_394 {offsets = [12], sizes = [1], strides = [1]} : vector<16xi32> to vector<1xi32>
    %squeeze3A_481 = vector.extract %slice3A_480[0] : i32 from vector<1xi32>
    %and3A_482 = arith.constant 127 : i32
    %and3A_483 = arith.andi %squeeze3A_481, %and3A_482 : i32
    %broadcast_in_dim3A_484 = vector.broadcast %and3A_483 : i32 to vector<16xi32>
    %broadcast_in_dim3A_485 = arith.constant 508 : i32
    %broadcast_in_dim3A_486 = vector.broadcast %broadcast_in_dim3A_485 : i32 to vector<16xi32>
    %gather3A_487 = tpu.vector_load_idx %arg12[%shift_right_logical3A_16, %and3A_27, %broadcast_in_dim3A_484] : memref<8x8x128xf32, #tpu.memory_space<vmem>>[vector<16xi32>, vector<16xi32>, vector<16xi32>], vector<16xf32>,
    tpu.vector_store_idx %arg7[%add3A_5, %broadcast_in_dim3A_486], %gather3A_487 : memref<64x512xf32, #tpu.memory_space<vmem>>[vector<16xi32>, vector<16xi32>], vector<16xf32>,
    %gather3A_488 = tpu.vector_load_idx %arg12[%shift_right_logical3A_19, %and3A_30, %broadcast_in_dim3A_484] : memref<8x8x128xf32, #tpu.memory_space<vmem>>[vector<16xi32>, vector<16xi32>, vector<16xi32>], vector<16xf32>,
    tpu.vector_store_idx %arg7[%add3A_8, %broadcast_in_dim3A_486], %gather3A_488 : memref<64x512xf32, #tpu.memory_space<vmem>>[vector<16xi32>, vector<16xi32>], vector<16xf32>,
    %gather3A_489 = tpu.vector_load_idx %arg12[%shift_right_logical3A_22, %and3A_33, %broadcast_in_dim3A_484] : memref<8x8x128xf32, #tpu.memory_space<vmem>>[vector<16xi32>, vector<16xi32>, vector<16xi32>], vector<16xf32>,
    tpu.vector_store_idx %arg7[%add3A_11, %broadcast_in_dim3A_486], %gather3A_489 : memref<64x512xf32, #tpu.memory_space<vmem>>[vector<16xi32>, vector<16xi32>], vector<16xf32>,
    %gather3A_490 = tpu.vector_load_idx %arg12[%shift_right_logical3A_25, %and3A_36, %broadcast_in_dim3A_484] : memref<8x8x128xf32, #tpu.memory_space<vmem>>[vector<16xi32>, vector<16xi32>, vector<16xi32>], vector<16xf32>,
    tpu.vector_store_idx %arg7[%add3A_14, %broadcast_in_dim3A_486], %gather3A_490 : memref<64x512xf32, #tpu.memory_space<vmem>>[vector<16xi32>, vector<16xi32>], vector<16xf32>,
    %dma_wait3A_491 = arith.constant 0 : i32
    %dma_wait3A_492 = arith.constant 0 : i32
    %dma_wait3A_493 = arith.constant 0 : i32
    %dma_wait3A_494 = tpu.memref_slice %arg2[%dma_wait3A_491, %dma_wait3A_492, %dma_wait3A_493] : memref<8x8x1000000xf32, #tpu.memory_space<hbm>> -> memref<8x8x128xf32, #tpu.memory_space<hbm>>
    %dma_wait3A_495 = arith.constant 0 : i32
    %dma_wait3A_496 = arith.constant 0 : i32
    %dma_wait3A_497 = arith.constant 0 : i32
    %dma_wait3A_498 = tpu.memref_slice %arg2[%dma_wait3A_495, %dma_wait3A_496, %dma_wait3A_497] : memref<8x8x1000000xf32, #tpu.memory_space<hbm>> -> memref<8x8x128xf32, #tpu.memory_space<hbm>>
    tpu.wait_dma2 semaphore(%arg21 : memref<!tpu.dma_semaphore, #tpu.memory_space<semaphore_mem>>) src(%dma_wait3A_498 : memref<8x8x128xf32, #tpu.memory_space<hbm>>) dst(%arg13 : memref<8x8x128xf32, #tpu.memory_space<vmem>>)
    %slice3A_499 = vector.extract_strided_slice %scan3A_394 {offsets = [13], sizes = [1], strides = [1]} : vector<16xi32> to vector<1xi32>
    %squeeze3A_500 = vector.extract %slice3A_499[0] : i32 from vector<1xi32>
    %and3A_501 = arith.constant 127 : i32
    %and3A_502 = arith.andi %squeeze3A_500, %and3A_501 : i32
    %broadcast_in_dim3A_503 = vector.broadcast %and3A_502 : i32 to vector<16xi32>
    %broadcast_in_dim3A_504 = arith.constant 509 : i32
    %broadcast_in_dim3A_505 = vector.broadcast %broadcast_in_dim3A_504 : i32 to vector<16xi32>
    %gather3A_506 = tpu.vector_load_idx %arg13[%shift_right_logical3A_16, %and3A_27, %broadcast_in_dim3A_503] : memref<8x8x128xf32, #tpu.memory_space<vmem>>[vector<16xi32>, vector<16xi32>, vector<16xi32>], vector<16xf32>,
    tpu.vector_store_idx %arg7[%add3A_5, %broadcast_in_dim3A_505], %gather3A_506 : memref<64x512xf32, #tpu.memory_space<vmem>>[vector<16xi32>, vector<16xi32>], vector<16xf32>,
    %gather3A_507 = tpu.vector_load_idx %arg13[%shift_right_logical3A_19, %and3A_30, %broadcast_in_dim3A_503] : memref<8x8x128xf32, #tpu.memory_space<vmem>>[vector<16xi32>, vector<16xi32>, vector<16xi32>], vector<16xf32>,
    tpu.vector_store_idx %arg7[%add3A_8, %broadcast_in_dim3A_505], %gather3A_507 : memref<64x512xf32, #tpu.memory_space<vmem>>[vector<16xi32>, vector<16xi32>], vector<16xf32>,
    %gather3A_508 = tpu.vector_load_idx %arg13[%shift_right_logical3A_22, %and3A_33, %broadcast_in_dim3A_503] : memref<8x8x128xf32, #tpu.memory_space<vmem>>[vector<16xi32>, vector<16xi32>, vector<16xi32>], vector<16xf32>,
    tpu.vector_store_idx %arg7[%add3A_11, %broadcast_in_dim3A_505], %gather3A_508 : memref<64x512xf32, #tpu.memory_space<vmem>>[vector<16xi32>, vector<16xi32>], vector<16xf32>,
    %gather3A_509 = tpu.vector_load_idx %arg13[%shift_right_logical3A_25, %and3A_36, %broadcast_in_dim3A_503] : memref<8x8x128xf32, #tpu.memory_space<vmem>>[vector<16xi32>, vector<16xi32>, vector<16xi32>], vector<16xf32>,
    tpu.vector_store_idx %arg7[%add3A_14, %broadcast_in_dim3A_505], %gather3A_509 : memref<64x512xf32, #tpu.memory_space<vmem>>[vector<16xi32>, vector<16xi32>], vector<16xf32>,
    %dma_wait3A_510 = arith.constant 0 : i32
    %dma_wait3A_511 = arith.constant 0 : i32
    %dma_wait3A_512 = arith.constant 0 : i32
    %dma_wait3A_513 = tpu.memref_slice %arg2[%dma_wait3A_510, %dma_wait3A_511, %dma_wait3A_512] : memref<8x8x1000000xf32, #tpu.memory_space<hbm>> -> memref<8x8x128xf32, #tpu.memory_space<hbm>>
    %dma_wait3A_514 = arith.constant 0 : i32
    %dma_wait3A_515 = arith.constant 0 : i32
    %dma_wait3A_516 = arith.constant 0 : i32
    %dma_wait3A_517 = tpu.memref_slice %arg2[%dma_wait3A_514, %dma_wait3A_515, %dma_wait3A_516] : memref<8x8x1000000xf32, #tpu.memory_space<hbm>> -> memref<8x8x128xf32, #tpu.memory_space<hbm>>
    tpu.wait_dma2 semaphore(%arg22 : memref<!tpu.dma_semaphore, #tpu.memory_space<semaphore_mem>>) src(%dma_wait3A_517 : memref<8x8x128xf32, #tpu.memory_space<hbm>>) dst(%arg14 : memref<8x8x128xf32, #tpu.memory_space<vmem>>)
    %slice3A_518 = vector.extract_strided_slice %scan3A_394 {offsets = [14], sizes = [1], strides = [1]} : vector<16xi32> to vector<1xi32>
    %squeeze3A_519 = vector.extract %slice3A_518[0] : i32 from vector<1xi32>
    %and3A_520 = arith.constant 127 : i32
    %and3A_521 = arith.andi %squeeze3A_519, %and3A_520 : i32
    %broadcast_in_dim3A_522 = vector.broadcast %and3A_521 : i32 to vector<16xi32>
    %broadcast_in_dim3A_523 = arith.constant 510 : i32
    %broadcast_in_dim3A_524 = vector.broadcast %broadcast_in_dim3A_523 : i32 to vector<16xi32>
    %gather3A_525 = tpu.vector_load_idx %arg14[%shift_right_logical3A_16, %and3A_27, %broadcast_in_dim3A_522] : memref<8x8x128xf32, #tpu.memory_space<vmem>>[vector<16xi32>, vector<16xi32>, vector<16xi32>], vector<16xf32>,
    tpu.vector_store_idx %arg7[%add3A_5, %broadcast_in_dim3A_524], %gather3A_525 : memref<64x512xf32, #tpu.memory_space<vmem>>[vector<16xi32>, vector<16xi32>], vector<16xf32>,
    %gather3A_526 = tpu.vector_load_idx %arg14[%shift_right_logical3A_19, %and3A_30, %broadcast_in_dim3A_522] : memref<8x8x128xf32, #tpu.memory_space<vmem>>[vector<16xi32>, vector<16xi32>, vector<16xi32>], vector<16xf32>,
    tpu.vector_store_idx %arg7[%add3A_8, %broadcast_in_dim3A_524], %gather3A_526 : memref<64x512xf32, #tpu.memory_space<vmem>>[vector<16xi32>, vector<16xi32>], vector<16xf32>,
    %gather3A_527 = tpu.vector_load_idx %arg14[%shift_right_logical3A_22, %and3A_33, %broadcast_in_dim3A_522] : memref<8x8x128xf32, #tpu.memory_space<vmem>>[vector<16xi32>, vector<16xi32>, vector<16xi32>], vector<16xf32>,
    tpu.vector_store_idx %arg7[%add3A_11, %broadcast_in_dim3A_524], %gather3A_527 : memref<64x512xf32, #tpu.memory_space<vmem>>[vector<16xi32>, vector<16xi32>], vector<16xf32>,
    %gather3A_528 = tpu.vector_load_idx %arg14[%shift_right_logical3A_25, %and3A_36, %broadcast_in_dim3A_522] : memref<8x8x128xf32, #tpu.memory_space<vmem>>[vector<16xi32>, vector<16xi32>, vector<16xi32>], vector<16xf32>,
    tpu.vector_store_idx %arg7[%add3A_14, %broadcast_in_dim3A_524], %gather3A_528 : memref<64x512xf32, #tpu.memory_space<vmem>>[vector<16xi32>, vector<16xi32>], vector<16xf32>,
    %dma_wait3A_529 = arith.constant 0 : i32
    %dma_wait3A_530 = arith.constant 0 : i32
    %dma_wait3A_531 = arith.constant 0 : i32
    %dma_wait3A_532 = tpu.memref_slice %arg2[%dma_wait3A_529, %dma_wait3A_530, %dma_wait3A_531] : memref<8x8x1000000xf32, #tpu.memory_space<hbm>> -> memref<8x8x128xf32, #tpu.memory_space<hbm>>
    %dma_wait3A_533 = arith.constant 0 : i32
    %dma_wait3A_534 = arith.constant 0 : i32
    %dma_wait3A_535 = arith.constant 0 : i32
    %dma_wait3A_536 = tpu.memref_slice %arg2[%dma_wait3A_533, %dma_wait3A_534, %dma_wait3A_535] : memref<8x8x1000000xf32, #tpu.memory_space<hbm>> -> memref<8x8x128xf32, #tpu.memory_space<hbm>>
    tpu.wait_dma2 semaphore(%arg23 : memref<!tpu.dma_semaphore, #tpu.memory_space<semaphore_mem>>) src(%dma_wait3A_536 : memref<8x8x128xf32, #tpu.memory_space<hbm>>) dst(%arg15 : memref<8x8x128xf32, #tpu.memory_space<vmem>>)
    %slice3A_537 = vector.extract_strided_slice %scan3A_394 {offsets = [15], sizes = [1], strides = [1]} : vector<16xi32> to vector<1xi32>
    %squeeze3A_538 = vector.extract %slice3A_537[0] : i32 from vector<1xi32>
    %and3A_539 = arith.constant 127 : i32
    %and3A_540 = arith.andi %squeeze3A_538, %and3A_539 : i32
    %broadcast_in_dim3A_541 = vector.broadcast %and3A_540 : i32 to vector<16xi32>
    %broadcast_in_dim3A_542 = arith.constant 511 : i32
    %broadcast_in_dim3A_543 = vector.broadcast %broadcast_in_dim3A_542 : i32 to vector<16xi32>
    %gather3A_544 = tpu.vector_load_idx %arg15[%shift_right_logical3A_16, %and3A_27, %broadcast_in_dim3A_541] : memref<8x8x128xf32, #tpu.memory_space<vmem>>[vector<16xi32>, vector<16xi32>, vector<16xi32>], vector<16xf32>,
    tpu.vector_store_idx %arg7[%add3A_5, %broadcast_in_dim3A_543], %gather3A_544 : memref<64x512xf32, #tpu.memory_space<vmem>>[vector<16xi32>, vector<16xi32>], vector<16xf32>,
    %gather3A_545 = tpu.vector_load_idx %arg15[%shift_right_logical3A_19, %and3A_30, %broadcast_in_dim3A_541] : memref<8x8x128xf32, #tpu.memory_space<vmem>>[vector<16xi32>, vector<16xi32>, vector<16xi32>], vector<16xf32>,
    tpu.vector_store_idx %arg7[%add3A_8, %broadcast_in_dim3A_543], %gather3A_545 : memref<64x512xf32, #tpu.memory_space<vmem>>[vector<16xi32>, vector<16xi32>], vector<16xf32>,
    %gather3A_546 = tpu.vector_load_idx %arg15[%shift_right_logical3A_22, %and3A_33, %broadcast_in_dim3A_541] : memref<8x8x128xf32, #tpu.memory_space<vmem>>[vector<16xi32>, vector<16xi32>, vector<16xi32>], vector<16xf32>,
    tpu.vector_store_idx %arg7[%add3A_11, %broadcast_in_dim3A_543], %gather3A_546 : memref<64x512xf32, #tpu.memory_space<vmem>>[vector<16xi32>, vector<16xi32>], vector<16xf32>,
    %gather3A_547 = tpu.vector_load_idx %arg15[%shift_right_logical3A_25, %and3A_36, %broadcast_in_dim3A_541] : memref<8x8x128xf32, #tpu.memory_space<vmem>>[vector<16xi32>, vector<16xi32>, vector<16xi32>], vector<16xf32>,
    tpu.vector_store_idx %arg7[%add3A_14, %broadcast_in_dim3A_543], %gather3A_547 : memref<64x512xf32, #tpu.memory_space<vmem>>[vector<16xi32>, vector<16xi32>], vector<16xf32>,
    %dma_start3A_548 = arith.constant 0 : i32
    %dma_start3A_549 = tpu.memref_slice %arg4[%dma_start3A_548, %mul3A_2] : memref<64x16384xf32, #tpu.memory_space<hbm>> -> memref<64x512xf32, #tpu.memory_space<hbm>>
    %dma_start3A_550 = arith.constant 0 : i32
    %dma_start3A_551 = tpu.memref_slice %arg4[%dma_start3A_550, %mul3A_2] : memref<64x16384xf32, #tpu.memory_space<hbm>> -> memref<64x512xf32, #tpu.memory_space<hbm>>
    tpu.enqueue_dma source(%arg7 : memref<64x512xf32, #tpu.memory_space<vmem>>) target(%dma_start3A_551 : memref<64x512xf32, #tpu.memory_space<hbm>>) target_semaphore(%arg24 : memref<!tpu.dma_semaphore, #tpu.memory_space<semaphore_mem>>)
    %dma_start3A_552 = arith.constant 0 : i32
    %dma_start3A_553 = tpu.memref_slice %arg5[%dma_start3A_552, %mul3A_2] : memref<64x16384xf32, #tpu.memory_space<hbm>> -> memref<64x512xf32, #tpu.memory_space<hbm>>
    %dma_start3A_554 = arith.constant 0 : i32
    %dma_start3A_555 = tpu.memref_slice %arg5[%dma_start3A_554, %mul3A_2] : memref<64x16384xf32, #tpu.memory_space<hbm>> -> memref<64x512xf32, #tpu.memory_space<hbm>>
    tpu.enqueue_dma source(%arg7 : memref<64x512xf32, #tpu.memory_space<vmem>>) target(%dma_start3A_555 : memref<64x512xf32, #tpu.memory_space<hbm>>) target_semaphore(%arg25 : memref<!tpu.dma_semaphore, #tpu.memory_space<semaphore_mem>>)
    %dma_wait3A_556 = arith.constant 0 : i32
    %dma_wait3A_557 = tpu.memref_slice %arg4[%dma_wait3A_556, %mul3A_2] : memref<64x16384xf32, #tpu.memory_space<hbm>> -> memref<64x512xf32, #tpu.memory_space<hbm>>
    %dma_wait3A_558 = arith.constant 0 : i32
    %dma_wait3A_559 = tpu.memref_slice %arg4[%dma_wait3A_558, %mul3A_2] : memref<64x16384xf32, #tpu.memory_space<hbm>> -> memref<64x512xf32, #tpu.memory_space<hbm>>
    tpu.wait_dma2 semaphore(%arg24 : memref<!tpu.dma_semaphore, #tpu.memory_space<semaphore_mem>>) src(%arg7 : memref<64x512xf32, #tpu.memory_space<vmem>>) dst(%dma_wait3A_559 : memref<64x512xf32, #tpu.memory_space<hbm>>)
    %dma_wait3A_560 = arith.constant 0 : i32
    %dma_wait3A_561 = tpu.memref_slice %arg5[%dma_wait3A_560, %mul3A_2] : memref<64x16384xf32, #tpu.memory_space<hbm>> -> memref<64x512xf32, #tpu.memory_space<hbm>>
    %dma_wait3A_562 = arith.constant 0 : i32
    %dma_wait3A_563 = tpu.memref_slice %arg5[%dma_wait3A_562, %mul3A_2] : memref<64x16384xf32, #tpu.memory_space<hbm>> -> memref<64x512xf32, #tpu.memory_space<hbm>>
    tpu.wait_dma2 semaphore(%arg25 : memref<!tpu.dma_semaphore, #tpu.memory_space<semaphore_mem>>) src(%arg7 : memref<64x512xf32, #tpu.memory_space<vmem>>) dst(%dma_wait3A_563 : memref<64x512xf32, #tpu.memory_space<hbm>>)
    return
  }
}

</mosaic_0001>

<sc_bundles>
// kernel: kernel.3.cloned.1.call-start
scs
__scs_entry_jumppad:
0x0: {  	(pc) =	sbr.rel $0x88, $3  }
0x1: {  	(tag) =	ssettag $0x0;
	lr =	simm.s32 $0x1  }
0x2: {  	[smem:$0x3F9F] =	sst lr;
	_ =	strace $0xD0000000  }
0x3: {  	_ = 	snop  }
0x4: {  	_ = 	snop  }
0x5: {  	_ = 	snop  }
0x6: {  	_ = 	snop  }
0x7: {  	_ = 	snop  }
__scs_overlays_trampoline_lowered:
0x8: {  	[smem:$0x3FAE] =	sst s0  }
0x9: {  	[smem:$0x3FAF] =	sst s1  }
0xa: {  	[smem:$0x3FB0] =	sst s2  }
0xb: {  	[smem:$0x3FB1] =	sst s3  }
0xc: {  	[smem:$0x3FB2] =	sst s4  }
0xd: {  	[smem:$0x3FB3] =	sst s5  }
0xe: {  	[smem:$0x3FB4] =	sst s6  }
0xf: {  	[smem:$0x3FB5] =	sst s7  }
0x10: {  	[smem:$0x3FB6] =	sst s8  }
0x11: {  	[smem:$0x3FB7] =	sst s9;
	s0 =	simm.s32 @!p0 $0x0  }
0x12: {  	s1 =	sld [smem:$0x3F9D];
	s0 =	simm.s32 @p0 $0x1  }
0x13: {  	[smem:$0x3FB8] =	sst s0;
	s0 =	simm.s32 @!p1 $0x0  }
0x14: {  	s2 =	sld [smem:$0x3F9C];
	s0 =	simm.s32 @p1 $0x1  }
0x15: {  	[smem:$0x3FB9] =	sst s0;
	s0 =	simm.s32 @!p2 $0x0  }
0x16: {  	s3 =	sld [smem:$0x3FDB];
	s0 =	simm.s32 @p2 $0x1  }
0x17: {  	s4 =	simm.s32 $0x1BF5;
	[smem:$0x3FBB] =	sst s0  }
0x18: {  	s0 =	sld [smem:$0x3F9E];
	_ =	swait.ge [sflag:s4], $0x0  }
0x19: {  	s7 =	sld [smem:$0x3F9F]  }
0x1a: {  	s8 =	sadd.s32 $0xFFFFE003, lr  }
0x1b: {  	s9 =	sadd.s32 $0xFFFFFEF7, lr;
	s5 =	simm.s32 $0xFFFFFFFF;
	p2 =	slt.u32 s8, $0xFFFFF086  }
0x1c: {  	p1 =	slt.u32 s9, $0xF7A;
	s5 =	simm.s32 @!p2 $0x0  }
0x1d: {  	s5 =	simm.s32 @p1 $0x1;
	p0 =	seq.s32 s7, s2  }
0x1e: {  	s7 =	smul.u32 @!p0 $0xF7A, s2;
	p2 =	seq.s32 @!p0 s5, $0x0  }
0x1f: {  	s9 =	smul.u32 $0xF7A, s1;
	s8 =	simm.s32 @!p0 $0x1BF5;
	p2 =	por !p2, p0  }
0x20: {  	[sflag:s8] =	ssyncset.s32 @!p0 $0xFFFFF086;
	s6 =	sadd.s32 @!p0 s3, s7;
	s7 =	simm.s32 @!p0 $0x108  }
0x21: {  	s3 =	sadd.s32 s3, s9;
	s6 =	sadd.s32 @!p0 $0x88, s6;
	s7 =	simm.s32 @p2 $0x1082  }
0x22: {  	[simem:s7], [sflag:s8] =	dma.local @!p0 [hbm:s6], $0xF7A  }
0x23: {  	s9 =	sor.u32 $0xD0000000, s2;
	s6 =	simm.s32 $0x108;
	_ =	swait.ge @!p0 [sflag:s8], $0x0  }
0x24: {  	s3 =	sadd.s32 $0x88, s3;
	s6 =	simm.s32 @!p1 $0x1082;
	[sflag:s4] =	ssyncset.s32 $0xFFFFF086  }
0x25: {  	[simem:s6], [sflag:s4] =	dma.local [hbm:s3], $0xF7A  }
0x26: {  	[smem:$0x3F9F] =	sst s1;
	(tag) =	ssettag s2;
	_ =	strace s9  }
0x27: {  	s1 =	sld [smem:$0x3FAF]  }
0x28: {  	s2 =	sld [smem:$0x3FB0]  }
0x29: {  	s4 =	sld [smem:$0x3FB2]  }
0x2a: {  	p0 =	seq.s32 s5, $0x0;
	s5 =	sld [smem:$0x3FB3]  }
0x2b: {  	s6 =	sld [smem:$0x3FB4]  }
0x2c: {  	s7 =	sld [smem:$0x3FB5]  }
0x2d: {  	s3 =	simm.s32 $0x108;
	s8 =	sld [smem:$0x3FB6]  }
0x2e: {  	s3 =	simm.s32 @!p0 $0x1082;
	s9 =	sld [smem:$0x3FB7]  }
0x2f: {  	lr =	sadd.s32 s0, s3;
	s0 =	sld [smem:$0x3FAE]  }
0x30: {  	s3 =	sld [smem:$0x3FB1]  }
0x31: {  	[smem:$0x3FBA] =	sst s10  }
0x32: {  	s10 =	sld [smem:$0x3FB8];
	_ =	sdelay $0x3  }
0x33: {  	p0 =	seq.s32 s10, $0x1;
	s10 =	sld [smem:$0x3FBA];
	_ =	sdelay $0x3  }
0x34: {  	[smem:$0x3FBA] =	sst s10  }
0x35: {  	s10 =	sld [smem:$0x3FB9];
	_ =	sdelay $0x3  }
0x36: {  	p1 =	seq.s32 s10, $0x1;
	s10 =	sld [smem:$0x3FBA];
	_ =	sdelay $0x3  }
0x37: {  	[smem:$0x3FBA] =	sst s10  }
0x38: {  	s10 =	sld [smem:$0x3FBB]  }
0x39: {  	_ = 	snop;
	(pc) =	sbr.ind lr, $3  }
0x3a: {  	_ = 	snop  }
0x3b: {  	_ = 	snop  }
0x3c: {  	p2 =	seq.s32 s10, $0x1;
	s10 =	sld [smem:$0x3FBA]  }
0x3d: {  	_ =	shalt  }
0x3e: {  	_ =	shalt  }
0x3f: {  	_ =	shalt  }
0x40: {  	_ =	shalt  }
0x41: {  	_ =	shalt  }
0x42: {  	_ =	shalt  }
0x43: {  	_ =	shalt  }
0x44: {  	_ =	shalt  }
0x45: {  	_ =	shalt  }
0x46: {  	_ =	shalt  }
0x47: {  	_ =	shalt  }
0x48: {  	_ =	shalt  }
0x49: {  	_ =	shalt  }
0x4a: {  	_ =	shalt  }
0x4b: {  	_ =	shalt  }
0x4c: {  	_ =	shalt  }
0x4d: {  	_ =	shalt  }
0x4e: {  	_ =	shalt  }
0x4f: {  	_ =	shalt  }
0x50: {  	_ =	shalt  }
0x51: {  	_ =	shalt  }
0x52: {  	_ =	shalt  }
0x53: {  	_ =	shalt  }
0x54: {  	_ =	shalt  }
0x55: {  	_ =	shalt  }
0x56: {  	_ =	shalt  }
0x57: {  	_ =	shalt  }
0x58: {  	_ =	shalt  }
0x59: {  	_ =	shalt  }
0x5a: {  	_ =	shalt  }
0x5b: {  	_ =	shalt  }
0x5c: {  	_ =	shalt  }
0x5d: {  	_ =	shalt  }
0x5e: {  	_ =	shalt  }
0x5f: {  	_ =	shalt  }
0x60: {  	_ =	shalt  }
0x61: {  	_ =	shalt  }
0x62: {  	_ =	shalt  }
0x63: {  	_ =	shalt  }
0x64: {  	_ =	shalt  }
0x65: {  	_ =	shalt  }
0x66: {  	_ =	shalt  }
0x67: {  	_ =	shalt  }
0x68: {  	_ =	shalt  }
0x69: {  	_ =	shalt  }
0x6a: {  	_ =	shalt  }
0x6b: {  	_ =	shalt  }
0x6c: {  	_ =	shalt  }
0x6d: {  	_ =	shalt  }
0x6e: {  	_ =	shalt  }
0x6f: {  	_ =	shalt  }
0x70: {  	_ =	shalt  }
0x71: {  	_ =	shalt  }
0x72: {  	_ =	shalt  }
0x73: {  	_ =	shalt  }
0x74: {  	_ =	shalt  }
0x75: {  	_ =	shalt  }
0x76: {  	_ =	shalt  }
0x77: {  	_ =	shalt  }
0x78: {  	_ =	shalt  }
0x79: {  	_ =	shalt  }
0x7a: {  	_ =	shalt  }
0x7b: {  	_ =	shalt  }
0x7c: {  	_ =	shalt  }
0x7d: {  	_ =	shalt  }
0x7e: {  	_ =	shalt  }
0x7f: {  	_ =	shalt  }
0x80: {  	_ =	shalt  }
0x81: {  	_ =	shalt  }
0x82: {  	_ =	shalt  }
0x83: {  	_ =	shalt  }
0x84: {  	_ =	shalt  }
0x85: {  	_ =	shalt  }
0x86: {  	_ =	shalt  }
0x87: {  	_ =	shalt  }
.Lfunc_end0:
.L_simem_size_0:
called_computation_lowered:
.L_overlay_start_0:
0x88: {  	s2 =	sld [smem:$0x3FD9]  }
0x89: {  	s3 =	sld [smem:$0x3FFE];
	_ =	sdelay $0x1  }
0x8a: {  	s1 =	srdreg.scid  }
0x8b: {  	s0 =	sand.u32 $0x1, s1  }
0x8c: {  	s15 =	sshll.u32 s0, $0xA;
	s2 =	sadd.s32 s3, s2  }
0x8d: {  	s2 =	sadd.s32 s2, s15  }
0x8e: {  	[smem:$0x3FC6] =	sst s2  }
0x8f: {  	_ = 	snop  }
0x90: {  	s2 =	sld [smem:$0x3FD0];
	_ =	sdelay $0x1  }
0x91: {  	s16 =	sld [smem:$0x3FC9]  }
0x92: {  	s5 =	simm.s32 $0xA;
	s6 =	simm.s32 $0x10;
	s4 =	sld [smem:$0x3FC8]  }
0x93: {  	[smem:s6], [sflag:s5] =	dma.local [hbm:s2], $0x1  }
0x94: {  	_ =	swait.eq [sflag:s5], $0x1  }
0x95: {  	[sflag:s5] =	ssyncset.done $0x0  }
0x96: {  	s17 =	sld [smem:$0x10];
	[sflag:s5] =	ssyncadd.s32 $0xFFFFFFFF  }
0x97: {  	s18 =	sld [smem:$0x11];
	(tm) =	ssettm $0x1  }
0x98: {  	s19 =	sld [smem:$0x3FFB];
	_ =	sdelay $0x3  }
0x99: {  	_ =	strace s19  }
0x9a: {  	s6 =	sld [smem:$0x3FFC];
	_ =	sdelay $0x3  }
0x9b: {  	_ =	strace s6  }
0x9c: {  	s6 =	sld [smem:$0x3FFD];
	_ =	sdelay $0x3  }
0x9d: {  	_ =	strace s6  }
0x9e: {  	_ =	strace $0x8FFFFFFF  }
0x9f: {  	s20 =	sld [smem:$0x3FDB];
	_ =	sdelay $0x1  }
0xa0: {  	s7 =	simm.s32 $_scs_section_size  }
0xa1: {  	s8 =	simm.s32 $_size__tile_overlayer_lowered;
	s9 =	simm.s32 $_tile_overlayer_lowered  }
0xa2: {  	s23 =	simm.s32 $0x1BFF;
	s22 =	sshll.u32 s9, $0x1;
	s6 =	sadd.s32 s7, s20  }
0xa3: {  	s10 =	simm.s32 $0x0;
	s21 =	sshll.u32 s8, $0x1;
	s8 =	sadd.s32 s22, s6  }
0xa4: {  	[timem:s10], [sflag:s23] =	dma.local [hbm:s8], s21  }
0xa5: {  	_ =	swait.ge [sflag:s23], s21  }
0xa6: {  	s7 =	ssub.s32 $0x0, s21;
	[sflag:s23] =	ssyncset.done $0x0  }
0xa7: {  	[sflag:s23] =	ssyncadd.s32 s7;
	_ =	sdelay $0x1  }
0xa8: {  	s24 =	simm.s32 $0x1B8B  }
0xa9: {  	_ =	swait.ge [sflag:s24], $0x1  }
0xaa: {  	[sflag:s24] =	ssyncset.done $0x0  }
0xab: {  	s25 =	simm.s32 $0x1B8E;
	[sflag:s24] =	ssyncadd.s32 $0xFFFFFFFF  }
0xac: {  	s26 =	simm.s32 $execute0_lowered;
	[smem:$0x3FD2] =	sst s25  }
0xad: {  	s7 =	sshll.u32 s26, $0x1;
	_ =	strace $0x80000046;
	[dreg:$0x1] =	wrdreg $0xFFFFFFFF  }
0xae: {  	s28 =	simm.s32 $_size_execute0_lowered;
	s6 =	sadd.s32 s6, s7;
	[dreg:$0x0] =	wrdreg $0x0  }
0xaf: {  	s7 =	sshll.u32 s28, $0x1;
	[dreg:$0x2] =	wrdreg s6  }
0xb0: {  	[dreg:$0x3] =	wrdreg s7  }
0xb1: {  	[dreg:$0x4] =	wrdreg $0xC0  }
0xb2: {  	_ =	task [dreg:s10], $0x5FFFF  }
0xb3: {  	[dreg:$0x1] =	wrdreg $0xFFFFFFFF  }
0xb4: {  	[dreg:$0x0] =	wrdreg $0x60  }
0xb5: {  	[dreg:$0x2] =	wrdreg s4  }
0xb6: {  	[dreg:$0x3] =	wrdreg s16  }
0xb7: {  	[dreg:$0x4] =	wrdreg s17  }
0xb8: {  	[dreg:$0x5] =	wrdreg s18  }
0xb9: {  	[dreg:$0x6] =	wrdreg $0x9  }
0xba: {  	_ =	task.clear_ibuf [dreg:s10], $0x7FFFF;
	_ =	strace $0x90000046  }
0xbb: {  	s29 =	simm.s32 $0x9;
	_ =	strace $0x80000048  }
0xbc: {  	_ =	swait.ge [sflag:s29], $0x1  }
0xbd: {  	[sflag:s29] =	ssyncadd.s32 $0xFFFFFFFF  }
0xbe: {  	_ =	strace $0x90000048  }
0xbf: {  	_ =	sfence  }
0xc0: {  	s30 =	sld [smem:$0x0];
	_ =	sdelay $0x2  }
0xc1: {  	s31 =	sshll.u32 s1, $0xD;
	s1 =	sshrl.u32 s1, $0x2  }
0xc2: {  	s3 =	sand.u32 $0x4000, s31;
	s1 =	sadd.s32 s1, s30  }
0xc3: {  	s0 =	sor.u32 s3, s0;
	s1 =	sshll.u32 s1, $0x11  }
0xc4: {  	s0 =	sor.u32 s1, s0  }
0xc5: {  	s0 =	sadd.s32 $0x8F2B, s0  }
0xc6: {  	[sflag:s0] =	ssyncadd.remote.s32 $0x1  }
0xc7: {  	_ =	sfence.sel $0xFFFF  }
0xc8: {  	[dreg:$0x0] =	wrdreg $0xFFFFFFFF;
	(pc) =	sbr.abs _section_cstart, $3  }
0xc9: {  	[dreg:$0x1] =	wrdreg $0xFFFFFFFF  }
0xca: {  	_ =	task.clear_ibuf [dreg:s10], $0x2FFFF;
	_ =	strace $0x9FFFFFFF  }
0xcb: {  	(tm) =	ssettm $0x7FFFFFFF  }
tec
execute0_lowered:
.L_overlay_start_1:
0x0: {  	(tag) =	ssettag $0x1  }
0x1: {  	v0 =	vimm.s32 $0x1380;
	vm14 =	vcmask $0x300;
	vm13 =	vcmask $0x704  }
0x2: {  	vm12 =	vcmask $0xB08;
	vm11 =	vcmask $0xF0C;
	vm10 =	vcmask $0x1310  }
0x3: {  	vm9 =	vcmask $0x1714;
	vm8 =	vcmask $0x1B18;
	vm7 =	vcmask $0x1F1C  }
0x4: {  	vm6 =	vcmask $0x2320;
	vm5 =	vcmask $0x2724;
	vm4 =	vcmask $0x2B28  }
0x5: {  	vm3 =	vcmask $0x2F2C;
	vm2 =	vcmask $0x3330;
	vm1 =	vcmask $0x3734  }
0x6: {  	v1 =	vlaneseq.u32;
	vm0 =	vcmask $0x3B38;
	v3 =	vimm.s32 $0x5380  }
0x7: {  	v4 =	vimm.s32 $0x7380;
	v5 =	vimm.s32 $0x1381;
	v6 =	vimm.s32 $0x3381  }
0x8: {  	v7 =	vimm.s32 $0x5381;
	v0 =	vsel vm14, $0x0, v0;
	v3 =	vsel vm14, $0x4000, v3  }
0x9: {  	v4 =	vsel vm14, $0x6000, v4;
	v5 =	vsel vm14, $0x1, v5;
	v6 =	vsel vm14, $0x2001, v6  }
0xa: {  	v7 =	vsel vm14, $0x4001, v7;
	v0 =	vsel vm13, $0x80, v0;
	v3 =	vsel vm13, $0x4080, v3  }
0xb: {  	v4 =	vsel vm13, $0x6080, v4;
	v5 =	vsel vm13, $0x81, v5;
	v6 =	vsel vm13, $0x2081, v6  }
0xc: {  	v7 =	vsel vm13, $0x4081, v7;
	v0 =	vsel vm12, $0x100, v0;
	v3 =	vsel vm12, $0x4100, v3  }
0xd: {  	v4 =	vsel vm12, $0x6100, v4;
	v5 =	vsel vm12, $0x101, v5;
	v6 =	vsel vm12, $0x2101, v6  }
0xe: {  	v7 =	vsel vm12, $0x4101, v7;
	v0 =	vsel vm11, $0x180, v0;
	v3 =	vsel vm11, $0x4180, v3  }
0xf: {  	v4 =	vsel vm11, $0x6180, v4;
	v5 =	vsel vm11, $0x181, v5;
	v6 =	vsel vm11, $0x2181, v6  }
0x10: {  	v7 =	vsel vm11, $0x4181, v7;
	v0 =	vsel vm10, $0x200, v0;
	v3 =	vsel vm10, $0x4200, v3  }
0x11: {  	v4 =	vsel vm10, $0x6200, v4;
	v5 =	vsel vm10, $0x201, v5;
	v6 =	vsel vm10, $0x2201, v6  }
0x12: {  	v7 =	vsel vm10, $0x4201, v7;
	v0 =	vsel vm9, $0x280, v0;
	v3 =	vsel vm9, $0x4280, v3  }
0x13: {  	v4 =	vsel vm9, $0x6280, v4;
	v5 =	vsel vm9, $0x281, v5;
	v6 =	vsel vm9, $0x2281, v6  }
0x14: {  	v7 =	vsel vm9, $0x4281, v7;
	v0 =	vsel vm8, $0x300, v0;
	v3 =	vsel vm8, $0x4300, v3  }
0x15: {  	v4 =	vsel vm8, $0x6300, v4;
	v5 =	vsel vm8, $0x301, v5;
	v6 =	vsel vm8, $0x2301, v6  }
0x16: {  	v7 =	vsel vm8, $0x4301, v7;
	v0 =	vsel vm7, $0x380, v0;
	v3 =	vsel vm7, $0x4380, v3  }
0x17: {  	v4 =	vsel vm7, $0x6380, v4;
	v5 =	vsel vm7, $0x381, v5;
	v6 =	vsel vm7, $0x2381, v6  }
0x18: {  	v7 =	vsel vm7, $0x4381, v7;
	v0 =	vsel vm6, $0x1000, v0;
	v3 =	vsel vm6, $0x5000, v3  }
0x19: {  	v4 =	vsel vm6, $0x7000, v4;
	v5 =	vsel vm6, $0x1001, v5;
	v6 =	vsel vm6, $0x3001, v6  }
0x1a: {  	v7 =	vsel vm6, $0x5001, v7;
	v0 =	vsel vm5, $0x1080, v0;
	v3 =	vsel vm5, $0x5080, v3  }
0x1b: {  	v4 =	vsel vm5, $0x7080, v4;
	v5 =	vsel vm5, $0x1081, v5;
	v6 =	vsel vm5, $0x3081, v6  }
0x1c: {  	v7 =	vsel vm5, $0x5081, v7;
	v0 =	vsel vm4, $0x1100, v0;
	v3 =	vsel vm4, $0x5100, v3  }
0x1d: {  	v4 =	vsel vm4, $0x7100, v4;
	v5 =	vsel vm4, $0x1101, v5;
	v6 =	vsel vm4, $0x3101, v6  }
0x1e: {  	v7 =	vsel vm4, $0x5101, v7;
	v0 =	vsel vm3, $0x1180, v0;
	v3 =	vsel vm3, $0x5180, v3  }
0x1f: {  	v4 =	vsel vm3, $0x7180, v4;
	v5 =	vsel vm3, $0x1181, v5;
	v6 =	vsel vm3, $0x3181, v6  }
0x20: {  	v7 =	vsel vm3, $0x5181, v7;
	v0 =	vsel vm2, $0x1200, v0;
	v3 =	vsel vm2, $0x5200, v3  }
0x21: {  	v4 =	vsel vm2, $0x7200, v4;
	v5 =	vsel vm2, $0x1201, v5;
	v6 =	vsel vm2, $0x3201, v6  }
0x22: {  	v7 =	vsel vm2, $0x5201, v7;
	v2 =	vsel vm1, $0x1280, v0;
	v0 =	vmul.u32 $0x80, v1  }
0x23: {  	v3 =	vsel vm1, $0x5280, v3;
	v4 =	vsel vm1, $0x7280, v4;
	v5 =	vsel vm1, $0x1281, v5  }
0x24: {  	v6 =	vsel vm1, $0x3281, v6;
	v7 =	vsel vm1, $0x5281, v7;
	v1 =	vsel vm0, $0x1300, v2  }
0x25: {  	v2 =	vimm.s32 $0x3380;
	v3 =	vsel vm0, $0x5300, v3;
	v5 =	vsel vm0, $0x1301, v5  }
0x26: {  	v2 =	vsel vm14, $0x2000, v2;
	[tilespmem:$0x1FF60] =	vst v5;
	v5 =	vsel vm0, $0x3301, v6;
	v6 =	vimm.s32 $0x1382  }
0x27: {  	v2 =	vsel vm13, $0x2080, v2;
	[tilespmem:$0x1FF70] =	vst v5;
	v5 =	vsel vm0, $0x5301, v7;
	v7 =	vimm.s32 $0x3382  }
0x28: {  	v6 =	vsel vm14, $0x2, v6;
	v2 =	vsel vm12, $0x2100, v2;
	[tilespmem:$0x1FF80] =	vst v5;
	v5 =	vimm.s32 $0x7381  }
0x29: {  	v7 =	vsel vm14, $0x2002, v7;
	v6 =	vsel vm13, $0x82, v6;
	v2 =	vsel vm11, $0x2180, v2  }
0x2a: {  	v5 =	vsel vm14, $0x6001, v5;
	v7 =	vsel vm13, $0x2082, v7;
	v6 =	vsel vm12, $0x102, v6  }
0x2b: {  	v2 =	vsel vm10, $0x2200, v2;
	v5 =	vsel vm13, $0x6081, v5;
	v7 =	vsel vm12, $0x2102, v7  }
0x2c: {  	v6 =	vsel vm11, $0x182, v6;
	v2 =	vsel vm9, $0x2280, v2;
	v5 =	vsel vm12, $0x6101, v5  }
0x2d: {  	v7 =	vsel vm11, $0x2182, v7;
	v6 =	vsel vm10, $0x202, v6;
	v5 =	vsel vm11, $0x6181, v5  }
0x2e: {  	v2 =	vsel vm8, $0x2300, v2;
	v7 =	vsel vm10, $0x2202, v7;
	v5 =	vsel vm10, $0x6201, v5  }
0x2f: {  	v6 =	vsel vm9, $0x282, v6;
	v2 =	vsel vm7, $0x2380, v2;
	v5 =	vsel vm9, $0x6281, v5  }
0x30: {  	v7 =	vsel vm9, $0x2282, v7;
	v6 =	vsel vm8, $0x302, v6;
	v5 =	vsel vm8, $0x6301, v5  }
0x31: {  	v2 =	vsel vm6, $0x3000, v2;
	v7 =	vsel vm8, $0x2302, v7;
	v5 =	vsel vm7, $0x6381, v5  }
0x32: {  	v6 =	vsel vm7, $0x382, v6;
	v2 =	vsel vm5, $0x3080, v2;
	v5 =	vsel vm6, $0x7001, v5  }
0x33: {  	v7 =	vsel vm7, $0x2382, v7;
	v6 =	vsel vm6, $0x1002, v6;
	v5 =	vsel vm5, $0x7081, v5  }
0x34: {  	v7 =	vsel vm6, $0x3002, v7;
	v6 =	vsel vm5, $0x1082, v6;
	v5 =	vsel vm4, $0x7101, v5  }
0x35: {  	v7 =	vsel vm5, $0x3082, v7;
	v6 =	vsel vm4, $0x1102, v6;
	v5 =	vsel vm3, $0x7181, v5  }
0x36: {  	v7 =	vsel vm4, $0x3102, v7;
	v6 =	vsel vm3, $0x1182, v6;
	v5 =	vsel vm2, $0x7201, v5  }
0x37: {  	v7 =	vsel vm3, $0x3182, v7;
	v6 =	vsel vm2, $0x1202, v6;
	v5 =	vsel vm1, $0x7281, v5  }
0x38: {  	v7 =	vsel vm2, $0x3202, v7;
	v6 =	vsel vm1, $0x1282, v6;
	v5 =	vsel vm0, $0x7301, v5  }
0x39: {  	v2 =	vsel vm4, $0x3100, v2;
	v7 =	vsel vm1, $0x3282, v7;
	[tilespmem:$0x1FF90] =	vst v5;
	v5 =	vsel vm0, $0x1302, v6  }
0x3a: {  	v4 =	vsel vm0, $0x7300, v4;
	v2 =	vsel vm3, $0x3180, v2;
	[tilespmem:$0x1FFA0] =	vst v5;
	v5 =	vsel vm0, $0x3302, v7  }
0x3b: {  	v8 =	vor.u32 $0x1800, v0;
	v2 =	vsel vm2, $0x3200, v2;
	[tilespmem:$0x1FFB0] =	vst v5;
	v5 =	vimm.s32 $0x5382  }
0x3c: {  	v2 =	vsel vm1, $0x3280, v2;
	v6 =	vimm.s32 $0x7382;
	v5 =	vsel vm14, $0x4002, v5  }
0x3d: {  	v7 =	vimm.s32 $0x1383;
	v6 =	vsel vm14, $0x6002, v6;
	v5 =	vsel vm13, $0x4082, v5  }
0x3e: {  	v7 =	vsel vm14, $0x3, v7;
	v6 =	vsel vm13, $0x6082, v6;
	v5 =	vsel vm12, $0x4102, v5  }
0x3f: {  	v7 =	vsel vm13, $0x83, v7;
	v6 =	vsel vm12, $0x6102, v6;
	v5 =	vsel vm11, $0x4182, v5  }
0x40: {  	v7 =	vsel vm12, $0x103, v7;
	v6 =	vsel vm11, $0x6182, v6;
	v5 =	vsel vm10, $0x4202, v5  }
0x41: {  	v7 =	vsel vm11, $0x183, v7;
	v6 =	vsel vm10, $0x6202, v6;
	v5 =	vsel vm9, $0x4282, v5  }
0x42: {  	v7 =	vsel vm10, $0x203, v7;
	v6 =	vsel vm9, $0x6282, v6;
	v5 =	vsel vm8, $0x4302, v5  }
0x43: {  	v7 =	vsel vm9, $0x283, v7;
	v6 =	vsel vm8, $0x6302, v6;
	v5 =	vsel vm7, $0x4382, v5  }
0x44: {  	v7 =	vsel vm8, $0x303, v7;
	v6 =	vsel vm7, $0x6382, v6;
	v5 =	vsel vm6, $0x5002, v5  }
0x45: {  	v7 =	vsel vm7, $0x383, v7;
	v6 =	vsel vm6, $0x7002, v6;
	v5 =	vsel vm5, $0x5082, v5  }
0x46: {  	v7 =	vsel vm6, $0x1003, v7;
	v6 =	vsel vm5, $0x7082, v6;
	v5 =	vsel vm4, $0x5102, v5  }
0x47: {  	v7 =	vsel vm5, $0x1083, v7;
	v6 =	vsel vm4, $0x7102, v6;
	v5 =	vsel vm3, $0x5182, v5  }
0x48: {  	v7 =	vsel vm4, $0x1103, v7;
	v6 =	vsel vm3, $0x7182, v6;
	v5 =	vsel vm2, $0x5202, v5  }
0x49: {  	v7 =	vsel vm3, $0x1183, v7;
	v6 =	vsel vm2, $0x7202, v6;
	v5 =	vsel vm1, $0x5282, v5  }
0x4a: {  	v7 =	vsel vm2, $0x1203, v7;
	v6 =	vsel vm1, $0x7282, v6;
	v5 =	vsel vm0, $0x5302, v5  }
0x4b: {  	v2 =	vsel vm0, $0x3300, v2;
	v7 =	vsel vm1, $0x1283, v7;
	[tilespmem:$0x1FFC0] =	vst v5;
	v5 =	vsel vm0, $0x7302, v6  }
0x4c: {  	v6 =	vimm.s32 $0x5383;
	[tilespmem:$0x1FFD0] =	vst v5;
	v5 =	vsel vm0, $0x1303, v7;
	v7 =	vimm.s32 $0x7383  }
0x4d: {  	v6 =	vsel vm14, $0x4003, v6;
	[tilespmem:$0x1FFE0] =	vst v5;
	v5 =	vimm.s32 $0x3383;
	v7 =	vsel vm14, $0x6003, v7  }
0x4e: {  	v6 =	vsel vm13, $0x4083, v6;
	v5 =	vsel vm14, $0x2003, v5;
	v7 =	vsel vm13, $0x6083, v7  }
0x4f: {  	v6 =	vsel vm12, $0x4103, v6;
	v5 =	vsel vm13, $0x2083, v5;
	v7 =	vsel vm12, $0x6103, v7  }
0x50: {  	v6 =	vsel vm11, $0x4183, v6;
	v5 =	vsel vm12, $0x2103, v5;
	v7 =	vsel vm11, $0x6183, v7  }
0x51: {  	v6 =	vsel vm10, $0x4203, v6;
	v5 =	vsel vm11, $0x2183, v5;
	v7 =	vsel vm10, $0x6203, v7  }
0x52: {  	v6 =	vsel vm9, $0x4283, v6;
	v5 =	vsel vm10, $0x2203, v5;
	v7 =	vsel vm9, $0x6283, v7  }
0x53: {  	v6 =	vsel vm8, $0x4303, v6;
	v5 =	vsel vm9, $0x2283, v5;
	v7 =	vsel vm8, $0x6303, v7  }
0x54: {  	v6 =	vsel vm7, $0x4383, v6;
	v5 =	vsel vm8, $0x2303, v5;
	v7 =	vsel vm7, $0x6383, v7  }
0x55: {  	v6 =	vsel vm6, $0x5003, v6;
	v5 =	vsel vm7, $0x2383, v5;
	v7 =	vsel vm6, $0x7003, v7  }
0x56: {  	v6 =	vsel vm5, $0x5083, v6;
	v5 =	vsel vm6, $0x3003, v5;
	v7 =	vsel vm5, $0x7083, v7  }
0x57: {  	v6 =	vsel vm4, $0x5103, v6;
	v5 =	vsel vm5, $0x3083, v5;
	v7 =	vsel vm4, $0x7103, v7  }
0x58: {  	v6 =	vsel vm3, $0x5183, v6;
	v5 =	vsel vm4, $0x3103, v5;
	v7 =	vsel vm3, $0x7183, v7  }
0x59: {  	v6 =	vsel vm2, $0x5203, v6;
	v5 =	vsel vm3, $0x3183, v5;
	v7 =	vsel vm2, $0x7203, v7  }
0x5a: {  	v6 =	vsel vm1, $0x5283, v6;
	v5 =	vsel vm2, $0x3203, v5;
	v7 =	vsel vm1, $0x7283, v7  }
0x5b: {  	v15 =	vsel vm0, $0x5303, v6;
	v6 =	vimm.s32 $0x3384;
	v5 =	vsel vm1, $0x3283, v5  }
0x5c: {  	v16 =	vsel vm0, $0x7303, v7;
	v7 =	vimm.s32 $0x5384;
	v6 =	vsel vm14, $0x2004, v6  }
0x5d: {  	v5 =	vsel vm0, $0x3303, v5;
	v7 =	vsel vm14, $0x4004, v7;
	v6 =	vsel vm13, $0x2084, v6  }
0x5e: {  	[tilespmem:$0x1FFF0] =	vst v5;
	v5 =	vimm.s32 $0x1384;
	v7 =	vsel vm13, $0x4084, v7;
	v6 =	vsel vm12, $0x2104, v6  }
0x5f: {  	v5 =	vsel vm14, $0x4, v5;
	v7 =	vsel vm12, $0x4104, v7;
	v6 =	vsel vm11, $0x2184, v6  }
0x60: {  	v5 =	vsel vm13, $0x84, v5;
	v7 =	vsel vm11, $0x4184, v7;
	v6 =	vsel vm10, $0x2204, v6  }
0x61: {  	v5 =	vsel vm12, $0x104, v5;
	v7 =	vsel vm10, $0x4204, v7;
	v6 =	vsel vm9, $0x2284, v6  }
0x62: {  	v5 =	vsel vm11, $0x184, v5;
	v7 =	vsel vm9, $0x4284, v7;
	v6 =	vsel vm8, $0x2304, v6  }
0x63: {  	v5 =	vsel vm10, $0x204, v5;
	v7 =	vsel vm8, $0x4304, v7;
	v6 =	vsel vm7, $0x2384, v6  }
0x64: {  	v5 =	vsel vm9, $0x284, v5;
	v7 =	vsel vm7, $0x4384, v7;
	v6 =	vsel vm6, $0x3004, v6  }
0x65: {  	v5 =	vsel vm8, $0x304, v5;
	v7 =	vsel vm6, $0x5004, v7;
	v6 =	vsel vm5, $0x3084, v6  }
0x66: {  	v5 =	vsel vm7, $0x384, v5;
	v7 =	vsel vm5, $0x5084, v7;
	v6 =	vsel vm4, $0x3104, v6  }
0x67: {  	v5 =	vsel vm6, $0x1004, v5;
	v7 =	vsel vm4, $0x5104, v7;
	v6 =	vsel vm3, $0x3184, v6  }
0x68: {  	v5 =	vsel vm5, $0x1084, v5;
	v7 =	vsel vm3, $0x5184, v7;
	v6 =	vsel vm2, $0x3204, v6  }
0x69: {  	v5 =	vsel vm4, $0x1104, v5;
	v7 =	vsel vm2, $0x5204, v7;
	v6 =	vsel vm1, $0x3284, v6  }
0x6a: {  	v5 =	vsel vm3, $0x1184, v5;
	v7 =	vsel vm1, $0x5284, v7;
	v18 =	vsel vm0, $0x3304, v6  }
0x6b: {  	v6 =	vimm.s32 $0x1385;
	v5 =	vsel vm2, $0x1204, v5;
	v19 =	vsel vm0, $0x5304, v7  }
0x6c: {  	v7 =	vimm.s32 $0x3385;
	v6 =	vsel vm14, $0x5, v6;
	v5 =	vsel vm1, $0x1284, v5  }
0x6d: {  	v7 =	vsel vm14, $0x2005, v7;
	v6 =	vsel vm13, $0x85, v6;
	v17 =	vsel vm0, $0x1304, v5  }
0x6e: {  	v5 =	vimm.s32 $0x7384;
	v7 =	vsel vm13, $0x2085, v7;
	v6 =	vsel vm12, $0x105, v6  }
0x6f: {  	v5 =	vsel vm14, $0x6004, v5;
	v7 =	vsel vm12, $0x2105, v7;
	v6 =	vsel vm11, $0x185, v6  }
0x70: {  	v5 =	vsel vm13, $0x6084, v5;
	v7 =	vsel vm11, $0x2185, v7;
	v6 =	vsel vm10, $0x205, v6  }
0x71: {  	v5 =	vsel vm12, $0x6104, v5;
	v7 =	vsel vm10, $0x2205, v7;
	v6 =	vsel vm9, $0x285, v6  }
0x72: {  	v5 =	vsel vm11, $0x6184, v5;
	v7 =	vsel vm9, $0x2285, v7;
	v6 =	vsel vm8, $0x305, v6  }
0x73: {  	v5 =	vsel vm10, $0x6204, v5;
	v7 =	vsel vm8, $0x2305, v7;
	v6 =	vsel vm7, $0x385, v6  }
0x74: {  	v5 =	vsel vm9, $0x6284, v5;
	v7 =	vsel vm7, $0x2385, v7;
	v6 =	vsel vm6, $0x1005, v6  }
0x75: {  	v5 =	vsel vm8, $0x6304, v5;
	v7 =	vsel vm6, $0x3005, v7;
	v6 =	vsel vm5, $0x1085, v6  }
0x76: {  	v5 =	vsel vm7, $0x6384, v5;
	v7 =	vsel vm5, $0x3085, v7;
	v6 =	vsel vm4, $0x1105, v6  }
0x77: {  	v5 =	vsel vm6, $0x7004, v5;
	v7 =	vsel vm4, $0x3105, v7;
	v6 =	vsel vm3, $0x1185, v6  }
0x78: {  	v5 =	vsel vm5, $0x7084, v5;
	v7 =	vsel vm3, $0x3185, v7;
	v6 =	vsel vm2, $0x1205, v6  }
0x79: {  	v5 =	vsel vm4, $0x7104, v5;
	v7 =	vsel vm2, $0x3205, v7;
	v6 =	vsel vm1, $0x1285, v6  }
0x7a: {  	v5 =	vsel vm3, $0x7184, v5;
	v7 =	vsel vm1, $0x3285, v7;
	v21 =	vsel vm0, $0x1305, v6  }
0x7b: {  	v6 =	vimm.s32 $0x7385;
	v5 =	vsel vm2, $0x7204, v5;
	v22 =	vsel vm0, $0x3305, v7  }
0x7c: {  	v7 =	vimm.s32 $0x1386;
	v6 =	vsel vm14, $0x6005, v6;
	v5 =	vsel vm1, $0x7284, v5  }
0x7d: {  	v7 =	vsel vm14, $0x6, v7;
	v6 =	vsel vm13, $0x6085, v6;
	v20 =	vsel vm0, $0x7304, v5  }
0x7e: {  	v5 =	vimm.s32 $0x5385;
	v7 =	vsel vm13, $0x86, v7;
	v6 =	vsel vm12, $0x6105, v6  }
0x7f: {  	v5 =	vsel vm14, $0x4005, v5;
	v7 =	vsel vm12, $0x106, v7;
	v6 =	vsel vm11, $0x6185, v6  }
0x80: {  	v5 =	vsel vm13, $0x4085, v5;
	v7 =	vsel vm11, $0x186, v7;
	v6 =	vsel vm10, $0x6205, v6  }
0x81: {  	v5 =	vsel vm12, $0x4105, v5;
	v7 =	vsel vm10, $0x206, v7;
	v6 =	vsel vm9, $0x6285, v6  }
0x82: {  	v5 =	vsel vm11, $0x4185, v5;
	v7 =	vsel vm9, $0x286, v7;
	v6 =	vsel vm8, $0x6305, v6  }
0x83: {  	v5 =	vsel vm10, $0x4205, v5;
	v7 =	vsel vm8, $0x306, v7;
	v6 =	vsel vm7, $0x6385, v6  }
0x84: {  	v5 =	vsel vm9, $0x4285, v5;
	v7 =	vsel vm7, $0x386, v7;
	v6 =	vsel vm6, $0x7005, v6  }
0x85: {  	v5 =	vsel vm8, $0x4305, v5;
	v7 =	vsel vm6, $0x1006, v7;
	v6 =	vsel vm5, $0x7085, v6  }
0x86: {  	v5 =	vsel vm7, $0x4385, v5;
	v7 =	vsel vm5, $0x1086, v7;
	v6 =	vsel vm4, $0x7105, v6  }
0x87: {  	v5 =	vsel vm6, $0x5005, v5;
	v7 =	vsel vm4, $0x1106, v7;
	v6 =	vsel vm3, $0x7185, v6  }
0x88: {  	v5 =	vsel vm5, $0x5085, v5;
	v7 =	vsel vm3, $0x1186, v7;
	v6 =	vsel vm2, $0x7205, v6  }
0x89: {  	v5 =	vsel vm4, $0x5105, v5;
	v7 =	vsel vm2, $0x1206, v7;
	v6 =	vsel vm1, $0x7285, v6  }
0x8a: {  	v5 =	vsel vm3, $0x5185, v5;
	v7 =	vsel vm1, $0x1286, v7;
	v24 =	vsel vm0, $0x7305, v6  }
0x8b: {  	v6 =	vimm.s32 $0x5386;
	v5 =	vsel vm2, $0x5205, v5;
	v25 =	vsel vm0, $0x1306, v7  }
0x8c: {  	v7 =	vimm.s32 $0x7386;
	v6 =	vsel vm14, $0x4006, v6;
	v5 =	vsel vm1, $0x5285, v5  }
0x8d: {  	v7 =	vsel vm14, $0x6006, v7;
	v6 =	vsel vm13, $0x4086, v6;
	v23 =	vsel vm0, $0x5305, v5  }
0x8e: {  	v5 =	vimm.s32 $0x3386;
	v7 =	vsel vm13, $0x6086, v7;
	v6 =	vsel vm12, $0x4106, v6  }
0x8f: {  	v5 =	vsel vm14, $0x2006, v5;
	v7 =	vsel vm12, $0x6106, v7;
	v6 =	vsel vm11, $0x4186, v6  }
0x90: {  	v5 =	vsel vm13, $0x2086, v5;
	v7 =	vsel vm11, $0x6186, v7;
	v6 =	vsel vm10, $0x4206, v6  }
0x91: {  	v5 =	vsel vm12, $0x2106, v5;
	v7 =	vsel vm10, $0x6206, v7;
	v6 =	vsel vm9, $0x4286, v6  }
0x92: {  	v5 =	vsel vm11, $0x2186, v5;
	v7 =	vsel vm9, $0x6286, v7;
	v6 =	vsel vm8, $0x4306, v6  }
0x93: {  	v5 =	vsel vm10, $0x2206, v5;
	v7 =	vsel vm8, $0x6306, v7;
	v6 =	vsel vm7, $0x4386, v6  }
0x94: {  	v5 =	vsel vm9, $0x2286, v5;
	v7 =	vsel vm7, $0x6386, v7;
	v6 =	vsel vm6, $0x5006, v6  }
0x95: {  	v5 =	vsel vm8, $0x2306, v5;
	v7 =	vsel vm6, $0x7006, v7;
	v6 =	vsel vm5, $0x5086, v6  }
0x96: {  	v5 =	vsel vm7, $0x2386, v5;
	v7 =	vsel vm5, $0x7086, v7;
	v6 =	vsel vm4, $0x5106, v6  }
0x97: {  	v5 =	vsel vm6, $0x3006, v5;
	v7 =	vsel vm4, $0x7106, v7;
	v6 =	vsel vm3, $0x5186, v6  }
0x98: {  	v5 =	vsel vm5, $0x3086, v5;
	v7 =	vsel vm3, $0x7186, v7;
	v6 =	vsel vm2, $0x5206, v6  }
0x99: {  	v5 =	vsel vm4, $0x3106, v5;
	v7 =	vsel vm2, $0x7206, v7;
	v6 =	vsel vm1, $0x5286, v6  }
0x9a: {  	v5 =	vsel vm3, $0x3186, v5;
	v7 =	vsel vm1, $0x7286, v7;
	v27 =	vsel vm0, $0x5306, v6  }
0x9b: {  	v6 =	vimm.s32 $0x3387;
	v5 =	vsel vm2, $0x3206, v5;
	v28 =	vsel vm0, $0x7306, v7  }
0x9c: {  	v7 =	vimm.s32 $0x5387;
	v6 =	vsel vm14, $0x2007, v6;
	v5 =	vsel vm1, $0x3286, v5  }
0x9d: {  	v7 =	vsel vm14, $0x4007, v7;
	v6 =	vsel vm13, $0x2087, v6;
	v26 =	vsel vm0, $0x3306, v5  }
0x9e: {  	v5 =	vimm.s32 $0x1387;
	v7 =	vsel vm13, $0x4087, v7;
	v6 =	vsel vm12, $0x2107, v6  }
0x9f: {  	v5 =	vsel vm14, $0x7, v5;
	v7 =	vsel vm12, $0x4107, v7;
	v6 =	vsel vm11, $0x2187, v6  }
0xa0: {  	v5 =	vsel vm13, $0x87, v5;
	v7 =	vsel vm11, $0x4187, v7;
	v6 =	vsel vm10, $0x2207, v6  }
0xa1: {  	v5 =	vsel vm12, $0x107, v5;
	v7 =	vsel vm10, $0x4207, v7;
	v6 =	vsel vm9, $0x2287, v6  }
0xa2: {  	v5 =	vsel vm11, $0x187, v5;
	v7 =	vsel vm9, $0x4287, v7;
	v6 =	vsel vm8, $0x2307, v6  }
0xa3: {  	v5 =	vsel vm10, $0x207, v5;
	v7 =	vsel vm8, $0x4307, v7;
	v6 =	vsel vm7, $0x2387, v6  }
0xa4: {  	v5 =	vsel vm9, $0x287, v5;
	v7 =	vsel vm7, $0x4387, v7;
	v6 =	vsel vm6, $0x3007, v6  }
0xa5: {  	v5 =	vsel vm8, $0x307, v5;
	v7 =	vsel vm6, $0x5007, v7;
	v6 =	vsel vm5, $0x3087, v6  }
0xa6: {  	v5 =	vsel vm7, $0x387, v5;
	v7 =	vsel vm5, $0x5087, v7;
	v6 =	vsel vm4, $0x3107, v6  }
0xa7: {  	v5 =	vsel vm6, $0x1007, v5;
	v7 =	vsel vm4, $0x5107, v7;
	v6 =	vsel vm3, $0x3187, v6  }
0xa8: {  	v5 =	vsel vm5, $0x1087, v5;
	v7 =	vsel vm3, $0x5187, v7;
	v6 =	vsel vm2, $0x3207, v6  }
0xa9: {  	v5 =	vsel vm4, $0x1107, v5;
	v7 =	vsel vm2, $0x5207, v7;
	v6 =	vsel vm1, $0x3287, v6  }
0xaa: {  	v5 =	vsel vm3, $0x1187, v5;
	v7 =	vsel vm1, $0x5287, v7;
	v30 =	vsel vm0, $0x3307, v6  }
0xab: {  	v6 =	vimm.s32 $0x1FF8;
	v5 =	vsel vm2, $0x1207, v5;
	v31 =	vsel vm0, $0x5307, v7  }
0xac: {  	v7 =	vimm.s32 $0x3FF8;
	v6 =	vsel vm14, $0xC78, v6;
	v5 =	vsel vm1, $0x1287, v5  }
0xad: {  	v7 =	vsel vm14, $0x2C78, v7;
	v6 =	vsel vm13, $0xCF8, v6;
	v29 =	vsel vm0, $0x1307, v5  }
0xae: {  	v5 =	vimm.s32 $0x7387;
	v7 =	vsel vm13, $0x2CF8, v7;
	v6 =	vsel vm12, $0xD78, v6  }
0xaf: {  	v5 =	vsel vm14, $0x6007, v5;
	v7 =	vsel vm12, $0x2D78, v7;
	v6 =	vsel vm11, $0xDF8, v6  }
0xb0: {  	v5 =	vsel vm13, $0x6087, v5;
	v7 =	vsel vm11, $0x2DF8, v7;
	v6 =	vsel vm10, $0xE78, v6  }
0xb1: {  	v5 =	vsel vm12, $0x6107, v5;
	v7 =	vsel vm10, $0x2E78, v7;
	v6 =	vsel vm9, $0xEF8, v6  }
0xb2: {  	v5 =	vsel vm11, $0x6187, v5;
	v7 =	vsel vm9, $0x2EF8, v7;
	v6 =	vsel vm8, $0xF78, v6  }
0xb3: {  	v5 =	vsel vm10, $0x6207, v5;
	v7 =	vsel vm8, $0x2F78, v7;
	v6 =	vsel vm7, $0xFF8, v6  }
0xb4: {  	v5 =	vsel vm9, $0x6287, v5;
	v7 =	vsel vm7, $0x2FF8, v7;
	v6 =	vsel vm6, $0x1C78, v6  }
0xb5: {  	v5 =	vsel vm8, $0x6307, v5;
	v7 =	vsel vm6, $0x3C78, v7;
	v6 =	vsel vm5, $0x1CF8, v6  }
0xb6: {  	v5 =	vsel vm7, $0x6387, v5;
	v7 =	vsel vm5, $0x3CF8, v7;
	v6 =	vsel vm4, $0x1D78, v6  }
0xb7: {  	v5 =	vsel vm6, $0x7007, v5;
	v7 =	vsel vm4, $0x3D78, v7;
	v6 =	vsel vm3, $0x1DF8, v6  }
0xb8: {  	v5 =	vsel vm5, $0x7087, v5;
	v7 =	vsel vm3, $0x3DF8, v7;
	v6 =	vsel vm2, $0x1E78, v6  }
0xb9: {  	v5 =	vsel vm4, $0x7107, v5;
	v7 =	vsel vm2, $0x3E78, v7;
	v6 =	vsel vm1, $0x1EF8, v6  }
0xba: {  	v5 =	vsel vm3, $0x7187, v5;
	v7 =	vsel vm1, $0x3EF8, v7;
	v33 =	vsel vm0, $0x1F78, v6  }
0xbb: {  	v6 =	vimm.s32 $0x7FF8;
	v5 =	vsel vm2, $0x7207, v5;
	v34 =	vsel vm0, $0x3F78, v7  }
0xbc: {  	v7 =	vimm.s32 $0x1FF9;
	v6 =	vsel vm14, $0x6C78, v6;
	v5 =	vsel vm1, $0x7287, v5  }
0xbd: {  	v7 =	vsel vm14, $0xC79, v7;
	v6 =	vsel vm13, $0x6CF8, v6;
	v32 =	vsel vm0, $0x7307, v5  }
0xbe: {  	v5 =	vimm.s32 $0x5FF8;
	v7 =	vsel vm13, $0xCF9, v7;
	v6 =	vsel vm12, $0x6D78, v6  }
0xbf: {  	v5 =	vsel vm14, $0x4C78, v5;
	v7 =	vsel vm12, $0xD79, v7;
	v6 =	vsel vm11, $0x6DF8, v6  }
0xc0: {  	v5 =	vsel vm13, $0x4CF8, v5;
	v7 =	vsel vm11, $0xDF9, v7;
	v6 =	vsel vm10, $0x6E78, v6  }
0xc1: {  	v5 =	vsel vm12, $0x4D78, v5;
	v7 =	vsel vm10, $0xE79, v7;
	v6 =	vsel vm9, $0x6EF8, v6  }
0xc2: {  	v5 =	vsel vm11, $0x4DF8, v5;
	v7 =	vsel vm9, $0xEF9, v7;
	v6 =	vsel vm8, $0x6F78, v6  }
0xc3: {  	v5 =	vsel vm10, $0x4E78, v5;
	v7 =	vsel vm8, $0xF79, v7;
	v6 =	vsel vm7, $0x6FF8, v6  }
0xc4: {  	v5 =	vsel vm9, $0x4EF8, v5;
	v7 =	vsel vm7, $0xFF9, v7;
	v6 =	vsel vm6, $0x7C78, v6  }
0xc5: {  	v5 =	vsel vm8, $0x4F78, v5;
	v7 =	vsel vm6, $0x1C79, v7;
	v6 =	vsel vm5, $0x7CF8, v6  }
0xc6: {  	v5 =	vsel vm7, $0x4FF8, v5;
	v7 =	vsel vm5, $0x1CF9, v7;
	v6 =	vsel vm4, $0x7D78, v6  }
0xc7: {  	v5 =	vsel vm6, $0x5C78, v5;
	v7 =	vsel vm4, $0x1D79, v7;
	v6 =	vsel vm3, $0x7DF8, v6  }
0xc8: {  	v5 =	vsel vm5, $0x5CF8, v5;
	v7 =	vsel vm3, $0x1DF9, v7;
	v6 =	vsel vm2, $0x7E78, v6  }
0xc9: {  	v5 =	vsel vm4, $0x5D78, v5;
	v7 =	vsel vm2, $0x1E79, v7;
	v6 =	vsel vm1, $0x7EF8, v6  }
0xca: {  	v5 =	vsel vm3, $0x5DF8, v5;
	v7 =	vsel vm1, $0x1EF9, v7;
	v36 =	vsel vm0, $0x7F78, v6  }
0xcb: {  	v6 =	vimm.s32 $0x5FF9;
	v5 =	vsel vm2, $0x5E78, v5;
	v37 =	vsel vm0, $0x1F79, v7  }
0xcc: {  	v7 =	vimm.s32 $0x7FF9;
	v6 =	vsel vm14, $0x4C79, v6;
	v5 =	vsel vm1, $0x5EF8, v5  }
0xcd: {  	v7 =	vsel vm14, $0x6C79, v7;
	v6 =	vsel vm13, $0x4CF9, v6;
	v35 =	vsel vm0, $0x5F78, v5  }
0xce: {  	v5 =	vimm.s32 $0x3FF9;
	v7 =	vsel vm13, $0x6CF9, v7;
	v6 =	vsel vm12, $0x4D79, v6  }
0xcf: {  	v5 =	vsel vm14, $0x2C79, v5;
	v7 =	vsel vm12, $0x6D79, v7;
	v6 =	vsel vm11, $0x4DF9, v6  }
0xd0: {  	v5 =	vsel vm13, $0x2CF9, v5;
	v7 =	vsel vm11, $0x6DF9, v7;
	v6 =	vsel vm10, $0x4E79, v6  }
0xd1: {  	v5 =	vsel vm12, $0x2D79, v5;
	v7 =	vsel vm10, $0x6E79, v7;
	v6 =	vsel vm9, $0x4EF9, v6  }
0xd2: {  	v5 =	vsel vm11, $0x2DF9, v5;
	v7 =	vsel vm9, $0x6EF9, v7;
	v6 =	vsel vm8, $0x4F79, v6  }
0xd3: {  	v5 =	vsel vm10, $0x2E79, v5;
	v7 =	vsel vm8, $0x6F79, v7;
	v6 =	vsel vm7, $0x4FF9, v6  }
0xd4: {  	v5 =	vsel vm9, $0x2EF9, v5;
	v7 =	vsel vm7, $0x6FF9, v7;
	v6 =	vsel vm6, $0x5C79, v6  }
0xd5: {  	v5 =	vsel vm8, $0x2F79, v5;
	v7 =	vsel vm6, $0x7C79, v7;
	v6 =	vsel vm5, $0x5CF9, v6  }
0xd6: {  	v5 =	vsel vm7, $0x2FF9, v5;
	v7 =	vsel vm5, $0x7CF9, v7;
	v6 =	vsel vm4, $0x5D79, v6  }
0xd7: {  	v5 =	vsel vm6, $0x3C79, v5;
	v7 =	vsel vm4, $0x7D79, v7;
	v6 =	vsel vm3, $0x5DF9, v6  }
0xd8: {  	v5 =	vsel vm5, $0x3CF9, v5;
	v7 =	vsel vm3, $0x7DF9, v7;
	v6 =	vsel vm2, $0x5E79, v6  }
0xd9: {  	v5 =	vsel vm4, $0x3D79, v5;
	v7 =	vsel vm2, $0x7E79, v7;
	v6 =	vsel vm1, $0x5EF9, v6  }
0xda: {  	v5 =	vsel vm3, $0x3DF9, v5;
	v7 =	vsel vm1, $0x7EF9, v7;
	v39 =	vsel vm0, $0x5F79, v6  }
0xdb: {  	v6 =	vimm.s32 $0x3FFA;
	v5 =	vsel vm2, $0x3E79, v5;
	v40 =	vsel vm0, $0x7F79, v7  }
0xdc: {  	v7 =	vimm.s32 $0x5FFA;
	v6 =	vsel vm14, $0x2C7A, v6;
	v5 =	vsel vm1, $0x3EF9, v5  }
0xdd: {  	v7 =	vsel vm14, $0x4C7A, v7;
	v6 =	vsel vm13, $0x2CFA, v6;
	v38 =	vsel vm0, $0x3F79, v5  }
0xde: {  	v5 =	vimm.s32 $0x1FFA;
	v7 =	vsel vm13, $0x4CFA, v7;
	v6 =	vsel vm12, $0x2D7A, v6  }
0xdf: {  	v5 =	vsel vm14, $0xC7A, v5;
	v7 =	vsel vm12, $0x4D7A, v7;
	v6 =	vsel vm11, $0x2DFA, v6  }
0xe0: {  	v5 =	vsel vm13, $0xCFA, v5;
	v7 =	vsel vm11, $0x4DFA, v7;
	v6 =	vsel vm10, $0x2E7A, v6  }
0xe1: {  	v5 =	vsel vm12, $0xD7A, v5;
	v7 =	vsel vm10, $0x4E7A, v7;
	v6 =	vsel vm9, $0x2EFA, v6  }
0xe2: {  	v5 =	vsel vm11, $0xDFA, v5;
	v7 =	vsel vm9, $0x4EFA, v7;
	v6 =	vsel vm8, $0x2F7A, v6  }
0xe3: {  	v5 =	vsel vm10, $0xE7A, v5;
	v7 =	vsel vm8, $0x4F7A, v7;
	v6 =	vsel vm7, $0x2FFA, v6  }
0xe4: {  	v5 =	vsel vm9, $0xEFA, v5;
	v7 =	vsel vm7, $0x4FFA, v7;
	v6 =	vsel vm6, $0x3C7A, v6  }
0xe5: {  	v5 =	vsel vm8, $0xF7A, v5;
	v7 =	vsel vm6, $0x5C7A, v7;
	v6 =	vsel vm5, $0x3CFA, v6  }
0xe6: {  	v5 =	vsel vm7, $0xFFA, v5;
	v7 =	vsel vm5, $0x5CFA, v7;
	v6 =	vsel vm4, $0x3D7A, v6  }
0xe7: {  	v5 =	vsel vm6, $0x1C7A, v5;
	v7 =	vsel vm4, $0x5D7A, v7;
	v6 =	vsel vm3, $0x3DFA, v6  }
0xe8: {  	v5 =	vsel vm5, $0x1CFA, v5;
	v7 =	vsel vm3, $0x5DFA, v7;
	v6 =	vsel vm2, $0x3E7A, v6  }
0xe9: {  	v5 =	vsel vm4, $0x1D7A, v5;
	v7 =	vsel vm2, $0x5E7A, v7;
	v6 =	vsel vm1, $0x3EFA, v6  }
0xea: {  	v5 =	vsel vm3, $0x1DFA, v5;
	v7 =	vsel vm1, $0x5EFA, v7;
	v42 =	vsel vm0, $0x3F7A, v6  }
0xeb: {  	v6 =	vimm.s32 $0x1FFB;
	v5 =	vsel vm2, $0x1E7A, v5;
	v43 =	vsel vm0, $0x5F7A, v7  }
0xec: {  	v7 =	vimm.s32 $0x3FFB;
	v6 =	vsel vm14, $0xC7B, v6;
	v5 =	vsel vm1, $0x1EFA, v5  }
0xed: {  	v7 =	vsel vm14, $0x2C7B, v7;
	v6 =	vsel vm13, $0xCFB, v6;
	v41 =	vsel vm0, $0x1F7A, v5  }
0xee: {  	v5 =	vimm.s32 $0x7FFA;
	v7 =	vsel vm13, $0x2CFB, v7;
	v6 =	vsel vm12, $0xD7B, v6  }
0xef: {  	v5 =	vsel vm14, $0x6C7A, v5;
	v7 =	vsel vm12, $0x2D7B, v7;
	v6 =	vsel vm11, $0xDFB, v6  }
0xf0: {  	v5 =	vsel vm13, $0x6CFA, v5;
	v7 =	vsel vm11, $0x2DFB, v7;
	v6 =	vsel vm10, $0xE7B, v6  }
0xf1: {  	v5 =	vsel vm12, $0x6D7A, v5;
	v7 =	vsel vm10, $0x2E7B, v7;
	v6 =	vsel vm9, $0xEFB, v6  }
0xf2: {  	v5 =	vsel vm11, $0x6DFA, v5;
	v7 =	vsel vm9, $0x2EFB, v7;
	v6 =	vsel vm8, $0xF7B, v6  }
0xf3: {  	v5 =	vsel vm10, $0x6E7A, v5;
	v7 =	vsel vm8, $0x2F7B, v7;
	v6 =	vsel vm7, $0xFFB, v6  }
0xf4: {  	v5 =	vsel vm9, $0x6EFA, v5;
	v7 =	vsel vm7, $0x2FFB, v7;
	v6 =	vsel vm6, $0x1C7B, v6  }
0xf5: {  	v5 =	vsel vm8, $0x6F7A, v5;
	v7 =	vsel vm6, $0x3C7B, v7;
	v6 =	vsel vm5, $0x1CFB, v6  }
0xf6: {  	v5 =	vsel vm7, $0x6FFA, v5;
	v7 =	vsel vm5, $0x3CFB, v7;
	v6 =	vsel vm4, $0x1D7B, v6  }
0xf7: {  	v5 =	vsel vm6, $0x7C7A, v5;
	v7 =	vsel vm4, $0x3D7B, v7;
	v6 =	vsel vm3, $0x1DFB, v6  }
0xf8: {  	v5 =	vsel vm5, $0x7CFA, v5;
	v7 =	vsel vm3, $0x3DFB, v7;
	v6 =	vsel vm2, $0x1E7B, v6  }
0xf9: {  	v5 =	vsel vm4, $0x7D7A, v5;
	v7 =	vsel vm2, $0x3E7B, v7;
	v6 =	vsel vm1, $0x1EFB, v6  }
0xfa: {  	v5 =	vsel vm3, $0x7DFA, v5;
	v7 =	vsel vm1, $0x3EFB, v7;
	v45 =	vsel vm0, $0x1F7B, v6  }
0xfb: {  	v6 =	vimm.s32 $0x7FFB;
	v5 =	vsel vm2, $0x7E7A, v5;
	v46 =	vsel vm0, $0x3F7B, v7  }
0xfc: {  	v7 =	vimm.s32 $0x1FFC;
	v6 =	vsel vm14, $0x6C7B, v6;
	v5 =	vsel vm1, $0x7EFA, v5  }
0xfd: {  	v7 =	vsel vm14, $0xC7C, v7;
	v6 =	vsel vm13, $0x6CFB, v6;
	v44 =	vsel vm0, $0x7F7A, v5  }
0xfe: {  	v5 =	vimm.s32 $0x5FFB;
	v7 =	vsel vm13, $0xCFC, v7;
	v6 =	vsel vm12, $0x6D7B, v6  }
0xff: {  	v5 =	vsel vm14, $0x4C7B, v5;
	v7 =	vsel vm12, $0xD7C, v7;
	v6 =	vsel vm11, $0x6DFB, v6  }
0x100: {  	v5 =	vsel vm13, $0x4CFB, v5;
	v7 =	vsel vm11, $0xDFC, v7;
	v6 =	vsel vm10, $0x6E7B, v6  }
0x101: {  	v5 =	vsel vm12, $0x4D7B, v5;
	v7 =	vsel vm10, $0xE7C, v7;
	v6 =	vsel vm9, $0x6EFB, v6  }
0x102: {  	v5 =	vsel vm11, $0x4DFB, v5;
	v7 =	vsel vm9, $0xEFC, v7;
	v6 =	vsel vm8, $0x6F7B, v6  }
0x103: {  	v5 =	vsel vm10, $0x4E7B, v5;
	v7 =	vsel vm8, $0xF7C, v7;
	v6 =	vsel vm7, $0x6FFB, v6  }
0x104: {  	v5 =	vsel vm9, $0x4EFB, v5;
	v7 =	vsel vm7, $0xFFC, v7;
	v6 =	vsel vm6, $0x7C7B, v6  }
0x105: {  	v5 =	vsel vm8, $0x4F7B, v5;
	v7 =	vsel vm6, $0x1C7C, v7;
	v6 =	vsel vm5, $0x7CFB, v6  }
0x106: {  	v5 =	vsel vm7, $0x4FFB, v5;
	v7 =	vsel vm5, $0x1CFC, v7;
	v6 =	vsel vm4, $0x7D7B, v6  }
0x107: {  	v5 =	vsel vm6, $0x5C7B, v5;
	v7 =	vsel vm4, $0x1D7C, v7;
	v6 =	vsel vm3, $0x7DFB, v6  }
0x108: {  	v5 =	vsel vm5, $0x5CFB, v5;
	v7 =	vsel vm3, $0x1DFC, v7;
	v6 =	vsel vm2, $0x7E7B, v6  }
0x109: {  	v5 =	vsel vm4, $0x5D7B, v5;
	v7 =	vsel vm2, $0x1E7C, v7;
	v6 =	vsel vm1, $0x7EFB, v6  }
0x10a: {  	v5 =	vsel vm3, $0x5DFB, v5;
	v7 =	vsel vm1, $0x1EFC, v7;
	v48 =	vsel vm0, $0x7F7B, v6  }
0x10b: {  	v6 =	vimm.s32 $0x5FFC;
	v5 =	vsel vm2, $0x5E7B, v5;
	v49 =	vsel vm0, $0x1F7C, v7  }
0x10c: {  	v7 =	vimm.s32 $0x7FFC;
	v6 =	vsel vm14, $0x4C7C, v6;
	v5 =	vsel vm1, $0x5EFB, v5  }
0x10d: {  	v7 =	vsel vm14, $0x6C7C, v7;
	v6 =	vsel vm13, $0x4CFC, v6;
	v47 =	vsel vm0, $0x5F7B, v5  }
0x10e: {  	v5 =	vimm.s32 $0x3FFC;
	v7 =	vsel vm13, $0x6CFC, v7;
	v6 =	vsel vm12, $0x4D7C, v6  }
0x10f: {  	v5 =	vsel vm14, $0x2C7C, v5;
	v7 =	vsel vm12, $0x6D7C, v7;
	v6 =	vsel vm11, $0x4DFC, v6  }
0x110: {  	v5 =	vsel vm13, $0x2CFC, v5;
	v7 =	vsel vm11, $0x6DFC, v7;
	v6 =	vsel vm10, $0x4E7C, v6  }
0x111: {  	v5 =	vsel vm12, $0x2D7C, v5;
	v7 =	vsel vm10, $0x6E7C, v7;
	v6 =	vsel vm9, $0x4EFC, v6  }
0x112: {  	v5 =	vsel vm11, $0x2DFC, v5;
	v7 =	vsel vm9, $0x6EFC, v7;
	v6 =	vsel vm8, $0x4F7C, v6  }
0x113: {  	v5 =	vsel vm10, $0x2E7C, v5;
	v7 =	vsel vm8, $0x6F7C, v7;
	v6 =	vsel vm7, $0x4FFC, v6  }
0x114: {  	v5 =	vsel vm9, $0x2EFC, v5;
	v7 =	vsel vm7, $0x6FFC, v7;
	v6 =	vsel vm6, $0x5C7C, v6  }
0x115: {  	v5 =	vsel vm8, $0x2F7C, v5;
	v7 =	vsel vm6, $0x7C7C, v7;
	v6 =	vsel vm5, $0x5CFC, v6  }
0x116: {  	v5 =	vsel vm7, $0x2FFC, v5;
	v7 =	vsel vm5, $0x7CFC, v7;
	v6 =	vsel vm4, $0x5D7C, v6  }
0x117: {  	v5 =	vsel vm6, $0x3C7C, v5;
	v7 =	vsel vm4, $0x7D7C, v7;
	v6 =	vsel vm3, $0x5DFC, v6  }
0x118: {  	v5 =	vsel vm5, $0x3CFC, v5;
	v7 =	vsel vm3, $0x7DFC, v7;
	v6 =	vsel vm2, $0x5E7C, v6  }
0x119: {  	v5 =	vsel vm4, $0x3D7C, v5;
	v7 =	vsel vm2, $0x7E7C, v7;
	v6 =	vsel vm1, $0x5EFC, v6  }
0x11a: {  	v5 =	vsel vm3, $0x3DFC, v5;
	v7 =	vsel vm1, $0x7EFC, v7;
	v51 =	vsel vm0, $0x5F7C, v6  }
0x11b: {  	v6 =	vimm.s32 $0x3FFD;
	v5 =	vsel vm2, $0x3E7C, v5;
	v52 =	vsel vm0, $0x7F7C, v7  }
0x11c: {  	v7 =	vimm.s32 $0x5FFD;
	v6 =	vsel vm14, $0x2C7D, v6;
	v5 =	vsel vm1, $0x3EFC, v5  }
0x11d: {  	v7 =	vsel vm14, $0x4C7D, v7;
	v6 =	vsel vm13, $0x2CFD, v6;
	v50 =	vsel vm0, $0x3F7C, v5  }
0x11e: {  	v5 =	vimm.s32 $0x1FFD;
	v7 =	vsel vm13, $0x4CFD, v7;
	v6 =	vsel vm12, $0x2D7D, v6  }
0x11f: {  	v5 =	vsel vm14, $0xC7D, v5;
	v7 =	vsel vm12, $0x4D7D, v7;
	v6 =	vsel vm11, $0x2DFD, v6  }
0x120: {  	v5 =	vsel vm13, $0xCFD, v5;
	v7 =	vsel vm11, $0x4DFD, v7;
	v6 =	vsel vm10, $0x2E7D, v6  }
0x121: {  	v5 =	vsel vm12, $0xD7D, v5;
	v7 =	vsel vm10, $0x4E7D, v7;
	v6 =	vsel vm9, $0x2EFD, v6  }
0x122: {  	v5 =	vsel vm11, $0xDFD, v5;
	v7 =	vsel vm9, $0x4EFD, v7;
	v6 =	vsel vm8, $0x2F7D, v6  }
0x123: {  	v5 =	vsel vm10, $0xE7D, v5;
	v7 =	vsel vm8, $0x4F7D, v7;
	v6 =	vsel vm7, $0x2FFD, v6  }
0x124: {  	v5 =	vsel vm9, $0xEFD, v5;
	v7 =	vsel vm7, $0x4FFD, v7;
	v6 =	vsel vm6, $0x3C7D, v6  }
0x125: {  	v5 =	vsel vm8, $0xF7D, v5;
	v7 =	vsel vm6, $0x5C7D, v7;
	v6 =	vsel vm5, $0x3CFD, v6  }
0x126: {  	v5 =	vsel vm7, $0xFFD, v5;
	v7 =	vsel vm5, $0x5CFD, v7;
	v6 =	vsel vm4, $0x3D7D, v6  }
0x127: {  	v5 =	vsel vm6, $0x1C7D, v5;
	v7 =	vsel vm4, $0x5D7D, v7;
	v6 =	vsel vm3, $0x3DFD, v6  }
0x128: {  	v5 =	vsel vm5, $0x1CFD, v5;
	v7 =	vsel vm3, $0x5DFD, v7;
	v6 =	vsel vm2, $0x3E7D, v6  }
0x129: {  	v5 =	vsel vm4, $0x1D7D, v5;
	v7 =	vsel vm2, $0x5E7D, v7;
	v6 =	vsel vm1, $0x3EFD, v6  }
0x12a: {  	v5 =	vsel vm3, $0x1DFD, v5;
	v7 =	vsel vm1, $0x5EFD, v7;
	v54 =	vsel vm0, $0x3F7D, v6  }
0x12b: {  	v6 =	vimm.s32 $0x1FFE;
	v5 =	vsel vm2, $0x1E7D, v5;
	v55 =	vsel vm0, $0x5F7D, v7  }
0x12c: {  	v7 =	vimm.s32 $0x3FFE;
	v6 =	vsel vm14, $0xC7E, v6;
	v5 =	vsel vm1, $0x1EFD, v5  }
0x12d: {  	v7 =	vsel vm14, $0x2C7E, v7;
	v6 =	vsel vm13, $0xCFE, v6;
	v53 =	vsel vm0, $0x1F7D, v5  }
0x12e: {  	v5 =	vimm.s32 $0x7FFD;
	v7 =	vsel vm13, $0x2CFE, v7;
	v6 =	vsel vm12, $0xD7E, v6  }
0x12f: {  	v5 =	vsel vm14, $0x6C7D, v5;
	v7 =	vsel vm12, $0x2D7E, v7;
	v6 =	vsel vm11, $0xDFE, v6  }
0x130: {  	v5 =	vsel vm13, $0x6CFD, v5;
	v7 =	vsel vm11, $0x2DFE, v7;
	v6 =	vsel vm10, $0xE7E, v6  }
0x131: {  	v5 =	vsel vm12, $0x6D7D, v5;
	v7 =	vsel vm10, $0x2E7E, v7;
	v6 =	vsel vm9, $0xEFE, v6  }
0x132: {  	v5 =	vsel vm11, $0x6DFD, v5;
	v7 =	vsel vm9, $0x2EFE, v7;
	v6 =	vsel vm8, $0xF7E, v6  }
0x133: {  	v5 =	vsel vm10, $0x6E7D, v5;
	v7 =	vsel vm8, $0x2F7E, v7;
	v6 =	vsel vm7, $0xFFE, v6  }
0x134: {  	v5 =	vsel vm9, $0x6EFD, v5;
	v7 =	vsel vm7, $0x2FFE, v7;
	v6 =	vsel vm6, $0x1C7E, v6  }
0x135: {  	v5 =	vsel vm8, $0x6F7D, v5;
	v7 =	vsel vm6, $0x3C7E, v7;
	v6 =	vsel vm5, $0x1CFE, v6  }
0x136: {  	v5 =	vsel vm7, $0x6FFD, v5;
	v7 =	vsel vm5, $0x3CFE, v7;
	v6 =	vsel vm4, $0x1D7E, v6  }
0x137: {  	v5 =	vsel vm6, $0x7C7D, v5;
	v7 =	vsel vm4, $0x3D7E, v7;
	v6 =	vsel vm3, $0x1DFE, v6  }
0x138: {  	v5 =	vsel vm5, $0x7CFD, v5;
	v7 =	vsel vm3, $0x3DFE, v7;
	v6 =	vsel vm2, $0x1E7E, v6  }
0x139: {  	v5 =	vsel vm4, $0x7D7D, v5;
	v7 =	vsel vm2, $0x3E7E, v7;
	v6 =	vsel vm1, $0x1EFE, v6  }
0x13a: {  	v5 =	vsel vm3, $0x7DFD, v5;
	v7 =	vsel vm1, $0x3EFE, v7;
	v57 =	vsel vm0, $0x1F7E, v6  }
0x13b: {  	v6 =	vimm.s32 $0x7FFE;
	v5 =	vsel vm2, $0x7E7D, v5;
	v58 =	vsel vm0, $0x3F7E, v7  }
0x13c: {  	v7 =	vimm.s32 $0x1FFF;
	v6 =	vsel vm14, $0x6C7E, v6;
	v5 =	vsel vm1, $0x7EFD, v5  }
0x13d: {  	v7 =	vsel vm14, $0xC7F, v7;
	v6 =	vsel vm13, $0x6CFE, v6;
	v56 =	vsel vm0, $0x7F7D, v5  }
0x13e: {  	v5 =	vimm.s32 $0x5FFE;
	v7 =	vsel vm13, $0xCFF, v7;
	v6 =	vsel vm12, $0x6D7E, v6  }
0x13f: {  	v5 =	vsel vm14, $0x4C7E, v5;
	v7 =	vsel vm12, $0xD7F, v7;
	v6 =	vsel vm11, $0x6DFE, v6  }
0x140: {  	v5 =	vsel vm13, $0x4CFE, v5;
	v7 =	vsel vm11, $0xDFF, v7;
	v6 =	vsel vm10, $0x6E7E, v6  }
0x141: {  	v5 =	vsel vm12, $0x4D7E, v5;
	v7 =	vsel vm10, $0xE7F, v7;
	v6 =	vsel vm9, $0x6EFE, v6  }
0x142: {  	v5 =	vsel vm11, $0x4DFE, v5;
	v7 =	vsel vm9, $0xEFF, v7;
	v6 =	vsel vm8, $0x6F7E, v6  }
0x143: {  	v5 =	vsel vm10, $0x4E7E, v5;
	v7 =	vsel vm8, $0xF7F, v7;
	v6 =	vsel vm7, $0x6FFE, v6  }
0x144: {  	v5 =	vsel vm9, $0x4EFE, v5;
	v7 =	vsel vm7, $0xFFF, v7;
	v6 =	vsel vm6, $0x7C7E, v6  }
0x145: {  	v5 =	vsel vm8, $0x4F7E, v5;
	v7 =	vsel vm6, $0x1C7F, v7;
	v6 =	vsel vm5, $0x7CFE, v6  }
0x146: {  	v5 =	vsel vm7, $0x4FFE, v5;
	v7 =	vsel vm5, $0x1CFF, v7;
	v6 =	vsel vm4, $0x7D7E, v6  }
0x147: {  	v5 =	vsel vm6, $0x5C7E, v5;
	v7 =	vsel vm4, $0x1D7F, v7;
	v6 =	vsel vm3, $0x7DFE, v6  }
0x148: {  	v5 =	vsel vm5, $0x5CFE, v5;
	v7 =	vsel vm3, $0x1DFF, v7;
	v6 =	vsel vm2, $0x7E7E, v6  }
0x149: {  	v5 =	vsel vm4, $0x5D7E, v5;
	v7 =	vsel vm2, $0x1E7F, v7;
	v6 =	vsel vm1, $0x7EFE, v6  }
0x14a: {  	v5 =	vsel vm3, $0x5DFE, v5;
	v7 =	vsel vm1, $0x1EFF, v7;
	v60 =	vsel vm0, $0x7F7E, v6  }
0x14b: {  	v6 =	vimm.s32 $0x5FFF;
	v5 =	vsel vm2, $0x5E7E, v5;
	v61 =	vsel vm0, $0x1F7F, v7  }
0x14c: {  	v7 =	vimm.s32 $0x7FFF;
	v6 =	vsel vm14, $0x4C7F, v6;
	v5 =	vsel vm1, $0x5EFE, v5  }
0x14d: {  	v7 =	vsel vm14, $0x6C7F, v7;
	v59 =	vsel vm0, $0x5F7E, v5;
	v5 =	vimm.s32 $0x3FFF  }
0x14e: {  	v6 =	vsel vm13, $0x4CFF, v6;
	v7 =	vsel vm13, $0x6CFF, v7;
	v5 =	vsel vm14, $0x2C7F, v5  }
0x14f: {  	s18 =	rddreg [dreg:$0x0];
	v6 =	vsel vm12, $0x4D7F, v6;
	v7 =	vsel vm12, $0x6D7F, v7;
	v5 =	vsel vm13, $0x2CFF, v5  }
0x150: {  	s1 =	rddreg [dreg:$0x1];
	v6 =	vsel vm11, $0x4DFF, v6;
	v7 =	vsel vm11, $0x6DFF, v7;
	v5 =	vsel vm12, $0x2D7F, v5  }
0x151: {  	s2 =	rddreg [dreg:$0x2];
	v6 =	vsel vm10, $0x4E7F, v6;
	v7 =	vsel vm10, $0x6E7F, v7;
	v5 =	vsel vm11, $0x2DFF, v5  }
0x152: {  	s3 =	rddreg [dreg:$0x3];
	s4 =	srdreg.scid;
	v6 =	vsel vm9, $0x4EFF, v6;
	v7 =	vsel vm9, $0x6EFF, v7;
	v5 =	vsel vm10, $0x2E7F, v5  }
0x153: {  	s5 =	stileid.u32;
	s7 =	simm.s32 $0x0;
	s8 =	simm.s32 $0x400;
	v6 =	vsel vm8, $0x4F7F, v6;
	v7 =	vsel vm8, $0x6F7F, v7;
	v5 =	vsel vm9, $0x2EFF, v5  }
0x154: {  	s10 =	simm.s32 $0x7A1400;
	s20 =	simm.s32 $0x200;
	s4 =	sand.u32 $0x1, s4;
	v6 =	vsel vm7, $0x4FFF, v6;
	v7 =	vsel vm7, $0x6FFF, v7;
	v5 =	vsel vm8, $0x2F7F, v5  }
0x155: {  	s22 =	simm.s32 $0x2;
	s5 =	sshll.u32 s5, $0xA;
	s6 =	sshll.u32 s4, $0x9;
	v6 =	vsel vm6, $0x5C7F, v6;
	v7 =	vsel vm6, $0x7C7F, v7;
	v5 =	vsel vm7, $0x2FFF, v5  }
0x156: {  	s23 =	simm.s32 $0x3;
	s24 =	simm.s32 $0x4;
	s5 =	sor.u32 s6, s5;
	v6 =	vsel vm5, $0x5CFF, v6;
	v7 =	vsel vm5, $0x7CFF, v7;
	v5 =	vsel vm6, $0x3C7F, v5  }
0x157: {  	s28 =	simm.s32 $0x7;
	s4 =	ssub.s32 $0x2, s4;
	s26 =	sshrl.u32 s5, $0x3;
	v6 =	vsel vm4, $0x5D7F, v6;
	v7 =	vsel vm4, $0x7D7F, v7;
	v5 =	vsel vm5, $0x3CFF, v5  }
0x158: {  	[smem:$0x7FF] =	sst s7;
	s25 =	sshrl.u32 s4, $0x1;
	s1 =	sadd.s32 s1, s26;
	v6 =	vsel vm3, $0x5DFF, v6;
	v7 =	vsel vm3, $0x7DFF, v7;
	v5 =	vsel vm4, $0x3D7F, v5  }
0x159: {  	s29 =	sadd.s32 s2, s5;
	_ =	strace $0x80000047;
	[dreg:$0x5] =	wrdreg s1;
	v6 =	vsel vm2, $0x5E7F, v6;
	v7 =	vsel vm2, $0x7E7F, v7;
	v5 =	vsel vm3, $0x3DFF, v5  }
0x15a: {  	s4 =	ssub.s32 s4, s25;
	s30 =	sadd.s32 s3, s5;
	[dreg:$0x6] =	wrdreg s29;
	v6 =	vsel vm1, $0x5EFF, v6;
	v7 =	vsel vm1, $0x7EFF, v7;
	v5 =	vsel vm2, $0x3E7F, v5  }
0x15b: {  	s2 =	simm.s32 $0x0;
	s31 =	smax.u32 s4, $0x1;
	[dreg:$0x7] =	wrdreg s30;
	v63 =	vsel vm0, $0x5F7F, v6;
	v6 =	vor.u32 $0x800, v0;
	v5 =	vsel vm1, $0x3EFF, v5  }
0x15c: {  	s25 =	simm.s32 $0x5;
	s26 =	simm.s32 $0x6;
	[dreg:$0x8] =	wrdreg s31;
	v62 =	vsel vm0, $0x3F7F, v5;
	v5 =	vsel vm0, $0x7F7F, v7;
	v7 =	vor.u32 $0x1000, v0  }
.LBB2_1:
0x15d: {  	[dreg:$0x9] =	wrdreg s2  }
0x15e: {  	s1 =	simm.s32 $0x0;
	s12 =	rddreg [dreg:$0x5];
	s13 =	simm.s32 $0xB  }
0x15f: {  	[tilespmem:s1], [sflag:$0xB] =	stream.linear.gather [hbm4b:s12+s1], $0x200, $0x38;
	[tilespmem:$0x18200] =	vst v63  }
0x160: {  	_ =	swait.ge [sflag:s13], $0x200  }
0x161: {  	[sflag:s13] =	ssyncset.done $0x0  }
0x162: {  	[sflag:s13] =	ssyncadd.s32 $0xFFFFFE00  }
0x163: {  	v10 =	vld [tilespmem:$0x0];
	_ =	sdelay $0x4  }
0x164: {  	(v2sf) =	vpush v10, $0x0  }
0x165: {  	(v2sf) =	vpush v10, $0x1;
	_ =	sdelay $0x3  }
0x166: {  	(v2sf) =	vpush v10, $0x2;
	_ =	sdelay $0x1  }
0x167: {  	(v2sf) =	vpush v10, $0x3;
	_ =	sdelay $0x1  }
0x168: {  	(v2sf) =	vpush v10, $0x4;
	_ =	sdelay $0x5  }
0x169: {  	s9 =	spop (v2sf);
	(v2sf) =	vpush v10, $0x5  }
0x16a: {  	s29 =	spop (v2sf);
	(v2sf) =	vpush v10, $0x6;
	_ =	sdelay $0x1  }
0x16b: {  	s11 =	simm.s32 $0x8200  }
0x16c: {  	s12 =	simm.s32 $0xA200;
	s13 =	simm.s32 $0xC200;
	s14 =	sand.u32 $0xFFFFF80, s9  }
0x16d: {  	s1 =	sadd.s32 s18, s14;
	s15 =	sand.u32 $0xFFFFF80, s29;
	s7 =	spop (v2sf)  }
0x16e: {  	(v2sf) =	vpush v10, $0x7;
	[tilespmem:s11], [sflag:$0x1] =	stream.strided.gather [hbm4b:s1+s8], $0x2000, s10, s8, $0x38;
	[tilespmem:$0x18200] =	vst v63  }
0x16f: {  	s1 =	sadd.s32 s18, s15;
	s16 =	sand.u32 $0xFFFFF80, s7;
	s6 =	spop (v2sf)  }
0x170: {  	[tilespmem:s12], [sflag:$0x2] =	stream.strided.gather [hbm4b:s1+s8], $0x2000, s10, s8, $0x38;
	[tilespmem:$0x18200] =	vst v63  }
0x171: {  	s17 =	sand.u32 $0xFFFFF80, s6;
	s5 =	spop (v2sf);
	s1 =	sadd.s32 s18, s16  }
0x172: {  	[tilespmem:s13], [sflag:$0x3] =	stream.strided.gather [hbm4b:s1+s8], $0x2000, s10, s8, $0x38;
	[tilespmem:$0x18200] =	vst v63  }
0x173: {  	s14 =	simm.s32 $0xE200;
	s19 =	sand.u32 $0xFFFFF80, s5;
	s1 =	sadd.s32 s18, s17  }
0x174: {  	[tilespmem:s14], [sflag:$0x4] =	stream.strided.gather [hbm4b:s1+s8], $0x2000, s10, s8, $0x38;
	[tilespmem:$0x18200] =	vst v63  }
0x175: {  	s15 =	simm.s32 $0x10200;
	s1 =	sadd.s32 s18, s19  }
0x176: {  	[tilespmem:s15], [sflag:$0x5] =	stream.strided.gather [hbm4b:s1+s8], $0x2000, s10, s8, $0x38;
	[tilespmem:$0x18200] =	vst v63  }
0x177: {  	s4 =	spop (v2sf)  }
0x178: {  	s21 =	sand.u32 $0xFFFFF80, s4;
	s3 =	spop (v2sf)  }
0x179: {  	s16 =	simm.s32 $0x12200;
	s1 =	sadd.s32 s18, s21;
	s30 =	sand.u32 $0xFFFFF80, s3  }
0x17a: {  	[tilespmem:s16], [sflag:$0x6] =	stream.strided.gather [hbm4b:s1+s8], $0x2000, s10, s8, $0x38;
	[tilespmem:$0x18200] =	vst v63  }
0x17b: {  	s17 =	simm.s32 $0x14200;
	s1 =	sadd.s32 s18, s30  }
0x17c: {  	[tilespmem:s17], [sflag:$0x7] =	stream.strided.gather [hbm4b:s1+s8], $0x2000, s10, s8, $0x38;
	[tilespmem:$0x18200] =	vst v63  }
0x17d: {  	s1 =	spop (v2sf)  }
0x17e: {  	s9 =	sand.u32 $0x7F, s9;
	s30 =	sand.u32 $0xFFFFF80, s1  }
0x17f: {  	s0 =	simm.s32 $0x16200;
	s31 =	simm.s32 $0x1;
	v9 =	vor.u32 s9, v0;
	s30 =	sadd.s32 s18, s30  }
0x180: {  	[tilespmem:s0], [sflag:$0x8] =	stream.strided.gather [hbm4b:s30+s8], $0x2000, s10, s8, $0x38;
	[tilespmem:$0x18200] =	vst v63  }
0x181: {  	_ =	swait.ge [sflag:s31], $0x2000  }
0x182: {  	[sflag:s31] =	ssyncset.done $0x0  }
0x183: {  	[sflag:s31] =	ssyncadd.s32 $0xFFFFE000  }
0x184: {  	v9 =	vld.idx.msk [tilespmem:v9+s11+$0x0], $0xffff  }
0x185: {  	v11 =	vor.u32 s9, v6;
	_ =	sdelay $0x3  }
0x186: {  	[tilespmem:v1+s20+$0x0] =	vst.idx.msk $0xffff, v9  }
0x187: {  	(v2sf) =	vpush v10, $0x8;
	v9 =	vld.idx.msk [tilespmem:v11+s11+$0x0], $0xffff  }
0x188: {  	v11 =	vor.u32 s9, v7;
	_ =	sdelay $0x3  }
0x189: {  	[tilespmem:v2+s20+$0x0] =	vst.idx.msk $0xffff, v9  }
0x18a: {  	v9 =	vld.idx.msk [tilespmem:v11+s11+$0x0], $0xffff  }
0x18b: {  	v11 =	vor.u32 s9, v8;
	_ =	sdelay $0x3  }
0x18c: {  	[tilespmem:v3+s20+$0x0] =	vst.idx.msk $0xffff, v9  }
0x18d: {  	v9 =	vld.idx.msk [tilespmem:v11+s11+$0x0], $0xffff;
	_ =	sdelay $0x2  }
0x18e: {  	s19 =	spop (v2sf)  }
0x18f: {  	s9 =	sand.u32 $0xFFFFF80, s19  }
0x190: {  	s29 =	sand.u32 $0x7F, s29;
	s21 =	simm.s32 $0x2;
	s9 =	sadd.s32 s18, s9;
	[tilespmem:v4+s20+$0x0] =	vst.idx.msk $0xffff, v9  }
0x191: {  	v9 =	vor.u32 s29, v0;
	[tilespmem:s11], [sflag:$0x1] =	stream.strided.gather [hbm4b:s9+s8], $0x2000, s10, s8, $0x38;
	[tilespmem:$0x18200] =	vst v63  }
0x192: {  	_ =	swait.ge [sflag:s21], $0x2000  }
0x193: {  	v12 =	vld [tilespmem:$0x1FF60]  }
0x194: {  	[sflag:s21] =	ssyncset.done $0x0  }
0x195: {  	[sflag:s21] =	ssyncadd.s32 $0xFFFFE000  }
0x196: {  	v9 =	vld.idx.msk [tilespmem:v9+s12+$0x0], $0xffff;
	_ =	sdelay $0x2  }
0x197: {  	v11 =	vor.u32 s29, v6;
	_ =	sdelay $0x1  }
0x198: {  	[tilespmem:v12+s20+$0x0] =	vst.idx.msk $0xffff, v9;
	v12 =	vld [tilespmem:$0x1FF70];
	_ =	sdelay $0x2  }
0x199: {  	v9 =	vld.idx.msk [tilespmem:v11+s12+$0x0], $0xffff;
	_ =	sdelay $0x2  }
0x19a: {  	v11 =	vor.u32 s29, v7;
	_ =	sdelay $0x1  }
0x19b: {  	[tilespmem:v12+s20+$0x0] =	vst.idx.msk $0xffff, v9;
	v12 =	vld [tilespmem:$0x1FF80]  }
0x19c: {  	(v2sf) =	vpush v10, $0x9;
	_ =	sdelay $0x1  }
0x19d: {  	v9 =	vld.idx.msk [tilespmem:v11+s12+$0x0], $0xffff  }
0x19e: {  	v11 =	vor.u32 s29, v8;
	_ =	sdelay $0x3  }
0x19f: {  	[tilespmem:v12+s20+$0x0] =	vst.idx.msk $0xffff, v9  }
0x1a0: {  	v9 =	vld.idx.msk [tilespmem:v11+s12+$0x0], $0xffff  }
0x1a1: {  	v11 =	vld [tilespmem:$0x1FF90];
	_ =	sdelay $0x5  }
0x1a2: {  	s30 =	spop (v2sf)  }
0x1a3: {  	s9 =	sand.u32 $0xFFFFF80, s30  }
0x1a4: {  	s7 =	sand.u32 $0x7F, s7;
	s31 =	simm.s32 $0x3;
	s9 =	sadd.s32 s18, s9;
	[tilespmem:v11+s20+$0x0] =	vst.idx.msk $0xffff, v9  }
0x1a5: {  	v9 =	vor.u32 s7, v0;
	[tilespmem:s12], [sflag:$0x2] =	stream.strided.gather [hbm4b:s9+s8], $0x2000, s10, s8, $0x38;
	[tilespmem:$0x18200] =	vst v63  }
0x1a6: {  	_ =	swait.ge [sflag:s31], $0x2000  }
0x1a7: {  	v12 =	vld [tilespmem:$0x1FFA0]  }
0x1a8: {  	[sflag:s31] =	ssyncset.done $0x0  }
0x1a9: {  	[sflag:s31] =	ssyncadd.s32 $0xFFFFE000  }
0x1aa: {  	v9 =	vld.idx.msk [tilespmem:v9+s13+$0x0], $0xffff;
	_ =	sdelay $0x2  }
0x1ab: {  	v11 =	vor.u32 s7, v6;
	_ =	sdelay $0x1  }
0x1ac: {  	[tilespmem:v12+s20+$0x0] =	vst.idx.msk $0xffff, v9;
	v12 =	vld [tilespmem:$0x1FFB0];
	_ =	sdelay $0x2  }
0x1ad: {  	v9 =	vld.idx.msk [tilespmem:v11+s13+$0x0], $0xffff;
	_ =	sdelay $0x2  }
0x1ae: {  	v11 =	vor.u32 s7, v7;
	_ =	sdelay $0x1  }
0x1af: {  	[tilespmem:v12+s20+$0x0] =	vst.idx.msk $0xffff, v9;
	v12 =	vld [tilespmem:$0x1FFC0]  }
0x1b0: {  	(v2sf) =	vpush v10, $0xA;
	_ =	sdelay $0x1  }
0x1b1: {  	v9 =	vld.idx.msk [tilespmem:v11+s13+$0x0], $0xffff  }
0x1b2: {  	v11 =	vor.u32 s7, v8;
	_ =	sdelay $0x3  }
0x1b3: {  	[tilespmem:v12+s20+$0x0] =	vst.idx.msk $0xffff, v9  }
0x1b4: {  	v9 =	vld.idx.msk [tilespmem:v11+s13+$0x0], $0xffff  }
0x1b5: {  	v11 =	vld [tilespmem:$0x1FFD0];
	_ =	sdelay $0x5  }
0x1b6: {  	s9 =	spop (v2sf)  }
0x1b7: {  	s7 =	sand.u32 $0xFFFFF80, s9  }
0x1b8: {  	s6 =	sand.u32 $0x7F, s6;
	s11 =	simm.s32 $0x4;
	s7 =	sadd.s32 s18, s7;
	[tilespmem:v11+s20+$0x0] =	vst.idx.msk $0xffff, v9  }
0x1b9: {  	v9 =	vor.u32 s6, v0;
	[tilespmem:s13], [sflag:$0x3] =	stream.strided.gather [hbm4b:s7+s8], $0x2000, s10, s8, $0x38;
	[tilespmem:$0x18200] =	vst v63  }
0x1ba: {  	_ =	swait.ge [sflag:s11], $0x2000  }
0x1bb: {  	v12 =	vld [tilespmem:$0x1FFE0]  }
0x1bc: {  	[sflag:s11] =	ssyncset.done $0x0  }
0x1bd: {  	[sflag:s11] =	ssyncadd.s32 $0xFFFFE000  }
0x1be: {  	v9 =	vld.idx.msk [tilespmem:v9+s14+$0x0], $0xffff;
	_ =	sdelay $0x2  }
0x1bf: {  	v11 =	vor.u32 s6, v6;
	_ =	sdelay $0x1  }
0x1c0: {  	[tilespmem:v12+s20+$0x0] =	vst.idx.msk $0xffff, v9;
	v12 =	vld [tilespmem:$0x1FFF0];
	_ =	sdelay $0x2  }
0x1c1: {  	(v2sf) =	vpush v10, $0xB;
	v9 =	vld.idx.msk [tilespmem:v11+s14+$0x0], $0xffff  }
0x1c2: {  	v11 =	vor.u32 s6, v7;
	_ =	sdelay $0x3  }
0x1c3: {  	[tilespmem:v12+s20+$0x0] =	vst.idx.msk $0xffff, v9  }
0x1c4: {  	v9 =	vld.idx.msk [tilespmem:v11+s14+$0x0], $0xffff  }
0x1c5: {  	v11 =	vor.u32 s6, v8;
	_ =	sdelay $0x3  }
0x1c6: {  	[tilespmem:v15+s20+$0x0] =	vst.idx.msk $0xffff, v9  }
0x1c7: {  	v9 =	vld.idx.msk [tilespmem:v11+s14+$0x0], $0xffff;
	_ =	sdelay $0x2  }
0x1c8: {  	s12 =	spop (v2sf)  }
0x1c9: {  	s5 =	sand.u32 $0x7F, s5;
	s6 =	sand.u32 $0xFFFFF80, s12  }
0x1ca: {  	s13 =	simm.s32 $0x5;
	s6 =	sadd.s32 s18, s6;
	[tilespmem:v16+s20+$0x0] =	vst.idx.msk $0xffff, v9;
	v9 =	vor.u32 s5, v0  }
0x1cb: {  	[tilespmem:s14], [sflag:$0x4] =	stream.strided.gather [hbm4b:s6+s8], $0x2000, s10, s8, $0x38;
	[tilespmem:$0x18200] =	vst v63  }
0x1cc: {  	_ =	swait.ge [sflag:s13], $0x2000  }
0x1cd: {  	[sflag:s13] =	ssyncset.done $0x0  }
0x1ce: {  	[sflag:s13] =	ssyncadd.s32 $0xFFFFE000  }
0x1cf: {  	v9 =	vld.idx.msk [tilespmem:v9+s15+$0x0], $0xffff  }
0x1d0: {  	v11 =	vor.u32 s5, v6;
	_ =	sdelay $0x3  }
0x1d1: {  	[tilespmem:v17+s20+$0x0] =	vst.idx.msk $0xffff, v9  }
0x1d2: {  	(v2sf) =	vpush v10, $0xC;
	v9 =	vld.idx.msk [tilespmem:v11+s15+$0x0], $0xffff  }
0x1d3: {  	v11 =	vor.u32 s5, v7;
	_ =	sdelay $0x3  }
0x1d4: {  	[tilespmem:v18+s20+$0x0] =	vst.idx.msk $0xffff, v9  }
0x1d5: {  	v9 =	vld.idx.msk [tilespmem:v11+s15+$0x0], $0xffff  }
0x1d6: {  	v11 =	vor.u32 s5, v8;
	_ =	sdelay $0x3  }
0x1d7: {  	[tilespmem:v19+s20+$0x0] =	vst.idx.msk $0xffff, v9  }
0x1d8: {  	v9 =	vld.idx.msk [tilespmem:v11+s15+$0x0], $0xffff;
	_ =	sdelay $0x2  }
0x1d9: {  	s14 =	spop (v2sf)  }
0x1da: {  	s5 =	sand.u32 $0xFFFFF80, s14  }
0x1db: {  	s4 =	sand.u32 $0x7F, s4;
	s5 =	sadd.s32 s18, s5;
	[tilespmem:v20+s20+$0x0] =	vst.idx.msk $0xffff, v9  }
0x1dc: {  	v9 =	vor.u32 s4, v0;
	[tilespmem:s15], [sflag:$0x5] =	stream.strided.gather [hbm4b:s5+s8], $0x2000, s10, s8, $0x38;
	[tilespmem:$0x18200] =	vst v63  }
0x1dd: {  	s15 =	simm.s32 $0x6  }
0x1de: {  	_ =	swait.ge [sflag:s15], $0x2000  }
0x1df: {  	[sflag:s15] =	ssyncset.done $0x0  }
0x1e0: {  	[sflag:s15] =	ssyncadd.s32 $0xFFFFE000  }
0x1e1: {  	v9 =	vld.idx.msk [tilespmem:v9+s16+$0x0], $0xffff  }
0x1e2: {  	v11 =	vor.u32 s4, v6;
	_ =	sdelay $0x3  }
0x1e3: {  	[tilespmem:v21+s20+$0x0] =	vst.idx.msk $0xffff, v9  }
0x1e4: {  	(v2sf) =	vpush v10, $0xD;
	v9 =	vld.idx.msk [tilespmem:v11+s16+$0x0], $0xffff  }
0x1e5: {  	v11 =	vor.u32 s4, v7;
	_ =	sdelay $0x3  }
0x1e6: {  	[tilespmem:v22+s20+$0x0] =	vst.idx.msk $0xffff, v9  }
0x1e7: {  	v9 =	vld.idx.msk [tilespmem:v11+s16+$0x0], $0xffff  }
0x1e8: {  	v11 =	vor.u32 s4, v8;
	_ =	sdelay $0x3  }
0x1e9: {  	[tilespmem:v23+s20+$0x0] =	vst.idx.msk $0xffff, v9  }
0x1ea: {  	v9 =	vld.idx.msk [tilespmem:v11+s16+$0x0], $0xffff;
	_ =	sdelay $0x2  }
0x1eb: {  	s19 =	spop (v2sf)  }
0x1ec: {  	s3 =	sand.u32 $0x7F, s3;
	s4 =	sand.u32 $0xFFFFF80, s19  }
0x1ed: {  	s21 =	simm.s32 $0x7;
	s4 =	sadd.s32 s18, s4;
	[tilespmem:v24+s20+$0x0] =	vst.idx.msk $0xffff, v9;
	v9 =	vor.u32 s3, v0  }
0x1ee: {  	[tilespmem:s16], [sflag:$0x6] =	stream.strided.gather [hbm4b:s4+s8], $0x2000, s10, s8, $0x38;
	[tilespmem:$0x18200] =	vst v63  }
0x1ef: {  	_ =	swait.ge [sflag:s21], $0x2000  }
0x1f0: {  	[sflag:s21] =	ssyncset.done $0x0  }
0x1f1: {  	[sflag:s21] =	ssyncadd.s32 $0xFFFFE000  }
0x1f2: {  	v9 =	vld.idx.msk [tilespmem:v9+s17+$0x0], $0xffff  }
0x1f3: {  	v11 =	vor.u32 s3, v6;
	_ =	sdelay $0x3  }
0x1f4: {  	[tilespmem:v25+s20+$0x0] =	vst.idx.msk $0xffff, v9  }
0x1f5: {  	(v2sf) =	vpush v10, $0xE;
	v9 =	vld.idx.msk [tilespmem:v11+s17+$0x0], $0xffff  }
0x1f6: {  	v11 =	vor.u32 s3, v7;
	_ =	sdelay $0x3  }
0x1f7: {  	[tilespmem:v26+s20+$0x0] =	vst.idx.msk $0xffff, v9  }
0x1f8: {  	v9 =	vld.idx.msk [tilespmem:v11+s17+$0x0], $0xffff  }
0x1f9: {  	v11 =	vor.u32 s3, v8;
	_ =	sdelay $0x3  }
0x1fa: {  	[tilespmem:v27+s20+$0x0] =	vst.idx.msk $0xffff, v9  }
0x1fb: {  	v9 =	vld.idx.msk [tilespmem:v11+s17+$0x0], $0xffff;
	_ =	sdelay $0x2  }
0x1fc: {  	s29 =	spop (v2sf)  }
0x1fd: {  	s1 =	sand.u32 $0x7F, s1;
	s3 =	sand.u32 $0xFFFFF80, s29  }
0x1fe: {  	s30 =	simm.s32 $0x8;
	s3 =	sadd.s32 s18, s3;
	[tilespmem:v28+s20+$0x0] =	vst.idx.msk $0xffff, v9;
	v9 =	vor.u32 s1, v0  }
0x1ff: {  	[tilespmem:s17], [sflag:$0x7] =	stream.strided.gather [hbm4b:s3+s8], $0x2000, s10, s8, $0x38;
	[tilespmem:$0x18200] =	vst v63  }
0x200: {  	_ =	swait.ge [sflag:s30], $0x2000  }
0x201: {  	[sflag:s30] =	ssyncset.done $0x0  }
0x202: {  	[sflag:s30] =	ssyncadd.s32 $0xFFFFE000  }
0x203: {  	v9 =	vld.idx.msk [tilespmem:v9+s0+$0x0], $0xffff  }
0x204: {  	v11 =	vor.u32 s1, v6;
	_ =	sdelay $0x3  }
0x205: {  	[tilespmem:v29+s20+$0x0] =	vst.idx.msk $0xffff, v9  }
0x206: {  	(v2sf) =	vpush v10, $0xF;
	v9 =	vld.idx.msk [tilespmem:v11+s0+$0x0], $0xffff  }
0x207: {  	v11 =	vor.u32 s1, v7;
	_ =	sdelay $0x3  }
0x208: {  	[tilespmem:v30+s20+$0x0] =	vst.idx.msk $0xffff, v9  }
0x209: {  	v9 =	vld.idx.msk [tilespmem:v11+s0+$0x0], $0xffff  }
0x20a: {  	v11 =	vor.u32 s1, v8;
	_ =	sdelay $0x3  }
0x20b: {  	[tilespmem:v31+s20+$0x0] =	vst.idx.msk $0xffff, v9  }
0x20c: {  	v9 =	vld.idx.msk [tilespmem:v11+s0+$0x0], $0xffff;
	_ =	sdelay $0x2  }
0x20d: {  	s31 =	spop (v2sf)  }
0x20e: {  	s1 =	sand.u32 $0xFFFFF80, s31  }
0x20f: {  	s21 =	simm.s32 $0x10;
	s3 =	simm.s32 $0x17;
	s1 =	sadd.s32 s18, s1;
	[tilespmem:v32+s20+$0x0] =	vst.idx.msk $0xffff, v9  }
0x210: {  	[tilespmem:s0], [sflag:$0x8] =	stream.strided.gather [hbm4b:s1+s8], $0x2000, s10, s8, $0x38;
	[tilespmem:$0x18200] =	vst v63  }
.LBB2_2:
0x211: {  	s0 =	simm.s32 $0x1  }
0x212: {  	v9 =	vld [tilespmem:s21+$0x0];
	_ =	swait.ge [sflag:s0], $0x2000  }
0x213: {  	(v2sf) =	vpush v10, $0x8;
	_ =	sdelay $0xe  }
0x214: {  	s1 =	spop (v2sf)  }
0x215: {  	s1 =	sand.u32 $0x7F, s1  }
0x216: {  	s5 =	sadd.s32 $0xFFFFFFF1, s3;
	v11 =	vor.u32 s1, v0  }
0x217: {  	v12 =	vmov s5  }
0x218: {  	v13 =	vshll.u32 v12, $0x3  }
0x219: {  	[sflag:s0] =	ssyncset.done $0x0;
	v12 =	vand.u32 $0x78, v12;
	v13 =	vand.u32 $0xFFFFFC00, v13  }
0x21a: {  	s12 =	simm.s32 $0x8200;
	[sflag:s0] =	ssyncadd.s32 $0xFFFFE000;
	v12 =	vor.u32 v12, v13  }
0x21b: {  	v13 =	vadd.s32 v1, v12;
	v11 =	vld.idx.msk [tilespmem:v11+s12+$0x0], $0xffff  }
0x21c: {  	v14 =	vor.u32 s1, v6;
	_ =	sdelay $0x3  }
0x21d: {  	[tilespmem:v13+s20+$0x0] =	vst.idx.msk $0xffff, v11  }
0x21e: {  	(v2sf) =	vpush v9, $0x0;
	v13 =	vadd.s32 v2, v12;
	v11 =	vld.idx.msk [tilespmem:v14+s12+$0x0], $0xffff  }
0x21f: {  	v14 =	vor.u32 s1, v7;
	_ =	sdelay $0x3  }
0x220: {  	[tilespmem:v13+s20+$0x0] =	vst.idx.msk $0xffff, v11  }
0x221: {  	v13 =	vadd.s32 v3, v12;
	v11 =	vld.idx.msk [tilespmem:v14+s12+$0x0], $0xffff  }
0x222: {  	v14 =	vor.u32 s1, v8;
	_ =	sdelay $0x3  }
0x223: {  	[tilespmem:v13+s20+$0x0] =	vst.idx.msk $0xffff, v11  }
0x224: {  	v12 =	vadd.s32 v4, v12;
	v11 =	vld.idx.msk [tilespmem:v14+s12+$0x0], $0xffff;
	_ =	sdelay $0x2  }
0x225: {  	s5 =	spop (v2sf)  }
0x226: {  	s19 =	sand.u32 $0xFFFFF80, s5  }
0x227: {  	s1 =	sadd.s32 s18, s19;
	[tilespmem:v12+s20+$0x0] =	vst.idx.msk $0xffff, v11  }
0x228: {  	[tilespmem:s12], [sflag:$0x1] =	stream.strided.gather [hbm4b:s1+s8], $0x2000, s10, s8, $0x38;
	[tilespmem:$0x18200] =	vst v63  }
0x229: {  	_ =	swait.ge [sflag:s22], $0x2000  }
0x22a: {  	(v2sf) =	vpush v10, $0x9;
	_ =	sdelay $0xe  }
0x22b: {  	s0 =	spop (v2sf)  }
0x22c: {  	s1 =	sand.u32 $0x7F, s0  }
0x22d: {  	s6 =	sadd.s32 $0xFFFFFFF2, s3;
	v11 =	vor.u32 s1, v0  }
0x22e: {  	v12 =	vmov s6  }
0x22f: {  	v13 =	vshll.u32 v12, $0x3  }
0x230: {  	v12 =	vand.u32 $0x79, v12;
	v13 =	vand.u32 $0xFFFFFC00, v13;
	[sflag:s22] =	ssyncset.done $0x0  }
0x231: {  	s13 =	simm.s32 $0xA200;
	v12 =	vor.u32 v12, v13;
	[sflag:s22] =	ssyncadd.s32 $0xFFFFE000  }
0x232: {  	v13 =	vadd.s32 v1, v12;
	v11 =	vld.idx.msk [tilespmem:v11+s13+$0x0], $0xffff  }
0x233: {  	v14 =	vor.u32 s1, v6;
	_ =	sdelay $0x3  }
0x234: {  	[tilespmem:v13+s20+$0x0] =	vst.idx.msk $0xffff, v11  }
0x235: {  	(v2sf) =	vpush v9, $0x1;
	v13 =	vadd.s32 v2, v12;
	v11 =	vld.idx.msk [tilespmem:v14+s13+$0x0], $0xffff  }
0x236: {  	v14 =	vor.u32 s1, v7;
	_ =	sdelay $0x3  }
0x237: {  	[tilespmem:v13+s20+$0x0] =	vst.idx.msk $0xffff, v11  }
0x238: {  	v13 =	vadd.s32 v3, v12;
	v11 =	vld.idx.msk [tilespmem:v14+s13+$0x0], $0xffff  }
0x239: {  	v14 =	vor.u32 s1, v8;
	_ =	sdelay $0x3  }
0x23a: {  	[tilespmem:v13+s20+$0x0] =	vst.idx.msk $0xffff, v11  }
0x23b: {  	v12 =	vadd.s32 v4, v12;
	v11 =	vld.idx.msk [tilespmem:v14+s13+$0x0], $0xffff;
	_ =	sdelay $0x2  }
0x23c: {  	s6 =	spop (v2sf)  }
0x23d: {  	s2 =	sand.u32 $0xFFFFF80, s6  }
0x23e: {  	s1 =	sadd.s32 s18, s2;
	[tilespmem:v12+s20+$0x0] =	vst.idx.msk $0xffff, v11  }
0x23f: {  	[tilespmem:s13], [sflag:$0x2] =	stream.strided.gather [hbm4b:s1+s8], $0x2000, s10, s8, $0x38;
	[tilespmem:$0x18200] =	vst v63  }
0x240: {  	_ =	swait.ge [sflag:s23], $0x2000  }
0x241: {  	(v2sf) =	vpush v10, $0xA;
	_ =	sdelay $0xe  }
0x242: {  	s4 =	spop (v2sf)  }
0x243: {  	s1 =	sand.u32 $0x7F, s4  }
0x244: {  	s7 =	sadd.s32 $0xFFFFFFF3, s3;
	v11 =	vor.u32 s1, v0  }
0x245: {  	v12 =	vmov s7  }
0x246: {  	v13 =	vshll.u32 v12, $0x3  }
0x247: {  	v12 =	vand.u32 $0x7A, v12;
	v13 =	vand.u32 $0xFFFFFC00, v13;
	[sflag:s23] =	ssyncset.done $0x0  }
0x248: {  	s14 =	simm.s32 $0xC200;
	v12 =	vor.u32 v12, v13;
	[sflag:s23] =	ssyncadd.s32 $0xFFFFE000  }
0x249: {  	v13 =	vadd.s32 v1, v12;
	v11 =	vld.idx.msk [tilespmem:v11+s14+$0x0], $0xffff  }
0x24a: {  	v14 =	vor.u32 s1, v6;
	_ =	sdelay $0x3  }
0x24b: {  	[tilespmem:v13+s20+$0x0] =	vst.idx.msk $0xffff, v11  }
0x24c: {  	(v2sf) =	vpush v9, $0x2;
	v13 =	vadd.s32 v2, v12;
	v11 =	vld.idx.msk [tilespmem:v14+s14+$0x0], $0xffff  }
0x24d: {  	v14 =	vor.u32 s1, v7;
	_ =	sdelay $0x3  }
0x24e: {  	[tilespmem:v13+s20+$0x0] =	vst.idx.msk $0xffff, v11  }
0x24f: {  	v13 =	vadd.s32 v3, v12;
	v11 =	vld.idx.msk [tilespmem:v14+s14+$0x0], $0xffff  }
0x250: {  	v14 =	vor.u32 s1, v8;
	_ =	sdelay $0x3  }
0x251: {  	[tilespmem:v13+s20+$0x0] =	vst.idx.msk $0xffff, v11  }
0x252: {  	v12 =	vadd.s32 v4, v12;
	v11 =	vld.idx.msk [tilespmem:v14+s14+$0x0], $0xffff;
	_ =	sdelay $0x2  }
0x253: {  	s9 =	spop (v2sf)  }
0x254: {  	s7 =	sand.u32 $0xFFFFF80, s9  }
0x255: {  	s1 =	sadd.s32 s18, s7;
	[tilespmem:v12+s20+$0x0] =	vst.idx.msk $0xffff, v11  }
0x256: {  	[tilespmem:s14], [sflag:$0x3] =	stream.strided.gather [hbm4b:s1+s8], $0x2000, s10, s8, $0x38;
	[tilespmem:$0x18200] =	vst v63  }
0x257: {  	_ =	swait.ge [sflag:s24], $0x2000  }
0x258: {  	(v2sf) =	vpush v10, $0xB;
	_ =	sdelay $0xe  }
0x259: {  	s11 =	spop (v2sf)  }
0x25a: {  	s1 =	sand.u32 $0x7F, s11  }
0x25b: {  	s15 =	sadd.s32 $0xFFFFFFF4, s3;
	v11 =	vor.u32 s1, v0  }
0x25c: {  	v12 =	vmov s15  }
0x25d: {  	v13 =	vshll.u32 v12, $0x3  }
0x25e: {  	v12 =	vand.u32 $0x7B, v12;
	v13 =	vand.u32 $0xFFFFFC00, v13;
	[sflag:s24] =	ssyncset.done $0x0  }
0x25f: {  	s15 =	simm.s32 $0xE200;
	v12 =	vor.u32 v12, v13;
	[sflag:s24] =	ssyncadd.s32 $0xFFFFE000  }
0x260: {  	v13 =	vadd.s32 v1, v12;
	v11 =	vld.idx.msk [tilespmem:v11+s15+$0x0], $0xffff  }
0x261: {  	v14 =	vor.u32 s1, v6;
	_ =	sdelay $0x3  }
0x262: {  	[tilespmem:v13+s20+$0x0] =	vst.idx.msk $0xffff, v11  }
0x263: {  	(v2sf) =	vpush v9, $0x3;
	v13 =	vadd.s32 v2, v12;
	v11 =	vld.idx.msk [tilespmem:v14+s15+$0x0], $0xffff  }
0x264: {  	v14 =	vor.u32 s1, v7;
	_ =	sdelay $0x3  }
0x265: {  	[tilespmem:v13+s20+$0x0] =	vst.idx.msk $0xffff, v11  }
0x266: {  	v13 =	vadd.s32 v3, v12;
	v11 =	vld.idx.msk [tilespmem:v14+s15+$0x0], $0xffff  }
0x267: {  	v14 =	vor.u32 s1, v8;
	_ =	sdelay $0x3  }
0x268: {  	[tilespmem:v13+s20+$0x0] =	vst.idx.msk $0xffff, v11  }
0x269: {  	v12 =	vadd.s32 v4, v12;
	v11 =	vld.idx.msk [tilespmem:v14+s15+$0x0], $0xffff;
	_ =	sdelay $0x2  }
0x26a: {  	s29 =	spop (v2sf)  }
0x26b: {  	s16 =	sand.u32 $0xFFFFF80, s29  }
0x26c: {  	s1 =	sadd.s32 s18, s16;
	[tilespmem:v12+s20+$0x0] =	vst.idx.msk $0xffff, v11  }
0x26d: {  	[tilespmem:s15], [sflag:$0x4] =	stream.strided.gather [hbm4b:s1+s8], $0x2000, s10, s8, $0x38;
	[tilespmem:$0x18200] =	vst v63  }
0x26e: {  	_ =	swait.ge [sflag:s25], $0x2000  }
0x26f: {  	(v2sf) =	vpush v10, $0xC;
	_ =	sdelay $0xe  }
0x270: {  	s17 =	spop (v2sf)  }
0x271: {  	s1 =	sand.u32 $0x7F, s17  }
0x272: {  	s19 =	sadd.s32 $0xFFFFFFF5, s3;
	v11 =	vor.u32 s1, v0  }
0x273: {  	v12 =	vmov s19  }
0x274: {  	v13 =	vshll.u32 v12, $0x3  }
0x275: {  	v12 =	vand.u32 $0x7C, v12;
	v13 =	vand.u32 $0xFFFFFC00, v13;
	[sflag:s25] =	ssyncset.done $0x0  }
0x276: {  	s16 =	simm.s32 $0x10200;
	v12 =	vor.u32 v12, v13;
	[sflag:s25] =	ssyncadd.s32 $0xFFFFE000  }
0x277: {  	v13 =	vadd.s32 v1, v12;
	v11 =	vld.idx.msk [tilespmem:v11+s16+$0x0], $0xffff  }
0x278: {  	v14 =	vor.u32 s1, v6;
	_ =	sdelay $0x3  }
0x279: {  	[tilespmem:v13+s20+$0x0] =	vst.idx.msk $0xffff, v11  }
0x27a: {  	(v2sf) =	vpush v9, $0x4;
	v13 =	vadd.s32 v2, v12;
	v11 =	vld.idx.msk [tilespmem:v14+s16+$0x0], $0xffff  }
0x27b: {  	v14 =	vor.u32 s1, v7;
	_ =	sdelay $0x3  }
0x27c: {  	[tilespmem:v13+s20+$0x0] =	vst.idx.msk $0xffff, v11  }
0x27d: {  	v13 =	vadd.s32 v3, v12;
	v11 =	vld.idx.msk [tilespmem:v14+s16+$0x0], $0xffff  }
0x27e: {  	v14 =	vor.u32 s1, v8;
	_ =	sdelay $0x3  }
0x27f: {  	[tilespmem:v13+s20+$0x0] =	vst.idx.msk $0xffff, v11  }
0x280: {  	v12 =	vadd.s32 v4, v12;
	v11 =	vld.idx.msk [tilespmem:v14+s16+$0x0], $0xffff;
	_ =	sdelay $0x2  }
0x281: {  	s30 =	spop (v2sf)  }
0x282: {  	s0 =	sand.u32 $0xFFFFF80, s30  }
0x283: {  	s1 =	sadd.s32 s18, s0;
	[tilespmem:v12+s20+$0x0] =	vst.idx.msk $0xffff, v11  }
0x284: {  	[tilespmem:s16], [sflag:$0x5] =	stream.strided.gather [hbm4b:s1+s8], $0x2000, s10, s8, $0x38;
	[tilespmem:$0x18200] =	vst v63  }
0x285: {  	_ =	swait.ge [sflag:s26], $0x2000  }
0x286: {  	(v2sf) =	vpush v10, $0xD;
	_ =	sdelay $0xe  }
0x287: {  	s2 =	spop (v2sf)  }
0x288: {  	s1 =	sand.u32 $0x7F, s2  }
0x289: {  	s4 =	sadd.s32 $0xFFFFFFF6, s3;
	v11 =	vor.u32 s1, v0  }
0x28a: {  	v12 =	vmov s4  }
0x28b: {  	v13 =	vshll.u32 v12, $0x3  }
0x28c: {  	v12 =	vand.u32 $0x7D, v12;
	v13 =	vand.u32 $0xFFFFFC00, v13;
	[sflag:s26] =	ssyncset.done $0x0  }
0x28d: {  	s17 =	simm.s32 $0x12200;
	v12 =	vor.u32 v12, v13;
	[sflag:s26] =	ssyncadd.s32 $0xFFFFE000  }
0x28e: {  	v13 =	vadd.s32 v1, v12;
	v11 =	vld.idx.msk [tilespmem:v11+s17+$0x0], $0xffff  }
0x28f: {  	v14 =	vor.u32 s1, v6;
	_ =	sdelay $0x3  }
0x290: {  	[tilespmem:v13+s20+$0x0] =	vst.idx.msk $0xffff, v11  }
0x291: {  	(v2sf) =	vpush v9, $0x5;
	v13 =	vadd.s32 v2, v12;
	v11 =	vld.idx.msk [tilespmem:v14+s17+$0x0], $0xffff  }
0x292: {  	v14 =	vor.u32 s1, v7;
	_ =	sdelay $0x3  }
0x293: {  	[tilespmem:v13+s20+$0x0] =	vst.idx.msk $0xffff, v11  }
0x294: {  	v13 =	vadd.s32 v3, v12;
	v11 =	vld.idx.msk [tilespmem:v14+s17+$0x0], $0xffff  }
0x295: {  	v14 =	vor.u32 s1, v8;
	_ =	sdelay $0x3  }
0x296: {  	[tilespmem:v13+s20+$0x0] =	vst.idx.msk $0xffff, v11  }
0x297: {  	v12 =	vadd.s32 v4, v12;
	v11 =	vld.idx.msk [tilespmem:v14+s17+$0x0], $0xffff;
	_ =	sdelay $0x2  }
0x298: {  	s7 =	spop (v2sf)  }
0x299: {  	s11 =	sand.u32 $0xFFFFF80, s7  }
0x29a: {  	s1 =	sadd.s32 s18, s11;
	[tilespmem:v12+s20+$0x0] =	vst.idx.msk $0xffff, v11  }
0x29b: {  	[tilespmem:s17], [sflag:$0x6] =	stream.strided.gather [hbm4b:s1+s8], $0x2000, s10, s8, $0x38;
	[tilespmem:$0x18200] =	vst v63  }
0x29c: {  	_ =	swait.ge [sflag:s28], $0x2000  }
0x29d: {  	(v2sf) =	vpush v10, $0xE;
	_ =	sdelay $0xe  }
0x29e: {  	s19 =	spop (v2sf)  }
0x29f: {  	s1 =	sand.u32 $0x7F, s19  }
0x2a0: {  	s31 =	sadd.s32 $0xFFFFFFF7, s3;
	v11 =	vor.u32 s1, v0  }
0x2a1: {  	v12 =	vmov s31  }
0x2a2: {  	v13 =	vshll.u32 v12, $0x3  }
0x2a3: {  	v12 =	vand.u32 $0x7E, v12;
	v13 =	vand.u32 $0xFFFFFC00, v13;
	[sflag:s28] =	ssyncset.done $0x0  }
0x2a4: {  	s8 =	simm.s32 $0x14200;
	v12 =	vor.u32 v12, v13;
	[sflag:s28] =	ssyncadd.s32 $0xFFFFE000  }
0x2a5: {  	v13 =	vadd.s32 v1, v12;
	v11 =	vld.idx.msk [tilespmem:v11+s8+$0x0], $0xffff  }
0x2a6: {  	v14 =	vor.u32 s1, v6;
	_ =	sdelay $0x3  }
0x2a7: {  	[tilespmem:v13+s20+$0x0] =	vst.idx.msk $0xffff, v11  }
0x2a8: {  	(v2sf) =	vpush v9, $0x6;
	v13 =	vadd.s32 v2, v12;
	v11 =	vld.idx.msk [tilespmem:v14+s8+$0x0], $0xffff  }
0x2a9: {  	v14 =	vor.u32 s1, v7;
	_ =	sdelay $0x3  }
0x2aa: {  	[tilespmem:v13+s20+$0x0] =	vst.idx.msk $0xffff, v11  }
0x2ab: {  	v13 =	vadd.s32 v3, v12;
	v11 =	vld.idx.msk [tilespmem:v14+s8+$0x0], $0xffff  }
0x2ac: {  	v14 =	vor.u32 s1, v8;
	_ =	sdelay $0x3  }
0x2ad: {  	[tilespmem:v13+s20+$0x0] =	vst.idx.msk $0xffff, v11  }
0x2ae: {  	v12 =	vadd.s32 v4, v12;
	v11 =	vld.idx.msk [tilespmem:v14+s8+$0x0], $0xffff;
	_ =	sdelay $0x2  }
0x2af: {  	s31 =	spop (v2sf)  }
0x2b0: {  	s4 =	simm.s32 $0x7A1400;
	s0 =	sand.u32 $0xFFFFF80, s31  }
0x2b1: {  	s11 =	simm.s32 $0x8;
	s10 =	simm.s32 $0x400;
	s1 =	sadd.s32 s18, s0;
	[tilespmem:v12+s20+$0x0] =	vst.idx.msk $0xffff, v11  }
0x2b2: {  	[tilespmem:s8], [sflag:$0x7] =	stream.strided.gather [hbm4b:s1+s10], $0x2000, s4, s10, $0x38;
	[tilespmem:$0x18200] =	vst v63  }
0x2b3: {  	_ =	swait.ge [sflag:s11], $0x2000  }
0x2b4: {  	(v2sf) =	vpush v10, $0xF;
	_ =	sdelay $0xe  }
0x2b5: {  	s2 =	spop (v2sf)  }
0x2b6: {  	s1 =	sand.u32 $0x7F, s2  }
0x2b7: {  	s2 =	sadd.s32 $0xFFFFFFF8, s3;
	v10 =	vor.u32 s1, v0  }
0x2b8: {  	v11 =	vmov s2  }
0x2b9: {  	v12 =	vshll.u32 v11, $0x3  }
0x2ba: {  	[sflag:s11] =	ssyncset.done $0x0;
	v11 =	vand.u32 $0x7F, v11;
	v12 =	vand.u32 $0xFFFFFC00, v12  }
0x2bb: {  	s0 =	simm.s32 $0x16200;
	[sflag:s11] =	ssyncadd.s32 $0xFFFFE000;
	v11 =	vor.u32 v11, v12  }
0x2bc: {  	v12 =	vadd.s32 v1, v11;
	v10 =	vld.idx.msk [tilespmem:v10+s0+$0x0], $0xffff  }
0x2bd: {  	v13 =	vor.u32 s1, v6;
	_ =	sdelay $0x3  }
0x2be: {  	[tilespmem:v12+s20+$0x0] =	vst.idx.msk $0xffff, v10  }
0x2bf: {  	(v2sf) =	vpush v9, $0x7;
	v12 =	vadd.s32 v2, v11;
	v10 =	vld.idx.msk [tilespmem:v13+s0+$0x0], $0xffff  }
0x2c0: {  	v13 =	vor.u32 s1, v7;
	_ =	sdelay $0x3  }
0x2c1: {  	[tilespmem:v12+s20+$0x0] =	vst.idx.msk $0xffff, v10  }
0x2c2: {  	v12 =	vadd.s32 v3, v11;
	v10 =	vld.idx.msk [tilespmem:v13+s0+$0x0], $0xffff  }
0x2c3: {  	v13 =	vor.u32 s1, v8;
	_ =	sdelay $0x3  }
0x2c4: {  	[tilespmem:v12+s20+$0x0] =	vst.idx.msk $0xffff, v10  }
0x2c5: {  	v11 =	vadd.s32 v4, v11;
	v10 =	vld.idx.msk [tilespmem:v13+s0+$0x0], $0xffff;
	_ =	sdelay $0x2  }
0x2c6: {  	s1 =	spop (v2sf)  }
0x2c7: {  	s5 =	sand.u32 $0x7F, s5;
	s19 =	sadd.s32 $0xFFFFFFF9, s3;
	s2 =	sand.u32 $0xFFFFF80, s1  }
0x2c8: {  	s2 =	sadd.s32 s18, s2;
	[tilespmem:v11+s20+$0x0] =	vst.idx.msk $0xffff, v10;
	v10 =	vor.u32 s5, v0;
	v11 =	vmov s19;
	s19 =	simm.s32 $0x1  }
0x2c9: {  	[tilespmem:s0], [sflag:$0x8] =	stream.strided.gather [hbm4b:s2+s10], $0x2000, s4, s10, $0x38;
	[tilespmem:$0x18200] =	vst v63  }
0x2ca: {  	v12 =	vshll.u32 v11, $0x3;
	_ =	swait.ge [sflag:s19], $0x2000  }
0x2cb: {  	v11 =	vand.u32 $0x70, v11;
	v12 =	vand.u32 $0xC00, v12;
	[sflag:s19] =	ssyncset.done $0x0;
	s19 =	simm.s32 $0x1  }
0x2cc: {  	v11 =	vor.u32 v11, v12;
	[sflag:s19] =	ssyncadd.s32 $0xFFFFE000  }
0x2cd: {  	v12 =	vor.u32 v1, v11;
	v10 =	vld.idx.msk [tilespmem:v10+s12+$0x0], $0xffff  }
0x2ce: {  	v13 =	vor.u32 s5, v6;
	_ =	sdelay $0x3  }
0x2cf: {  	[tilespmem:v12+s20+$0x0] =	vst.idx.msk $0xffff, v10  }
0x2d0: {  	(v2sf) =	vpush v9, $0x8;
	v12 =	vor.u32 v2, v11;
	v10 =	vld.idx.msk [tilespmem:v13+s12+$0x0], $0xffff  }
0x2d1: {  	v13 =	vor.u32 s5, v7;
	_ =	sdelay $0x3  }
0x2d2: {  	[tilespmem:v12+s20+$0x0] =	vst.idx.msk $0xffff, v10  }
0x2d3: {  	v12 =	vor.u32 v3, v11;
	v10 =	vld.idx.msk [tilespmem:v13+s12+$0x0], $0xffff  }
0x2d4: {  	v13 =	vor.u32 s5, v8;
	_ =	sdelay $0x3  }
0x2d5: {  	[tilespmem:v12+s20+$0x0] =	vst.idx.msk $0xffff, v10  }
0x2d6: {  	v11 =	vor.u32 v4, v11;
	v10 =	vld.idx.msk [tilespmem:v13+s12+$0x0], $0xffff;
	_ =	sdelay $0x2  }
0x2d7: {  	s5 =	spop (v2sf)  }
0x2d8: {  	s6 =	sand.u32 $0x7F, s6;
	s19 =	sand.u32 $0xFFFFF80, s5  }
0x2d9: {  	s2 =	sadd.s32 s18, s19;
	s19 =	sadd.s32 $0xFFFFFFFA, s3;
	[tilespmem:v11+s20+$0x0] =	vst.idx.msk $0xffff, v10;
	v10 =	vor.u32 s6, v0  }
0x2da: {  	v11 =	vmov s19;
	[tilespmem:s12], [sflag:$0x1] =	stream.strided.gather [hbm4b:s2+s10], $0x2000, s4, s10, $0x38;
	[tilespmem:$0x18200] =	vst v63  }
0x2db: {  	v12 =	vshll.u32 v11, $0x3;
	_ =	swait.ge [sflag:s22], $0x2000  }
0x2dc: {  	v11 =	vand.u32 $0x71, v11;
	v12 =	vand.u32 $0xC00, v12;
	[sflag:s22] =	ssyncset.done $0x0  }
0x2dd: {  	v11 =	vor.u32 v11, v12;
	[sflag:s22] =	ssyncadd.s32 $0xFFFFE000  }
0x2de: {  	v12 =	vor.u32 v1, v11;
	v10 =	vld.idx.msk [tilespmem:v10+s13+$0x0], $0xffff  }
0x2df: {  	v13 =	vor.u32 s6, v6;
	_ =	sdelay $0x3  }
0x2e0: {  	[tilespmem:v12+s20+$0x0] =	vst.idx.msk $0xffff, v10  }
0x2e1: {  	(v2sf) =	vpush v9, $0x9;
	v12 =	vor.u32 v2, v11;
	v10 =	vld.idx.msk [tilespmem:v13+s13+$0x0], $0xffff  }
0x2e2: {  	v13 =	vor.u32 s6, v7;
	_ =	sdelay $0x3  }
0x2e3: {  	[tilespmem:v12+s20+$0x0] =	vst.idx.msk $0xffff, v10  }
0x2e4: {  	v12 =	vor.u32 v3, v11;
	v10 =	vld.idx.msk [tilespmem:v13+s13+$0x0], $0xffff  }
0x2e5: {  	v13 =	vor.u32 s6, v8;
	_ =	sdelay $0x3  }
0x2e6: {  	[tilespmem:v12+s20+$0x0] =	vst.idx.msk $0xffff, v10  }
0x2e7: {  	v11 =	vor.u32 v4, v11;
	v10 =	vld.idx.msk [tilespmem:v13+s13+$0x0], $0xffff;
	_ =	sdelay $0x2  }
0x2e8: {  	s6 =	spop (v2sf)  }
0x2e9: {  	s9 =	sand.u32 $0x7F, s9;
	s19 =	sand.u32 $0xFFFFF80, s6  }
0x2ea: {  	s12 =	sadd.s32 $0xFFFFFFFB, s3;
	s2 =	sadd.s32 s18, s19;
	[tilespmem:v11+s20+$0x0] =	vst.idx.msk $0xffff, v10;
	v10 =	vor.u32 s9, v0  }
0x2eb: {  	v11 =	vmov s12;
	[tilespmem:s13], [sflag:$0x2] =	stream.strided.gather [hbm4b:s2+s10], $0x2000, s4, s10, $0x38;
	[tilespmem:$0x18200] =	vst v63  }
0x2ec: {  	v12 =	vshll.u32 v11, $0x3;
	_ =	swait.ge [sflag:s23], $0x2000  }
0x2ed: {  	v11 =	vand.u32 $0x72, v11;
	v12 =	vand.u32 $0xC00, v12;
	[sflag:s23] =	ssyncset.done $0x0  }
0x2ee: {  	v11 =	vor.u32 v11, v12;
	[sflag:s23] =	ssyncadd.s32 $0xFFFFE000  }
0x2ef: {  	v12 =	vor.u32 v1, v11;
	v10 =	vld.idx.msk [tilespmem:v10+s14+$0x0], $0xffff  }
0x2f0: {  	v13 =	vor.u32 s9, v6;
	_ =	sdelay $0x3  }
0x2f1: {  	[tilespmem:v12+s20+$0x0] =	vst.idx.msk $0xffff, v10  }
0x2f2: {  	(v2sf) =	vpush v9, $0xA;
	v12 =	vor.u32 v2, v11;
	v10 =	vld.idx.msk [tilespmem:v13+s14+$0x0], $0xffff  }
0x2f3: {  	v13 =	vor.u32 s9, v7;
	_ =	sdelay $0x3  }
0x2f4: {  	[tilespmem:v12+s20+$0x0] =	vst.idx.msk $0xffff, v10  }
0x2f5: {  	v12 =	vor.u32 v3, v11;
	v10 =	vld.idx.msk [tilespmem:v13+s14+$0x0], $0xffff  }
0x2f6: {  	v13 =	vor.u32 s9, v8;
	_ =	sdelay $0x3  }
0x2f7: {  	[tilespmem:v12+s20+$0x0] =	vst.idx.msk $0xffff, v10  }
0x2f8: {  	v11 =	vor.u32 v4, v11;
	v10 =	vld.idx.msk [tilespmem:v13+s14+$0x0], $0xffff;
	_ =	sdelay $0x2  }
0x2f9: {  	s9 =	spop (v2sf)  }
0x2fa: {  	s13 =	sand.u32 $0x7F, s29;
	s12 =	sand.u32 $0xFFFFF80, s9  }
0x2fb: {  	s29 =	sadd.s32 $0xFFFFFFFC, s3;
	s2 =	sadd.s32 s18, s12;
	[tilespmem:v11+s20+$0x0] =	vst.idx.msk $0xffff, v10;
	v10 =	vor.u32 s13, v0  }
0x2fc: {  	v11 =	vmov s29;
	[tilespmem:s14], [sflag:$0x3] =	stream.strided.gather [hbm4b:s2+s10], $0x2000, s4, s10, $0x38;
	[tilespmem:$0x18200] =	vst v63  }
0x2fd: {  	v12 =	vshll.u32 v11, $0x3;
	_ =	swait.ge [sflag:s24], $0x2000  }
0x2fe: {  	v11 =	vand.u32 $0x73, v11;
	v12 =	vand.u32 $0xC00, v12;
	[sflag:s24] =	ssyncset.done $0x0  }
0x2ff: {  	v11 =	vor.u32 v11, v12;
	[sflag:s24] =	ssyncadd.s32 $0xFFFFE000  }
0x300: {  	v12 =	vor.u32 v1, v11;
	v10 =	vld.idx.msk [tilespmem:v10+s15+$0x0], $0xffff  }
0x301: {  	v13 =	vor.u32 s13, v6;
	_ =	sdelay $0x3  }
0x302: {  	[tilespmem:v12+s20+$0x0] =	vst.idx.msk $0xffff, v10  }
0x303: {  	(v2sf) =	vpush v9, $0xB;
	v12 =	vor.u32 v2, v11;
	v10 =	vld.idx.msk [tilespmem:v13+s15+$0x0], $0xffff  }
0x304: {  	v13 =	vor.u32 s13, v7;
	_ =	sdelay $0x3  }
0x305: {  	[tilespmem:v12+s20+$0x0] =	vst.idx.msk $0xffff, v10  }
0x306: {  	v12 =	vor.u32 v3, v11;
	v10 =	vld.idx.msk [tilespmem:v13+s15+$0x0], $0xffff  }
0x307: {  	v13 =	vor.u32 s13, v8;
	_ =	sdelay $0x3  }
0x308: {  	[tilespmem:v12+s20+$0x0] =	vst.idx.msk $0xffff, v10  }
0x309: {  	v11 =	vor.u32 v4, v11;
	v10 =	vld.idx.msk [tilespmem:v13+s15+$0x0], $0xffff;
	_ =	sdelay $0x2  }
0x30a: {  	s29 =	spop (v2sf)  }
0x30b: {  	s12 =	sand.u32 $0x7F, s30;
	s19 =	sand.u32 $0xFFFFF80, s29  }
0x30c: {  	s30 =	sadd.s32 $0xFFFFFFFD, s3;
	s2 =	sadd.s32 s18, s19;
	[tilespmem:v11+s20+$0x0] =	vst.idx.msk $0xffff, v10;
	v10 =	vor.u32 s12, v0  }
0x30d: {  	v11 =	vmov s30;
	[tilespmem:s15], [sflag:$0x4] =	stream.strided.gather [hbm4b:s2+s10], $0x2000, s4, s10, $0x38;
	[tilespmem:$0x18200] =	vst v63  }
0x30e: {  	v12 =	vshll.u32 v11, $0x3;
	_ =	swait.ge [sflag:s25], $0x2000  }
0x30f: {  	v11 =	vand.u32 $0x74, v11;
	v12 =	vand.u32 $0xC00, v12;
	[sflag:s25] =	ssyncset.done $0x0  }
0x310: {  	v11 =	vor.u32 v11, v12;
	[sflag:s25] =	ssyncadd.s32 $0xFFFFE000  }
0x311: {  	v12 =	vor.u32 v1, v11;
	v10 =	vld.idx.msk [tilespmem:v10+s16+$0x0], $0xffff  }
0x312: {  	v13 =	vor.u32 s12, v6;
	_ =	sdelay $0x3  }
0x313: {  	[tilespmem:v12+s20+$0x0] =	vst.idx.msk $0xffff, v10  }
0x314: {  	(v2sf) =	vpush v9, $0xC;
	v12 =	vor.u32 v2, v11;
	v10 =	vld.idx.msk [tilespmem:v13+s16+$0x0], $0xffff  }
0x315: {  	v13 =	vor.u32 s12, v7;
	_ =	sdelay $0x3  }
0x316: {  	[tilespmem:v12+s20+$0x0] =	vst.idx.msk $0xffff, v10  }
0x317: {  	v12 =	vor.u32 v3, v11;
	v10 =	vld.idx.msk [tilespmem:v13+s16+$0x0], $0xffff  }
0x318: {  	v13 =	vor.u32 s12, v8;
	_ =	sdelay $0x3  }
0x319: {  	[tilespmem:v12+s20+$0x0] =	vst.idx.msk $0xffff, v10  }
0x31a: {  	v11 =	vor.u32 v4, v11;
	v10 =	vld.idx.msk [tilespmem:v13+s16+$0x0], $0xffff;
	_ =	sdelay $0x2  }
0x31b: {  	s30 =	spop (v2sf)  }
0x31c: {  	s7 =	sand.u32 $0x7F, s7;
	s13 =	sand.u32 $0xFFFFF80, s30  }
0x31d: {  	s14 =	sadd.s32 $0xFFFFFFFE, s3;
	s2 =	sadd.s32 s18, s13;
	[tilespmem:v11+s20+$0x0] =	vst.idx.msk $0xffff, v10;
	v10 =	vor.u32 s7, v0  }
0x31e: {  	v11 =	vmov s14;
	[tilespmem:s16], [sflag:$0x5] =	stream.strided.gather [hbm4b:s2+s10], $0x2000, s4, s10, $0x38;
	[tilespmem:$0x18200] =	vst v63  }
0x31f: {  	v12 =	vshll.u32 v11, $0x3;
	_ =	swait.ge [sflag:s26], $0x2000  }
0x320: {  	v11 =	vand.u32 $0x75, v11;
	v12 =	vand.u32 $0xC00, v12;
	[sflag:s26] =	ssyncset.done $0x0  }
0x321: {  	v11 =	vor.u32 v11, v12;
	[sflag:s26] =	ssyncadd.s32 $0xFFFFE000  }
0x322: {  	v12 =	vor.u32 v1, v11;
	v10 =	vld.idx.msk [tilespmem:v10+s17+$0x0], $0xffff  }
0x323: {  	v13 =	vor.u32 s7, v6;
	_ =	sdelay $0x3  }
0x324: {  	[tilespmem:v12+s20+$0x0] =	vst.idx.msk $0xffff, v10  }
0x325: {  	(v2sf) =	vpush v9, $0xD;
	v12 =	vor.u32 v2, v11;
	v10 =	vld.idx.msk [tilespmem:v13+s17+$0x0], $0xffff  }
0x326: {  	v13 =	vor.u32 s7, v7;
	_ =	sdelay $0x3  }
0x327: {  	[tilespmem:v12+s20+$0x0] =	vst.idx.msk $0xffff, v10  }
0x328: {  	v12 =	vor.u32 v3, v11;
	v10 =	vld.idx.msk [tilespmem:v13+s17+$0x0], $0xffff  }
0x329: {  	v13 =	vor.u32 s7, v8;
	_ =	sdelay $0x3  }
0x32a: {  	[tilespmem:v12+s20+$0x0] =	vst.idx.msk $0xffff, v10  }
0x32b: {  	v11 =	vor.u32 v4, v11;
	v10 =	vld.idx.msk [tilespmem:v13+s17+$0x0], $0xffff;
	_ =	sdelay $0x2  }
0x32c: {  	s7 =	spop (v2sf)  }
0x32d: {  	s16 =	sand.u32 $0x7F, s31;
	s15 =	sand.u32 $0xFFFFF80, s7  }
0x32e: {  	s31 =	sadd.s32 $0xFFFFFFFF, s3;
	s2 =	sadd.s32 s18, s15;
	[tilespmem:v11+s20+$0x0] =	vst.idx.msk $0xffff, v10;
	v10 =	vor.u32 s16, v0  }
0x32f: {  	v11 =	vmov s31;
	[tilespmem:s17], [sflag:$0x6] =	stream.strided.gather [hbm4b:s2+s10], $0x2000, s4, s10, $0x38;
	[tilespmem:$0x18200] =	vst v63  }
0x330: {  	v12 =	vshll.u32 v11, $0x3;
	_ =	swait.ge [sflag:s28], $0x2000  }
0x331: {  	v11 =	vand.u32 $0x76, v11;
	v12 =	vand.u32 $0xC00, v12;
	[sflag:s28] =	ssyncset.done $0x0  }
0x332: {  	v11 =	vor.u32 v11, v12;
	[sflag:s28] =	ssyncadd.s32 $0xFFFFE000  }
0x333: {  	v12 =	vor.u32 v1, v11;
	v10 =	vld.idx.msk [tilespmem:v10+s8+$0x0], $0xffff  }
0x334: {  	v13 =	vor.u32 s16, v6;
	_ =	sdelay $0x3  }
0x335: {  	[tilespmem:v12+s20+$0x0] =	vst.idx.msk $0xffff, v10  }
0x336: {  	(v2sf) =	vpush v9, $0xE;
	v12 =	vor.u32 v2, v11;
	v10 =	vld.idx.msk [tilespmem:v13+s8+$0x0], $0xffff  }
0x337: {  	v13 =	vor.u32 s16, v7;
	_ =	sdelay $0x3  }
0x338: {  	[tilespmem:v12+s20+$0x0] =	vst.idx.msk $0xffff, v10  }
0x339: {  	v12 =	vor.u32 v3, v11;
	v10 =	vld.idx.msk [tilespmem:v13+s8+$0x0], $0xffff  }
0x33a: {  	v13 =	vor.u32 s16, v8;
	_ =	sdelay $0x3  }
0x33b: {  	[tilespmem:v12+s20+$0x0] =	vst.idx.msk $0xffff, v10  }
0x33c: {  	v11 =	vor.u32 v4, v11;
	v10 =	vld.idx.msk [tilespmem:v13+s8+$0x0], $0xffff;
	_ =	sdelay $0x2  }
0x33d: {  	s31 =	spop (v2sf)  }
0x33e: {  	s1 =	sand.u32 $0x7F, s1;
	s17 =	sand.u32 $0xFFFFF80, s31  }
0x33f: {  	s2 =	sadd.s32 s18, s17;
	[tilespmem:v11+s20+$0x0] =	vst.idx.msk $0xffff, v10;
	v10 =	vor.u32 s1, v0  }
0x340: {  	v11 =	vmov s3;
	[tilespmem:s8], [sflag:$0x7] =	stream.strided.gather [hbm4b:s2+s10], $0x2000, s4, s10, $0x38;
	[tilespmem:$0x18200] =	vst v63  }
0x341: {  	v12 =	vshll.u32 v11, $0x3;
	_ =	swait.ge [sflag:s11], $0x2000  }
0x342: {  	v11 =	vand.u32 $0x77, v11;
	v12 =	vand.u32 $0xC00, v12;
	[sflag:s11] =	ssyncset.done $0x0  }
0x343: {  	v11 =	vor.u32 v11, v12;
	[sflag:s11] =	ssyncadd.s32 $0xFFFFE000  }
0x344: {  	v12 =	vor.u32 v1, v11;
	v10 =	vld.idx.msk [tilespmem:v10+s0+$0x0], $0xffff  }
0x345: {  	v13 =	vor.u32 s1, v6;
	_ =	sdelay $0x3  }
0x346: {  	[tilespmem:v12+s20+$0x0] =	vst.idx.msk $0xffff, v10  }
0x347: {  	(v2sf) =	vpush v9, $0xF;
	v12 =	vor.u32 v2, v11;
	v10 =	vld.idx.msk [tilespmem:v13+s0+$0x0], $0xffff  }
0x348: {  	v13 =	vor.u32 s1, v7;
	_ =	sdelay $0x3  }
0x349: {  	[tilespmem:v12+s20+$0x0] =	vst.idx.msk $0xffff, v10  }
0x34a: {  	v12 =	vor.u32 v3, v11;
	v10 =	vld.idx.msk [tilespmem:v13+s0+$0x0], $0xffff  }
0x34b: {  	v13 =	vor.u32 s1, v8;
	_ =	sdelay $0x3  }
0x34c: {  	[tilespmem:v12+s20+$0x0] =	vst.idx.msk $0xffff, v10  }
0x34d: {  	v11 =	vor.u32 v4, v11;
	v10 =	vld.idx.msk [tilespmem:v13+s0+$0x0], $0xffff  }
0x34e: {  	p0 =	sne.s32 s3, $0x1F7  }
.Ltmp0:
0x34f: {  	_ = 	snop;
	(pc) =	sbr.rel @p0 .LBB2_2-.Ltmp0, $4  }
0x350: {  	s1 =	spop (v2sf)  }
0x351: {  	s21 =	sadd.s32 $0x10, s21;
	s3 =	sadd.s32 $0x10, s3;
	s19 =	sand.u32 $0xFFFFF80, s1  }
0x352: {  	s10 =	simm.s32 $0x7A1400;
	s8 =	simm.s32 $0x400;
	s2 =	sadd.s32 s18, s19;
	[tilespmem:v11+s20+$0x0] =	vst.idx.msk $0xffff, v10  }
0x353: {  	v10 =	vmov v9;
	[tilespmem:s0], [sflag:$0x8] =	stream.strided.gather [hbm4b:s2+s8], $0x2000, s10, s8, $0x38;
	[tilespmem:$0x18200] =	vst v63  }
0x354: {  	s2 =	sand.u32 $0x7F, s5  }
0x355: {  	v9 =	vor.u32 s2, v0  }
0x356: {  	s3 =	simm.s32 $0x1  }
0x357: {  	_ =	swait.ge [sflag:s3], $0x2000  }
0x358: {  	[sflag:s3] =	ssyncset.done $0x0  }
0x359: {  	s11 =	simm.s32 $0x8200;
	[sflag:s3] =	ssyncadd.s32 $0xFFFFE000  }
0x35a: {  	v9 =	vld.idx.msk [tilespmem:v9+s11+$0x0], $0xffff  }
0x35b: {  	v10 =	vor.u32 s2, v6;
	_ =	sdelay $0x3  }
0x35c: {  	[tilespmem:v33+s20+$0x0] =	vst.idx.msk $0xffff, v9  }
0x35d: {  	v9 =	vld.idx.msk [tilespmem:v10+s11+$0x0], $0xffff  }
0x35e: {  	v10 =	vor.u32 s2, v7;
	_ =	sdelay $0x3  }
0x35f: {  	[tilespmem:v34+s20+$0x0] =	vst.idx.msk $0xffff, v9  }
0x360: {  	v9 =	vld.idx.msk [tilespmem:v10+s11+$0x0], $0xffff  }
0x361: {  	v10 =	vor.u32 s2, v8;
	_ =	sdelay $0x3  }
0x362: {  	[tilespmem:v35+s20+$0x0] =	vst.idx.msk $0xffff, v9  }
0x363: {  	v9 =	vld.idx.msk [tilespmem:v10+s11+$0x0], $0xffff;
	_ =	sdelay $0x2  }
0x364: {  	s12 =	sand.u32 $0x7F, s6  }
0x365: {  	v10 =	vor.u32 s12, v0  }
0x366: {  	s13 =	simm.s32 $0x2;
	[tilespmem:v36+s20+$0x0] =	vst.idx.msk $0xffff, v9  }
0x367: {  	_ =	swait.ge [sflag:s13], $0x2000  }
0x368: {  	[sflag:s13] =	ssyncset.done $0x0  }
0x369: {  	s14 =	simm.s32 $0xA200;
	[sflag:s13] =	ssyncadd.s32 $0xFFFFE000  }
0x36a: {  	v9 =	vld.idx.msk [tilespmem:v10+s14+$0x0], $0xffff  }
0x36b: {  	v10 =	vor.u32 s12, v6;
	_ =	sdelay $0x3  }
0x36c: {  	[tilespmem:v37+s20+$0x0] =	vst.idx.msk $0xffff, v9  }
0x36d: {  	v9 =	vld.idx.msk [tilespmem:v10+s14+$0x0], $0xffff  }
0x36e: {  	v10 =	vor.u32 s12, v7;
	_ =	sdelay $0x3  }
0x36f: {  	[tilespmem:v38+s20+$0x0] =	vst.idx.msk $0xffff, v9  }
0x370: {  	v9 =	vld.idx.msk [tilespmem:v10+s14+$0x0], $0xffff  }
0x371: {  	v10 =	vor.u32 s12, v8;
	_ =	sdelay $0x3  }
0x372: {  	[tilespmem:v39+s20+$0x0] =	vst.idx.msk $0xffff, v9  }
0x373: {  	v9 =	vld.idx.msk [tilespmem:v10+s14+$0x0], $0xffff;
	_ =	sdelay $0x2  }
0x374: {  	s15 =	sand.u32 $0x7F, s9  }
0x375: {  	v10 =	vor.u32 s15, v0  }
0x376: {  	s16 =	simm.s32 $0x3;
	[tilespmem:v40+s20+$0x0] =	vst.idx.msk $0xffff, v9  }
0x377: {  	_ =	swait.ge [sflag:s16], $0x2000  }
0x378: {  	[sflag:s16] =	ssyncset.done $0x0  }
0x379: {  	s17 =	simm.s32 $0xC200;
	[sflag:s16] =	ssyncadd.s32 $0xFFFFE000  }
0x37a: {  	v9 =	vld.idx.msk [tilespmem:v10+s17+$0x0], $0xffff  }
0x37b: {  	v10 =	vor.u32 s15, v6;
	_ =	sdelay $0x3  }
0x37c: {  	[tilespmem:v41+s20+$0x0] =	vst.idx.msk $0xffff, v9  }
0x37d: {  	v9 =	vld.idx.msk [tilespmem:v10+s17+$0x0], $0xffff  }
0x37e: {  	v10 =	vor.u32 s15, v7;
	_ =	sdelay $0x3  }
0x37f: {  	[tilespmem:v42+s20+$0x0] =	vst.idx.msk $0xffff, v9  }
0x380: {  	v9 =	vld.idx.msk [tilespmem:v10+s17+$0x0], $0xffff  }
0x381: {  	v10 =	vor.u32 s15, v8;
	_ =	sdelay $0x3  }
0x382: {  	[tilespmem:v43+s20+$0x0] =	vst.idx.msk $0xffff, v9  }
0x383: {  	v9 =	vld.idx.msk [tilespmem:v10+s17+$0x0], $0xffff;
	_ =	sdelay $0x2  }
0x384: {  	s19 =	sand.u32 $0x7F, s29  }
0x385: {  	v10 =	vor.u32 s19, v0  }
0x386: {  	s21 =	simm.s32 $0x4;
	[tilespmem:v44+s20+$0x0] =	vst.idx.msk $0xffff, v9  }
0x387: {  	_ =	swait.ge [sflag:s21], $0x2000  }
0x388: {  	[sflag:s21] =	ssyncset.done $0x0  }
0x389: {  	s29 =	simm.s32 $0xE200;
	[sflag:s21] =	ssyncadd.s32 $0xFFFFE000  }
0x38a: {  	v9 =	vld.idx.msk [tilespmem:v10+s29+$0x0], $0xffff  }
0x38b: {  	v10 =	vor.u32 s19, v6;
	_ =	sdelay $0x3  }
0x38c: {  	[tilespmem:v45+s20+$0x0] =	vst.idx.msk $0xffff, v9  }
0x38d: {  	v9 =	vld.idx.msk [tilespmem:v10+s29+$0x0], $0xffff  }
0x38e: {  	v10 =	vor.u32 s19, v7;
	_ =	sdelay $0x3  }
0x38f: {  	[tilespmem:v46+s20+$0x0] =	vst.idx.msk $0xffff, v9  }
0x390: {  	v9 =	vld.idx.msk [tilespmem:v10+s29+$0x0], $0xffff  }
0x391: {  	v10 =	vor.u32 s19, v8;
	_ =	sdelay $0x3  }
0x392: {  	[tilespmem:v47+s20+$0x0] =	vst.idx.msk $0xffff, v9  }
0x393: {  	v9 =	vld.idx.msk [tilespmem:v10+s29+$0x0], $0xffff;
	_ =	sdelay $0x2  }
0x394: {  	s0 =	sand.u32 $0x7F, s30  }
0x395: {  	v10 =	vor.u32 s0, v0  }
0x396: {  	s4 =	simm.s32 $0x5;
	[tilespmem:v48+s20+$0x0] =	vst.idx.msk $0xffff, v9  }
0x397: {  	_ =	swait.ge [sflag:s4], $0x2000  }
0x398: {  	[sflag:s4] =	ssyncset.done $0x0  }
0x399: {  	s5 =	simm.s32 $0x10200;
	[sflag:s4] =	ssyncadd.s32 $0xFFFFE000  }
0x39a: {  	v9 =	vld.idx.msk [tilespmem:v10+s5+$0x0], $0xffff  }
0x39b: {  	v10 =	vor.u32 s0, v6;
	_ =	sdelay $0x3  }
0x39c: {  	[tilespmem:v49+s20+$0x0] =	vst.idx.msk $0xffff, v9  }
0x39d: {  	v9 =	vld.idx.msk [tilespmem:v10+s5+$0x0], $0xffff  }
0x39e: {  	v10 =	vor.u32 s0, v7;
	_ =	sdelay $0x3  }
0x39f: {  	[tilespmem:v50+s20+$0x0] =	vst.idx.msk $0xffff, v9  }
0x3a0: {  	v9 =	vld.idx.msk [tilespmem:v10+s5+$0x0], $0xffff  }
0x3a1: {  	v10 =	vor.u32 s0, v8;
	_ =	sdelay $0x3  }
0x3a2: {  	[tilespmem:v51+s20+$0x0] =	vst.idx.msk $0xffff, v9  }
0x3a3: {  	v9 =	vld.idx.msk [tilespmem:v10+s5+$0x0], $0xffff;
	_ =	sdelay $0x2  }
0x3a4: {  	s6 =	sand.u32 $0x7F, s7  }
0x3a5: {  	v10 =	vor.u32 s6, v0  }
0x3a6: {  	s7 =	simm.s32 $0x6;
	[tilespmem:v52+s20+$0x0] =	vst.idx.msk $0xffff, v9  }
0x3a7: {  	_ =	swait.ge [sflag:s7], $0x2000  }
0x3a8: {  	[sflag:s7] =	ssyncset.done $0x0  }
0x3a9: {  	s9 =	simm.s32 $0x12200;
	[sflag:s7] =	ssyncadd.s32 $0xFFFFE000  }
0x3aa: {  	v9 =	vld.idx.msk [tilespmem:v10+s9+$0x0], $0xffff  }
0x3ab: {  	v10 =	vor.u32 s6, v6;
	_ =	sdelay $0x3  }
0x3ac: {  	[tilespmem:v53+s20+$0x0] =	vst.idx.msk $0xffff, v9  }
0x3ad: {  	v9 =	vld.idx.msk [tilespmem:v10+s9+$0x0], $0xffff  }
0x3ae: {  	v10 =	vor.u32 s6, v7;
	_ =	sdelay $0x3  }
0x3af: {  	[tilespmem:v54+s20+$0x0] =	vst.idx.msk $0xffff, v9  }
0x3b0: {  	v9 =	vld.idx.msk [tilespmem:v10+s9+$0x0], $0xffff  }
0x3b1: {  	v10 =	vor.u32 s6, v8;
	_ =	sdelay $0x3  }
0x3b2: {  	[tilespmem:v55+s20+$0x0] =	vst.idx.msk $0xffff, v9  }
0x3b3: {  	v9 =	vld.idx.msk [tilespmem:v10+s9+$0x0], $0xffff;
	_ =	sdelay $0x2  }
0x3b4: {  	s11 =	sand.u32 $0x7F, s31  }
0x3b5: {  	v10 =	vor.u32 s11, v0  }
0x3b6: {  	s12 =	simm.s32 $0x7;
	[tilespmem:v56+s20+$0x0] =	vst.idx.msk $0xffff, v9  }
0x3b7: {  	_ =	swait.ge [sflag:s12], $0x2000  }
0x3b8: {  	[sflag:s12] =	ssyncset.done $0x0  }
0x3b9: {  	s13 =	simm.s32 $0x14200;
	[sflag:s12] =	ssyncadd.s32 $0xFFFFE000  }
0x3ba: {  	v9 =	vld.idx.msk [tilespmem:v10+s13+$0x0], $0xffff  }
0x3bb: {  	v10 =	vor.u32 s11, v6;
	_ =	sdelay $0x3  }
0x3bc: {  	[tilespmem:v57+s20+$0x0] =	vst.idx.msk $0xffff, v9  }
0x3bd: {  	v9 =	vld.idx.msk [tilespmem:v10+s13+$0x0], $0xffff  }
0x3be: {  	v10 =	vor.u32 s11, v7;
	_ =	sdelay $0x3  }
0x3bf: {  	[tilespmem:v58+s20+$0x0] =	vst.idx.msk $0xffff, v9  }
0x3c0: {  	v9 =	vld.idx.msk [tilespmem:v10+s13+$0x0], $0xffff  }
0x3c1: {  	v10 =	vor.u32 s11, v8;
	_ =	sdelay $0x3  }
0x3c2: {  	[tilespmem:v59+s20+$0x0] =	vst.idx.msk $0xffff, v9  }
0x3c3: {  	v9 =	vld.idx.msk [tilespmem:v10+s13+$0x0], $0xffff;
	_ =	sdelay $0x2  }
0x3c4: {  	s1 =	sand.u32 $0x7F, s1  }
0x3c5: {  	v10 =	vor.u32 s1, v0  }
0x3c6: {  	s14 =	simm.s32 $0x8;
	[tilespmem:v60+s20+$0x0] =	vst.idx.msk $0xffff, v9  }
0x3c7: {  	_ =	swait.ge [sflag:s14], $0x2000  }
0x3c8: {  	[sflag:s14] =	ssyncset.done $0x0  }
0x3c9: {  	s0 =	simm.s32 $0x16200;
	[sflag:s14] =	ssyncadd.s32 $0xFFFFE000  }
0x3ca: {  	v9 =	vld.idx.msk [tilespmem:v10+s0+$0x0], $0xffff  }
0x3cb: {  	v10 =	vor.u32 s1, v6;
	_ =	sdelay $0x3  }
0x3cc: {  	[tilespmem:v61+s20+$0x0] =	vst.idx.msk $0xffff, v9  }
0x3cd: {  	v9 =	vld.idx.msk [tilespmem:v10+s0+$0x0], $0xffff  }
0x3ce: {  	v10 =	vor.u32 s1, v7;
	_ =	sdelay $0x3  }
0x3cf: {  	[tilespmem:v62+s20+$0x0] =	vst.idx.msk $0xffff, v9  }
0x3d0: {  	v9 =	vld.idx.msk [tilespmem:v10+s0+$0x0], $0xffff  }
0x3d1: {  	v10 =	vor.u32 s1, v8;
	_ =	sdelay $0x3  }
0x3d2: {  	[tilespmem:v63+s20+$0x0] =	vst.idx.msk $0xffff, v9  }
0x3d3: {  	v9 =	vld.idx.msk [tilespmem:v10+s0+$0x0], $0xffff;
	_ =	sdelay $0x4  }
0x3d4: {  	s16 =	simm.s32 $0x1000;
	s17 =	simm.s32 $0x20000;
	s15 =	rddreg [dreg:$0x6];
	[tilespmem:v5+s20+$0x0] =	vst.idx.msk $0xffff, v9  }
0x3d5: {  	[hbm4b:s15+s16] =	stream.strided.scatter [tilespmem:s20], [sflag:$0x9], $0x8000, s17, s16, $0x38;
	[tilespmem:$0x18200] =	vst v63  }
0x3d6: {  	s21 =	simm.s32 $0x9;
	s19 =	rddreg [dreg:$0x7]  }
0x3d7: {  	[hbm4b:s19+s16] =	stream.strided.scatter [tilespmem:s20], [sflag:$0xA], $0x8000, s17, s16, $0x38;
	[tilespmem:$0x18200] =	vst v63  }
0x3d8: {  	_ =	swait.ge [sflag:s21], $0x8000  }
0x3d9: {  	[sflag:s21] =	ssyncset.done $0x0  }
0x3da: {  	s29 =	simm.s32 $0xA;
	[sflag:s21] =	ssyncadd.s32 $0xFFFF8000  }
0x3db: {  	_ =	swait.ge [sflag:s29], $0x8000  }
0x3dc: {  	s30 =	rddreg [dreg:$0x9]  }
0x3dd: {  	s31 =	rddreg [dreg:$0x8];
	s2 =	sadd.s32 $0x1, s30  }
0x3de: {  	p0 =	sne.s32 s2, s31  }
.Ltmp1:
0x3df: {  	_ = 	snop;
	(pc) =	sbr.rel @p0 .LBB2_1-.Ltmp1, $3  }
0x3e0: {  	_ =	sdelay $0x1  }
0x3e1: {  	[sflag:s29] =	ssyncset.done $0x0  }
0x3e2: {  	[sflag:s29] =	ssyncadd.s32 $0xFFFF8000  }
0x3e3: {  	_ =	sfence.sel $0x180000  }
0x3e4: {  	[bflag:$0x0] =	sbarrier.arrive $0xFFFF  }
0x3e5: {  	_ =	strace $0x90000047  }
0x3e6: {  	s0 =	stileid.u32;
	[bflag:$0x2] =	sbarrier.arrive $0xFFFF  }
0x3e7: {  	p0 =	sne.s32 s0, $0x0;
	s0 =	rddreg [dreg:$0x4]  }
0x3e8: {  	s0 =	sadd.s32 @!p0 $0x100000, s0  }
0x3e9: {  	[sflag:s0] =	ssyncadd.tile.s32 @!p0 $0x1;
	_ =	shalt  }
.Lfunc_end2:
_tile_overlayer_lowered:
.L_overlay_start_2:
0x3ea: {  	(tag) =	ssettag $0x2  }
0x3eb: {  	s0 =	rddreg [dreg:$0x0];
	s2 =	stileid.u32  }
0x3ec: {  	s1 =	rddreg [dreg:$0x1];
	p0 =	sne.s32 s2, $0x0  }
0x3ed: {  	s3 =	rddreg [dreg:$0x2];
	[bflag:$0x3] =	sbarrier.arrive $0xFFFF;
	s2 =	simm.s32 @!p0 $0x1C0B  }
0x3ee: {  	[timem:s3], [sflag:s2] =	dma.local @!p0 [hbm:s0], s1  }
0x3ef: {  	s0 =	simm.s32 @!p0 $0xB  }
0x3f0: {  	_ =	swait.ge @!p0 [sflag:s0], s1  }
0x3f1: {  	s1 =	ssub.s32 @!p0 $0x0, s1;
	[sflag:s0] =	ssyncset.done @!p0 $0x0  }
0x3f2: {  	[sflag:s0] =	ssyncadd.s32 @!p0 s1  }
0x3f3: {  	[bflag:$0x3] =	sbarrier.arrive $0xFFFF  }
0x3f4: {  	_ =	shalt  }

</sc_bundles>
